<compile_context>
chip_gen: v7x
topology: tpu7x:2x2x1
jax: 0.10.2.dev20260603
libtpu: 0.0.44.dev20260713+nightly
codegen_flags: <defaults>
</compile_context>

<pallas_src>
import functools

import jax
import jax.numpy as jnp
from jax import lax
from jax.experimental import pallas as pl
from jax.experimental.pallas import tpu as pltpu
from jax.experimental.pallas import tpu_sc as plsc

R, C = 4096, 200
N = R * C
L = 16
NC, NS = 2, 16
NW = NC * NS
CPW = N // NW
TPW = CPW // L
ROWS_PW = R // NW
IGNORE = -1.0


def _count_body(x_ref, out_ref):
    run = jnp.int32(0)
    out_ref[0] = run
    for w in range(NW):
        blk = x_ref[w * ROWS_PW : (w + 1) * ROWS_PW, :]
        run = run + jnp.sum((blk != IGNORE).astype(jnp.int32))
        out_ref[w + 1] = run


def _prefix(x):
    return pl.pallas_call(
        _count_body,
        out_specs=pl.BlockSpec(memory_space=pltpu.SMEM),
        out_shape=jax.ShapeDtypeStruct((48,), jnp.int32),
    )(x)


def _gather16(x, idx):
    return x.at[idx].get(mode="promise_in_bounds")


def _cumsum16(x, lane):
    s = x
    for k in (1, 2, 4, 8):
        sh = _gather16(s, jnp.maximum(lane - k, 0))
        s = s + jnp.where(lane >= k, sh, 0)
    return s


def _mult8(x):
    return pl.multiple_of(x, 8)


SBUF = CPW + 32


@functools.partial(
    pl.kernel,
    mesh=plsc.VectorSubcoreMesh(core_axis_name="c", subcore_axis_name="s"),
    out_type=[
        jax.ShapeDtypeStruct((N,), jnp.float32),
        jax.ShapeDtypeStruct((N,), jnp.int32),
        jax.ShapeDtypeStruct((N,), jnp.int32),
    ],
    scratch_types=[
        pltpu.VMEM((CPW,), jnp.float32),
        pltpu.VMEM((SBUF,), jnp.float32),
        pltpu.VMEM((SBUF,), jnp.int32),
        pltpu.VMEM((SBUF,), jnp.int32),
        pltpu.VMEM((48,), jnp.int32),
        pltpu.SemaphoreType.DMA,
    ],
    compiler_params=pltpu.CompilerParams(
        needs_layout_passes=False, vmem_limit_bytes=65536),
)
def _transform(x_hbm, pref_hbm, val_hbm, rows_hbm, cols_hbm,
               chunk, vbuf, rbuf, cbuf, pref, sem):
    wid = lax.axis_index("s") * NC + lax.axis_index("c")
    base_elem = _mult8(wid * CPW)

    pltpu.sync_copy(pref_hbm, pref)
    lane = lax.iota(jnp.int32, L)
    K = pref[2 * L : 3 * L][0]

    @pl.when(K == N)
    def _fast():
        cin = pltpu.async_copy(x_hbm.at[pl.ds(base_elem, CPW)], chunk, sem)

        def body(t, carry):
            rows, cols = carry
            j = t * L
            rbuf[pl.ds(j, L)] = rows
            cbuf[pl.ds(j, L)] = cols
            cols2 = cols + L
            wrap = cols2 >= C
            return rows + wrap.astype(jnp.int32), jnp.where(wrap, cols2 - C, cols2)

        lax.fori_loop(0, TPW, body,
                      (jnp.broadcast_to(wid * ROWS_PW, (L,)), lane))
        cin.wait()
        c1 = pltpu.async_copy(chunk, val_hbm.at[pl.ds(base_elem, CPW)], sem)
        c2 = pltpu.async_copy(rbuf.at[pl.ds(0, CPW)],
                              rows_hbm.at[pl.ds(base_elem, CPW)], sem)
        c3 = pltpu.async_copy(cbuf.at[pl.ds(0, CPW)],
                              cols_hbm.at[pl.ds(base_elem, CPW)], sem)
        c1.wait()
        c2.wait()
        c3.wait()

    @pl.when(jnp.logical_and(K != N, wid == 0))
    def _slow():
        pltpu.sync_copy(x_hbm.at[pl.ds(0, L)], chunk.at[pl.ds(0, L)])
        padv = jnp.broadcast_to(chunk[0:L][0], (L,))
        zerov = jnp.zeros((L,), jnp.int32)

        def flush(fill, flushed):
            nbig = fill >> 10

            def fbig(i, _):
                src = _mult8(i * 1024)
                dst = _mult8(flushed + i * 1024)
                pltpu.sync_copy(vbuf.at[pl.ds(src, 1024)],
                                val_hbm.at[pl.ds(dst, 1024)])
                pltpu.sync_copy(rbuf.at[pl.ds(src, 1024)],
                                rows_hbm.at[pl.ds(dst, 1024)])
                pltpu.sync_copy(cbuf.at[pl.ds(src, 1024)],
                                cols_hbm.at[pl.ds(dst, 1024)])
                return 0

            lax.fori_loop(0, nbig, fbig, 0)
            base8 = nbig << 10
            nsm = (fill - base8) >> 3

            def fsm(i, _):
                src = _mult8(base8 + i * 8)
                dst = _mult8(flushed + base8 + i * 8)
                pltpu.sync_copy(vbuf.at[pl.ds(src, 8)],
                                val_hbm.at[pl.ds(dst, 8)])
                pltpu.sync_copy(rbuf.at[pl.ds(src, 8)],
                                rows_hbm.at[pl.ds(dst, 8)])
                pltpu.sync_copy(cbuf.at[pl.ds(src, 8)],
                                cols_hbm.at[pl.ds(dst, 8)])
                return 0

            lax.fori_loop(0, nsm, fsm, 0)
            done = _mult8((fill >> 3) << 3)
            tv = vbuf[pl.ds(done, L)]
            tr = rbuf[pl.ds(done, L)]
            tc = cbuf[pl.ds(done, L)]
            vbuf[0:L] = tv
            rbuf[0:L] = tr
            cbuf[0:L] = tc
            return fill - done, flushed + done

        def chunk_body(ch, carry):
            fill, flushed = carry
            pltpu.sync_copy(x_hbm.at[pl.ds(_mult8(ch * CPW), CPW)], chunk)
            rows0 = jnp.broadcast_to(ch * ROWS_PW, (L,))

            def body(t, c2):
                fill, rows, cols = c2
                v = chunk[pl.ds(t * L, L)]
                m = v != IGNORE
                mi = m.astype(jnp.int32)
                incl = _cumsum16(mi, lane)
                dstv = fill + (incl - mi)
                plsc.store_scatter(vbuf, [dstv], v, mask=m)
                plsc.store_scatter(rbuf, [dstv], rows, mask=m)
                plsc.store_scatter(cbuf, [dstv], cols, mask=m)
                cols2 = cols + L
                wrap = cols2 >= C
                return (fill + incl[15], rows + wrap.astype(jnp.int32),
                        jnp.where(wrap, cols2 - C, cols2))

            fill, _, _ = lax.fori_loop(0, TPW, body, (fill, rows0, lane))
            return flush(fill, flushed)

        fill, flushed = lax.fori_loop(
            0, NW, chunk_body, (jnp.int32(0), jnp.int32(0)))

        padlen = N - K
        hv = jnp.minimum(padlen, (8 - (fill & 7)) & 7)
        plsc.store_scatter(vbuf, [fill + lane], padv, mask=lane < hv)
        plsc.store_scatter(rbuf, [fill + lane], zerov, mask=lane < hv)
        plsc.store_scatter(cbuf, [fill + lane], zerov, mask=lane < hv)
        fill, flushed = flush(fill + hv, flushed)

        for q in range(64):
            sl = slice(q * L, (q + 1) * L)
            vbuf[sl] = padv
            rbuf[sl] = zerov
            cbuf[sl] = zerov

        rem = N - flushed

        def cbig(i, _):
            dst = _mult8(flushed + i * 1024)
            pltpu.sync_copy(vbuf.at[pl.ds(0, 1024)],
                            val_hbm.at[pl.ds(dst, 1024)])
            pltpu.sync_copy(rbuf.at[pl.ds(0, 1024)],
                            rows_hbm.at[pl.ds(dst, 1024)])
            pltpu.sync_copy(cbuf.at[pl.ds(0, 1024)],
                            cols_hbm.at[pl.ds(dst, 1024)])
            return 0

        lax.fori_loop(0, rem >> 10, cbig, 0)
        done = (rem >> 10) << 10

        def csm(i, _):
            dst = _mult8(flushed + done + i * 8)
            pltpu.sync_copy(vbuf.at[pl.ds(0, 8)], val_hbm.at[pl.ds(dst, 8)])
            pltpu.sync_copy(rbuf.at[pl.ds(0, 8)], rows_hbm.at[pl.ds(dst, 8)])
            pltpu.sync_copy(cbuf.at[pl.ds(0, 8)], cols_hbm.at[pl.ds(dst, 8)])
            return 0

        lax.fori_loop(0, (rem - done) >> 3, csm, 0)


def kernel(inputs):
    prefix = _prefix(inputs)
    values, rows, cols = _transform(inputs.reshape(N), prefix)
    indices = jnp.stack([rows, cols], axis=1)
    dense_shape = jnp.array([R, C], dtype=jnp.int32)
    return indices, values, dense_shape

# --- scband reference (transcript-rebuilt; emitter-appended) ---
"""Pipeline reference for scband-to-sparse-69123203662498 (READ-ONLY COPY).

The authoritative reference and input builder live on the scoring server;
editing this copy changes nothing except your own understanding.
"""

import jax, jax.numpy as jnp
import numpy as np


def setup_inputs(seed: int = 0) -> dict:
    key = jax.random.key(seed)
    inputs = jax.random.normal(key, (4096, 200), dtype=jnp.float32)
    return {"inputs": inputs}


def reference(inputs):
    # Faithful translation of _to_sparse_input_and_drop_ignore_values:
    # dense -> SparseTensor(indices, values, dense_shape), dropping entries equal
    # to the ignore_value (for non-string dtypes the default ignore_value is -1,
    # cast to the input dtype -> -1.0 for float32).
    ignore_value = jnp.asarray(-1.0, dtype=inputs.dtype)
    mask = jnp.not_equal(inputs, ignore_value)
    total = inputs.size
    # Static-size nonzero for jit compatibility; padded slots point at (0, 0).
    rows, cols = jnp.nonzero(mask, size=total, fill_value=0)
    indices = jnp.stack([rows, cols], axis=1).astype(jnp.int64)
    values = inputs[rows, cols]
    dense_shape = jnp.asarray(inputs.shape, dtype=jnp.int64)
    return indices, values, dense_shape

if __name__ == "__main__":
    import jax
    _d = setup_inputs()
    print(jax.jit(kernel)(*tuple(_d.values())))

</pallas_src>

<mosaic_0001>
#map = affine_map<(d0, d1) -> (0)>
module attributes {stable_mosaic.version = 14 : i64} {
  func.func @_transform(%arg0: i32, %arg1: i32, %arg2: memref<819200xf32, #tpu.memory_space<hbm>>, %arg3: memref<48xi32, #tpu.memory_space<hbm>>, %arg4: memref<819200xf32, #tpu.memory_space<hbm>>, %arg5: memref<819200xi32, #tpu.memory_space<hbm>>, %arg6: memref<819200xi32, #tpu.memory_space<hbm>>, %arg7: memref<25600xf32, #tpu.memory_space<vmem>>, %arg8: memref<25632xf32, #tpu.memory_space<vmem>>, %arg9: memref<25632xi32, #tpu.memory_space<vmem>>, %arg10: memref<25632xi32, #tpu.memory_space<vmem>>, %arg11: memref<48xi32, #tpu.memory_space<vmem>>, %arg12: memref<!tpu.dma_semaphore, #tpu.memory_space<semaphore_mem>>) attributes {dimension_semantics = [#tpu.dimension_semantics<core_parallel>, #tpu.dimension_semantics<subcore_parallel>], iteration_bounds = array<i64: 2, 16>, scalar_prefetch = 0 : i64, scratch_operands = 6 : i64, tpu.core_type = #tpu.core_type<sc_vector_subcore>, window_params = [{transform_indices = #map}, {transform_indices = #map}, {transform_indices = #map}, {transform_indices = #map}, {transform_indices = #map}]} {
    %mul3A = arith.constant 2 : i32
    %mul3A_0 = arith.muli %arg1, %mul3A : i32
    %add3A = arith.addi %mul3A_0, %arg0 : i32
    %mul3A_1 = arith.constant 25600 : i32
    %mul3A_2 = arith.muli %add3A, %mul3A_1 : i32
    %multiple_of3A = tpu.assume_multiple %mul3A_2, 8 : i32
    "tpu.region"() ({
      %run_scoped3A = tpu.sem_alloc : memref<!tpu.dma_semaphore, #tpu.memory_space<semaphore_mem>>
      tpu.enqueue_dma source(%arg3 : memref<48xi32, #tpu.memory_space<hbm>>) target(%arg11 : memref<48xi32, #tpu.memory_space<vmem>>) target_semaphore(%run_scoped3A : memref<!tpu.dma_semaphore, #tpu.memory_space<semaphore_mem>>)
      tpu.wait_dma2 semaphore(%run_scoped3A : memref<!tpu.dma_semaphore, #tpu.memory_space<semaphore_mem>>) src(%arg3 : memref<48xi32, #tpu.memory_space<hbm>>) dst(%arg11 : memref<48xi32, #tpu.memory_space<vmem>>)
      tpu.yield
    }) : () -> ()
    %iota3A = tpu.iota {dimensions = array<i32: 0>} : vector<16xi32>
    %get3A = arith.constant 32 : index
    %get3A_3 = tpu.vector_load %arg11[%get3A] {strides = array<i32>} : memref<48xi32, #tpu.memory_space<vmem>>, vector<16xi32>,
    %slice3A = vector.extract_strided_slice %get3A_3 {offsets = [0], sizes = [1], strides = [1]} : vector<16xi32> to vector<1xi32>
    %squeeze3A = vector.extract %slice3A[0] : i32 from vector<1xi32>
    %eq3A = arith.constant 819200 : i32
    %eq3A_4 = arith.cmpi eq, %squeeze3A, %eq3A : i32
    %convert_element_type3A = arith.extui %eq3A_4 : i1 to i32
    %cond3A = arith.constant 0 : i32
    %cond3A_5 = arith.cmpi ne, %convert_element_type3A, %cond3A : i32
    scf.if %cond3A_5 {
      %dma_start3A = tpu.memref_slice %arg2[%multiple_of3A] : memref<819200xf32, #tpu.memory_space<hbm>> -> memref<25600xf32, #tpu.memory_space<hbm>>
      %dma_start3A_12 = tpu.memref_slice %arg2[%multiple_of3A] : memref<819200xf32, #tpu.memory_space<hbm>> -> memref<25600xf32, #tpu.memory_space<hbm>>
      tpu.enqueue_dma source(%dma_start3A_12 : memref<25600xf32, #tpu.memory_space<hbm>>) target(%arg7 : memref<25600xf32, #tpu.memory_space<vmem>>) target_semaphore(%arg12 : memref<!tpu.dma_semaphore, #tpu.memory_space<semaphore_mem>>)
      %mul3A_13 = arith.constant 128 : i32
      %mul3A_14 = arith.muli %add3A, %mul3A_13 : i32
      %broadcast_in_dim3A = vector.broadcast %mul3A_14 : i32 to vector<16xi32>
      %scan3A = arith.constant 0 : i32
      %scan3A_15 = arith.constant 1600 : i32
      %scan3A_16 = arith.addi %scan3A, %scan3A_15 : i32
      %scan3A_17 = arith.constant 1 : i32
      %scan3A_18:2 = scf.for %scan3A_49 = %scan3A to %scan3A_16 step %scan3A_17 iter_args(%scan3A_50 = %broadcast_in_dim3A, %scan3A_51 = %iota3A) -> (vector<16xi32>, vector<16xi32>)  : i32 {
        %mul3A_52 = arith.constant 16 : i32
        %mul3A_53 = arith.muli %scan3A_49, %mul3A_52 : i32
        %swap3A = arith.index_cast %mul3A_53 : i32 to index
        %swap3A_54 = tpu.vector_load %arg9[%swap3A] {strides = array<i32>} : memref<25632xi32, #tpu.memory_space<vmem>>, vector<16xi32>,
        tpu.vector_store %arg9[%swap3A], %scan3A_50 {strides = array<i32>} : memref<25632xi32, #tpu.memory_space<vmem>>, vector<16xi32>,
        %swap3A_55 = arith.index_cast %mul3A_53 : i32 to index
        %swap3A_56 = tpu.vector_load %arg10[%swap3A_55] {strides = array<i32>} : memref<25632xi32, #tpu.memory_space<vmem>>, vector<16xi32>,
        tpu.vector_store %arg10[%swap3A_55], %scan3A_51 {strides = array<i32>} : memref<25632xi32, #tpu.memory_space<vmem>>, vector<16xi32>,
        %add3A_57 = arith.constant 16 : i32
        %add3A_58 = vector.broadcast %add3A_57 : i32 to vector<16xi32>
        %add3A_59 = arith.addi %scan3A_51, %add3A_58 : vector<16xi32>
        %ge3A = arith.constant 200 : i32
        %ge3A_60 = vector.broadcast %ge3A : i32 to vector<16xi32>
        %ge3A_61 = arith.cmpi sge, %add3A_59, %ge3A_60 : vector<16xi32>
        %convert_element_type3A_62 = arith.extui %ge3A_61 : vector<16xi1> to vector<16xi32>
        %add3A_63 = arith.addi %scan3A_50, %convert_element_type3A_62 : vector<16xi32>
        %sub3A = arith.constant 200 : i32
        %sub3A_64 = vector.broadcast %sub3A : i32 to vector<16xi32>
        %sub3A_65 = arith.subi %add3A_59, %sub3A_64 : vector<16xi32>
        %select_n3A = arith.select %ge3A_61, %sub3A_65, %add3A_59 : vector<16xi1>, vector<16xi32>
        scf.yield %add3A_63, %select_n3A : vector<16xi32>, vector<16xi32>
      }
      %scan3A_19 = arith.constant 1600 : i32
      %dma_wait3A = tpu.memref_slice %arg2[%multiple_of3A] : memref<819200xf32, #tpu.memory_space<hbm>> -> memref<25600xf32, #tpu.memory_space<hbm>>
      %dma_wait3A_20 = tpu.memref_slice %arg2[%multiple_of3A] : memref<819200xf32, #tpu.memory_space<hbm>> -> memref<25600xf32, #tpu.memory_space<hbm>>
      tpu.wait_dma2 semaphore(%arg12 : memref<!tpu.dma_semaphore, #tpu.memory_space<semaphore_mem>>) src(%dma_wait3A_20 : memref<25600xf32, #tpu.memory_space<hbm>>) dst(%arg7 : memref<25600xf32, #tpu.memory_space<vmem>>)
      %dma_start3A_21 = tpu.memref_slice %arg4[%multiple_of3A] : memref<819200xf32, #tpu.memory_space<hbm>> -> memref<25600xf32, #tpu.memory_space<hbm>>
      %dma_start3A_22 = tpu.memref_slice %arg4[%multiple_of3A] : memref<819200xf32, #tpu.memory_space<hbm>> -> memref<25600xf32, #tpu.memory_space<hbm>>
      tpu.enqueue_dma source(%arg7 : memref<25600xf32, #tpu.memory_space<vmem>>) target(%dma_start3A_22 : memref<25600xf32, #tpu.memory_space<hbm>>) target_semaphore(%arg12 : memref<!tpu.dma_semaphore, #tpu.memory_space<semaphore_mem>>)
      %dma_start3A_23 = arith.constant 0 : i32
      %dma_start3A_24 = tpu.memref_slice %arg9[%dma_start3A_23] : memref<25632xi32, #tpu.memory_space<vmem>> -> memref<25600xi32, #tpu.memory_space<vmem>>
      %dma_start3A_25 = tpu.memref_slice %arg5[%multiple_of3A] : memref<819200xi32, #tpu.memory_space<hbm>> -> memref<25600xi32, #tpu.memory_space<hbm>>
      %dma_start3A_26 = tpu.memref_slice %arg5[%multiple_of3A] : memref<819200xi32, #tpu.memory_space<hbm>> -> memref<25600xi32, #tpu.memory_space<hbm>>
      %dma_start3A_27 = arith.constant 0 : i32
      %dma_start3A_28 = tpu.memref_slice %arg9[%dma_start3A_27] : memref<25632xi32, #tpu.memory_space<vmem>> -> memref<25600xi32, #tpu.memory_space<vmem>>
      tpu.enqueue_dma source(%dma_start3A_28 : memref<25600xi32, #tpu.memory_space<vmem>>) target(%dma_start3A_26 : memref<25600xi32, #tpu.memory_space<hbm>>) target_semaphore(%arg12 : memref<!tpu.dma_semaphore, #tpu.memory_space<semaphore_mem>>)
      %dma_start3A_29 = arith.constant 0 : i32
      %dma_start3A_30 = tpu.memref_slice %arg10[%dma_start3A_29] : memref<25632xi32, #tpu.memory_space<vmem>> -> memref<25600xi32, #tpu.memory_space<vmem>>
      %dma_start3A_31 = tpu.memref_slice %arg6[%multiple_of3A] : memref<819200xi32, #tpu.memory_space<hbm>> -> memref<25600xi32, #tpu.memory_space<hbm>>
      %dma_start3A_32 = tpu.memref_slice %arg6[%multiple_of3A] : memref<819200xi32, #tpu.memory_space<hbm>> -> memref<25600xi32, #tpu.memory_space<hbm>>
      %dma_start3A_33 = arith.constant 0 : i32
      %dma_start3A_34 = tpu.memref_slice %arg10[%dma_start3A_33] : memref<25632xi32, #tpu.memory_space<vmem>> -> memref<25600xi32, #tpu.memory_space<vmem>>
      tpu.enqueue_dma source(%dma_start3A_34 : memref<25600xi32, #tpu.memory_space<vmem>>) target(%dma_start3A_32 : memref<25600xi32, #tpu.memory_space<hbm>>) target_semaphore(%arg12 : memref<!tpu.dma_semaphore, #tpu.memory_space<semaphore_mem>>)
      %dma_wait3A_35 = tpu.memref_slice %arg4[%multiple_of3A] : memref<819200xf32, #tpu.memory_space<hbm>> -> memref<25600xf32, #tpu.memory_space<hbm>>
      %dma_wait3A_36 = tpu.memref_slice %arg4[%multiple_of3A] : memref<819200xf32, #tpu.memory_space<hbm>> -> memref<25600xf32, #tpu.memory_space<hbm>>
      tpu.wait_dma2 semaphore(%arg12 : memref<!tpu.dma_semaphore, #tpu.memory_space<semaphore_mem>>) src(%arg7 : memref<25600xf32, #tpu.memory_space<vmem>>) dst(%dma_wait3A_36 : memref<25600xf32, #tpu.memory_space<hbm>>)
      %dma_wait3A_37 = arith.constant 0 : i32
      %dma_wait3A_38 = tpu.memref_slice %arg9[%dma_wait3A_37] : memref<25632xi32, #tpu.memory_space<vmem>> -> memref<25600xi32, #tpu.memory_space<vmem>>
      %dma_wait3A_39 = tpu.memref_slice %arg5[%multiple_of3A] : memref<819200xi32, #tpu.memory_space<hbm>> -> memref<25600xi32, #tpu.memory_space<hbm>>
      %dma_wait3A_40 = tpu.memref_slice %arg5[%multiple_of3A] : memref<819200xi32, #tpu.memory_space<hbm>> -> memref<25600xi32, #tpu.memory_space<hbm>>
      %dma_wait3A_41 = arith.constant 0 : i32
      %dma_wait3A_42 = tpu.memref_slice %arg9[%dma_wait3A_41] : memref<25632xi32, #tpu.memory_space<vmem>> -> memref<25600xi32, #tpu.memory_space<vmem>>
      tpu.wait_dma2 semaphore(%arg12 : memref<!tpu.dma_semaphore, #tpu.memory_space<semaphore_mem>>) src(%dma_wait3A_42 : memref<25600xi32, #tpu.memory_space<vmem>>) dst(%dma_wait3A_40 : memref<25600xi32, #tpu.memory_space<hbm>>)
      %dma_wait3A_43 = arith.constant 0 : i32
      %dma_wait3A_44 = tpu.memref_slice %arg10[%dma_wait3A_43] : memref<25632xi32, #tpu.memory_space<vmem>> -> memref<25600xi32, #tpu.memory_space<vmem>>
      %dma_wait3A_45 = tpu.memref_slice %arg6[%multiple_of3A] : memref<819200xi32, #tpu.memory_space<hbm>> -> memref<25600xi32, #tpu.memory_space<hbm>>
      %dma_wait3A_46 = tpu.memref_slice %arg6[%multiple_of3A] : memref<819200xi32, #tpu.memory_space<hbm>> -> memref<25600xi32, #tpu.memory_space<hbm>>
      %dma_wait3A_47 = arith.constant 0 : i32
      %dma_wait3A_48 = tpu.memref_slice %arg10[%dma_wait3A_47] : memref<25632xi32, #tpu.memory_space<vmem>> -> memref<25600xi32, #tpu.memory_space<vmem>>
      tpu.wait_dma2 semaphore(%arg12 : memref<!tpu.dma_semaphore, #tpu.memory_space<semaphore_mem>>) src(%dma_wait3A_48 : memref<25600xi32, #tpu.memory_space<vmem>>) dst(%dma_wait3A_46 : memref<25600xi32, #tpu.memory_space<hbm>>)
    } else {
    }
    %ne3A = arith.constant 819200 : i32
    %ne3A_6 = arith.cmpi ne, %squeeze3A, %ne3A : i32
    %eq3A_7 = arith.constant 0 : i32
    %eq3A_8 = arith.cmpi eq, %add3A, %eq3A_7 : i32
    %and3A = arith.andi %ne3A_6, %eq3A_8 : i1
    %convert_element_type3A_9 = arith.extui %and3A : i1 to i32
    %cond3A_10 = arith.constant 0 : i32
    %cond3A_11 = arith.cmpi ne, %convert_element_type3A_9, %cond3A_10 : i32
    scf.if %cond3A_11 {
      "tpu.region"() ({
        %run_scoped3A = tpu.sem_alloc : memref<!tpu.dma_semaphore, #tpu.memory_space<semaphore_mem>>
        %dma_start3A = arith.constant 0 : i32
        %dma_start3A_509 = tpu.memref_slice %arg7[%dma_start3A] : memref<25600xf32, #tpu.memory_space<vmem>> -> memref<16xf32, #tpu.memory_space<vmem>>
        %dma_start3A_510 = arith.constant 0 : i32
        %dma_start3A_511 = tpu.memref_slice %arg2[%dma_start3A_510] : memref<819200xf32, #tpu.memory_space<hbm>> -> memref<16xf32, #tpu.memory_space<hbm>>
        %dma_start3A_512 = arith.constant 0 : i32
        %dma_start3A_513 = tpu.memref_slice %arg7[%dma_start3A_512] : memref<25600xf32, #tpu.memory_space<vmem>> -> memref<16xf32, #tpu.memory_space<vmem>>
        %dma_start3A_514 = arith.constant 0 : i32
        %dma_start3A_515 = tpu.memref_slice %arg2[%dma_start3A_514] : memref<819200xf32, #tpu.memory_space<hbm>> -> memref<16xf32, #tpu.memory_space<hbm>>
        tpu.enqueue_dma source(%dma_start3A_515 : memref<16xf32, #tpu.memory_space<hbm>>) target(%dma_start3A_513 : memref<16xf32, #tpu.memory_space<vmem>>) target_semaphore(%run_scoped3A : memref<!tpu.dma_semaphore, #tpu.memory_space<semaphore_mem>>)
        %dma_wait3A = arith.constant 0 : i32
        %dma_wait3A_516 = tpu.memref_slice %arg7[%dma_wait3A] : memref<25600xf32, #tpu.memory_space<vmem>> -> memref<16xf32, #tpu.memory_space<vmem>>
        %dma_wait3A_517 = arith.constant 0 : i32
        %dma_wait3A_518 = tpu.memref_slice %arg2[%dma_wait3A_517] : memref<819200xf32, #tpu.memory_space<hbm>> -> memref<16xf32, #tpu.memory_space<hbm>>
        %dma_wait3A_519 = arith.constant 0 : i32
        %dma_wait3A_520 = tpu.memref_slice %arg7[%dma_wait3A_519] : memref<25600xf32, #tpu.memory_space<vmem>> -> memref<16xf32, #tpu.memory_space<vmem>>
        %dma_wait3A_521 = arith.constant 0 : i32
        %dma_wait3A_522 = tpu.memref_slice %arg2[%dma_wait3A_521] : memref<819200xf32, #tpu.memory_space<hbm>> -> memref<16xf32, #tpu.memory_space<hbm>>
        tpu.wait_dma2 semaphore(%run_scoped3A : memref<!tpu.dma_semaphore, #tpu.memory_space<semaphore_mem>>) src(%dma_wait3A_522 : memref<16xf32, #tpu.memory_space<hbm>>) dst(%dma_wait3A_520 : memref<16xf32, #tpu.memory_space<vmem>>)
        tpu.yield
      }) : () -> ()
      %get3A_12 = arith.constant 0 : index
      %get3A_13 = tpu.vector_load %arg7[%get3A_12] {strides = array<i32>} : memref<25600xf32, #tpu.memory_space<vmem>>, vector<16xf32>,
      %slice3A_14 = vector.extract_strided_slice %get3A_13 {offsets = [0], sizes = [1], strides = [1]} : vector<16xf32> to vector<1xf32>
      %squeeze3A_15 = vector.extract %slice3A_14[0] : f32 from vector<1xf32>
      %broadcast_in_dim3A = vector.broadcast %squeeze3A_15 : f32 to vector<16xf32>
      %broadcast_in_dim3A_16 = arith.constant 0 : i32
      %broadcast_in_dim3A_17 = vector.broadcast %broadcast_in_dim3A_16 : i32 to vector<16xi32>
      %scan3A = arith.constant 0 : i32
      %scan3A_18 = arith.constant 0 : i32
      %scan3A_19 = arith.constant 0 : i32
      %scan3A_20 = arith.constant 32 : i32
      %scan3A_21 = arith.addi %scan3A_19, %scan3A_20 : i32
      %scan3A_22 = arith.constant 1 : i32
      %scan3A_23:2 = scf.for %scan3A_509 = %scan3A_19 to %scan3A_21 step %scan3A_22 iter_args(%scan3A_510 = %scan3A, %scan3A_511 = %scan3A_18) -> (i32, i32)  : i32 {
        %mul3A_512 = arith.constant 25600 : i32
        %mul3A_513 = arith.muli %scan3A_509, %mul3A_512 : i32
        %multiple_of3A_514 = tpu.assume_multiple %mul3A_513, 8 : i32
        "tpu.region"() ({
          %run_scoped3A = tpu.sem_alloc : memref<!tpu.dma_semaphore, #tpu.memory_space<semaphore_mem>>
          %dma_start3A = tpu.memref_slice %arg2[%multiple_of3A_514] : memref<819200xf32, #tpu.memory_space<hbm>> -> memref<25600xf32, #tpu.memory_space<hbm>>
          %dma_start3A_574 = tpu.memref_slice %arg2[%multiple_of3A_514] : memref<819200xf32, #tpu.memory_space<hbm>> -> memref<25600xf32, #tpu.memory_space<hbm>>
          tpu.enqueue_dma source(%dma_start3A_574 : memref<25600xf32, #tpu.memory_space<hbm>>) target(%arg7 : memref<25600xf32, #tpu.memory_space<vmem>>) target_semaphore(%run_scoped3A : memref<!tpu.dma_semaphore, #tpu.memory_space<semaphore_mem>>)
          %dma_wait3A = tpu.memref_slice %arg2[%multiple_of3A_514] : memref<819200xf32, #tpu.memory_space<hbm>> -> memref<25600xf32, #tpu.memory_space<hbm>>
          %dma_wait3A_575 = tpu.memref_slice %arg2[%multiple_of3A_514] : memref<819200xf32, #tpu.memory_space<hbm>> -> memref<25600xf32, #tpu.memory_space<hbm>>
          tpu.wait_dma2 semaphore(%run_scoped3A : memref<!tpu.dma_semaphore, #tpu.memory_space<semaphore_mem>>) src(%dma_wait3A_575 : memref<25600xf32, #tpu.memory_space<hbm>>) dst(%arg7 : memref<25600xf32, #tpu.memory_space<vmem>>)
          tpu.yield
        }) : () -> ()
        %mul3A_515 = arith.constant 128 : i32
        %mul3A_516 = arith.muli %scan3A_509, %mul3A_515 : i32
        %broadcast_in_dim3A_517 = vector.broadcast %mul3A_516 : i32 to vector<16xi32>
        %scan3A_518 = arith.constant 0 : i32
        %scan3A_519 = arith.constant 1600 : i32
        %scan3A_520 = arith.addi %scan3A_518, %scan3A_519 : i32
        %scan3A_521 = arith.constant 1 : i32
        %scan3A_522:3 = scf.for %scan3A_574 = %scan3A_518 to %scan3A_520 step %scan3A_521 iter_args(%scan3A_575 = %scan3A_510, %scan3A_576 = %broadcast_in_dim3A_517, %scan3A_577 = %iota3A) -> (i32, vector<16xi32>, vector<16xi32>)  : i32 {
          %mul3A_578 = arith.constant 16 : i32
          %mul3A_579 = arith.muli %scan3A_574, %mul3A_578 : i32
          %get3A_580 = arith.index_cast %mul3A_579 : i32 to index
          %get3A_581 = tpu.vector_load %arg7[%get3A_580] {strides = array<i32>} : memref<25600xf32, #tpu.memory_space<vmem>>, vector<16xf32>,
          %ne3A_582 = arith.constant -1.000000e+00 : f32
          %ne3A_583 = vector.broadcast %ne3A_582 : f32 to vector<16xf32>
          %ne3A_584 = arith.cmpf one, %get3A_581, %ne3A_583 : vector<16xf32>
          %convert_element_type3A_585 = arith.extui %ne3A_584 : vector<16xi1> to vector<16xi32>
          %sub3A_586 = arith.constant 1 : i32
          %sub3A_587 = vector.broadcast %sub3A_586 : i32 to vector<16xi32>
          %sub3A_588 = arith.subi %iota3A, %sub3A_587 : vector<16xi32>
          %max3A = arith.constant 0 : i32
          %max3A_589 = vector.broadcast %max3A : i32 to vector<16xi32>
          %max3A_590 = arith.maxsi %sub3A_588, %max3A_589 : vector<16xi32>
          %lt3A_591 = arith.constant 0 : i32
          %lt3A_592 = vector.broadcast %lt3A_591 : i32 to vector<16xi32>
          %lt3A_593 = arith.cmpi slt, %max3A_590, %lt3A_592 : vector<16xi32>
          %add3A_594 = arith.constant 16 : i32
          %add3A_595 = vector.broadcast %add3A_594 : i32 to vector<16xi32>
          %add3A_596 = arith.addi %max3A_590, %add3A_595 : vector<16xi32>
          %select_n3A = arith.select %lt3A_593, %add3A_596, %max3A_590 : vector<16xi1>, vector<16xi32>
          %broadcast_in_dim3A_597 = vector.shape_cast %select_n3A : vector<16xi32> to vector<16x1xi32>
          %gather3A = vector.shape_cast %broadcast_in_dim3A_597 : vector<16x1xi32> to vector<16xi32>
          %gather3A_598 = tpu.dynamic_gather %convert_element_type3A_585[%gather3A] in [0] : vector<16xi32>, vector<16xi32> -> vector<16xi32>
          %ge3A = arith.constant 1 : i32
          %ge3A_599 = vector.broadcast %ge3A : i32 to vector<16xi32>
          %ge3A_600 = arith.cmpi sge, %iota3A, %ge3A_599 : vector<16xi32>
          %jit3A = arith.constant 0 : i32
          %broadcast_in_dim3A_601 = vector.broadcast %jit3A : i32 to vector<16xi32>
          %select_n3A_602 = arith.select %ge3A_600, %gather3A_598, %broadcast_in_dim3A_601 : vector<16xi1>, vector<16xi32>
          %add3A_603 = arith.addi %convert_element_type3A_585, %select_n3A_602 : vector<16xi32>
          %sub3A_604 = arith.constant 2 : i32
          %sub3A_605 = vector.broadcast %sub3A_604 : i32 to vector<16xi32>
          %sub3A_606 = arith.subi %iota3A, %sub3A_605 : vector<16xi32>
          %max3A_607 = arith.constant 0 : i32
          %max3A_608 = vector.broadcast %max3A_607 : i32 to vector<16xi32>
          %max3A_609 = arith.maxsi %sub3A_606, %max3A_608 : vector<16xi32>
          %lt3A_610 = arith.constant 0 : i32
          %lt3A_611 = vector.broadcast %lt3A_610 : i32 to vector<16xi32>
          %lt3A_612 = arith.cmpi slt, %max3A_609, %lt3A_611 : vector<16xi32>
          %add3A_613 = arith.constant 16 : i32
          %add3A_614 = vector.broadcast %add3A_613 : i32 to vector<16xi32>
          %add3A_615 = arith.addi %max3A_609, %add3A_614 : vector<16xi32>
          %select_n3A_616 = arith.select %lt3A_612, %add3A_615, %max3A_609 : vector<16xi1>, vector<16xi32>
          %broadcast_in_dim3A_617 = vector.shape_cast %select_n3A_616 : vector<16xi32> to vector<16x1xi32>
          %gather3A_618 = vector.shape_cast %broadcast_in_dim3A_617 : vector<16x1xi32> to vector<16xi32>
          %gather3A_619 = tpu.dynamic_gather %add3A_603[%gather3A_618] in [0] : vector<16xi32>, vector<16xi32> -> vector<16xi32>
          %ge3A_620 = arith.constant 2 : i32
          %ge3A_621 = vector.broadcast %ge3A_620 : i32 to vector<16xi32>
          %ge3A_622 = arith.cmpi sge, %iota3A, %ge3A_621 : vector<16xi32>
          %jit3A_623 = arith.constant 0 : i32
          %broadcast_in_dim3A_624 = vector.broadcast %jit3A_623 : i32 to vector<16xi32>
          %select_n3A_625 = arith.select %ge3A_622, %gather3A_619, %broadcast_in_dim3A_624 : vector<16xi1>, vector<16xi32>
          %add3A_626 = arith.addi %add3A_603, %select_n3A_625 : vector<16xi32>
          %sub3A_627 = arith.constant 4 : i32
          %sub3A_628 = vector.broadcast %sub3A_627 : i32 to vector<16xi32>
          %sub3A_629 = arith.subi %iota3A, %sub3A_628 : vector<16xi32>
          %max3A_630 = arith.constant 0 : i32
          %max3A_631 = vector.broadcast %max3A_630 : i32 to vector<16xi32>
          %max3A_632 = arith.maxsi %sub3A_629, %max3A_631 : vector<16xi32>
          %lt3A_633 = arith.constant 0 : i32
          %lt3A_634 = vector.broadcast %lt3A_633 : i32 to vector<16xi32>
          %lt3A_635 = arith.cmpi slt, %max3A_632, %lt3A_634 : vector<16xi32>
          %add3A_636 = arith.constant 16 : i32
          %add3A_637 = vector.broadcast %add3A_636 : i32 to vector<16xi32>
          %add3A_638 = arith.addi %max3A_632, %add3A_637 : vector<16xi32>
          %select_n3A_639 = arith.select %lt3A_635, %add3A_638, %max3A_632 : vector<16xi1>, vector<16xi32>
          %broadcast_in_dim3A_640 = vector.shape_cast %select_n3A_639 : vector<16xi32> to vector<16x1xi32>
          %gather3A_641 = vector.shape_cast %broadcast_in_dim3A_640 : vector<16x1xi32> to vector<16xi32>
          %gather3A_642 = tpu.dynamic_gather %add3A_626[%gather3A_641] in [0] : vector<16xi32>, vector<16xi32> -> vector<16xi32>
          %ge3A_643 = arith.constant 4 : i32
          %ge3A_644 = vector.broadcast %ge3A_643 : i32 to vector<16xi32>
          %ge3A_645 = arith.cmpi sge, %iota3A, %ge3A_644 : vector<16xi32>
          %jit3A_646 = arith.constant 0 : i32
          %broadcast_in_dim3A_647 = vector.broadcast %jit3A_646 : i32 to vector<16xi32>
          %select_n3A_648 = arith.select %ge3A_645, %gather3A_642, %broadcast_in_dim3A_647 : vector<16xi1>, vector<16xi32>
          %add3A_649 = arith.addi %add3A_626, %select_n3A_648 : vector<16xi32>
          %sub3A_650 = arith.constant 8 : i32
          %sub3A_651 = vector.broadcast %sub3A_650 : i32 to vector<16xi32>
          %sub3A_652 = arith.subi %iota3A, %sub3A_651 : vector<16xi32>
          %max3A_653 = arith.constant 0 : i32
          %max3A_654 = vector.broadcast %max3A_653 : i32 to vector<16xi32>
          %max3A_655 = arith.maxsi %sub3A_652, %max3A_654 : vector<16xi32>
          %lt3A_656 = arith.constant 0 : i32
          %lt3A_657 = vector.broadcast %lt3A_656 : i32 to vector<16xi32>
          %lt3A_658 = arith.cmpi slt, %max3A_655, %lt3A_657 : vector<16xi32>
          %add3A_659 = arith.constant 16 : i32
          %add3A_660 = vector.broadcast %add3A_659 : i32 to vector<16xi32>
          %add3A_661 = arith.addi %max3A_655, %add3A_660 : vector<16xi32>
          %select_n3A_662 = arith.select %lt3A_658, %add3A_661, %max3A_655 : vector<16xi1>, vector<16xi32>
          %broadcast_in_dim3A_663 = vector.shape_cast %select_n3A_662 : vector<16xi32> to vector<16x1xi32>
          %gather3A_664 = vector.shape_cast %broadcast_in_dim3A_663 : vector<16x1xi32> to vector<16xi32>
          %gather3A_665 = tpu.dynamic_gather %add3A_649[%gather3A_664] in [0] : vector<16xi32>, vector<16xi32> -> vector<16xi32>
          %ge3A_666 = arith.constant 8 : i32
          %ge3A_667 = vector.broadcast %ge3A_666 : i32 to vector<16xi32>
          %ge3A_668 = arith.cmpi sge, %iota3A, %ge3A_667 : vector<16xi32>
          %jit3A_669 = arith.constant 0 : i32
          %broadcast_in_dim3A_670 = vector.broadcast %jit3A_669 : i32 to vector<16xi32>
          %select_n3A_671 = arith.select %ge3A_668, %gather3A_665, %broadcast_in_dim3A_670 : vector<16xi1>, vector<16xi32>
          %add3A_672 = arith.addi %add3A_649, %select_n3A_671 : vector<16xi32>
          %sub3A_673 = arith.subi %add3A_672, %convert_element_type3A_585 : vector<16xi32>
          %add3A_674 = vector.broadcast %scan3A_575 : i32 to vector<16xi32>
          %add3A_675 = arith.addi %add3A_674, %sub3A_673 : vector<16xi32>
          tpu.vector_store_idx %arg8[%add3A_675], %get3A_581 masked %ne3A_584 : memref<25632xf32, #tpu.memory_space<vmem>>[vector<16xi32>], vector<16xf32>, vector<16xi1>
          tpu.vector_store_idx %arg9[%add3A_675], %scan3A_576 masked %ne3A_584 : memref<25632xi32, #tpu.memory_space<vmem>>[vector<16xi32>], vector<16xi32>, vector<16xi1>
          tpu.vector_store_idx %arg10[%add3A_675], %scan3A_577 masked %ne3A_584 : memref<25632xi32, #tpu.memory_space<vmem>>[vector<16xi32>], vector<16xi32>, vector<16xi1>
          %add3A_676 = arith.constant 16 : i32
          %add3A_677 = vector.broadcast %add3A_676 : i32 to vector<16xi32>
          %add3A_678 = arith.addi %scan3A_577, %add3A_677 : vector<16xi32>
          %ge3A_679 = arith.constant 200 : i32
          %ge3A_680 = vector.broadcast %ge3A_679 : i32 to vector<16xi32>
          %ge3A_681 = arith.cmpi sge, %add3A_678, %ge3A_680 : vector<16xi32>
          %slice3A_682 = vector.extract_strided_slice %add3A_672 {offsets = [15], sizes = [1], strides = [1]} : vector<16xi32> to vector<1xi32>
          %squeeze3A_683 = vector.extract %slice3A_682[0] : i32 from vector<1xi32>
          %add3A_684 = arith.addi %scan3A_575, %squeeze3A_683 : i32
          %convert_element_type3A_685 = arith.extui %ge3A_681 : vector<16xi1> to vector<16xi32>
          %add3A_686 = arith.addi %scan3A_576, %convert_element_type3A_685 : vector<16xi32>
          %sub3A_687 = arith.constant 200 : i32
          %sub3A_688 = vector.broadcast %sub3A_687 : i32 to vector<16xi32>
          %sub3A_689 = arith.subi %add3A_678, %sub3A_688 : vector<16xi32>
          %select_n3A_690 = arith.select %ge3A_681, %sub3A_689, %add3A_678 : vector<16xi1>, vector<16xi32>
          scf.yield %add3A_684, %add3A_686, %select_n3A_690 : i32, vector<16xi32>, vector<16xi32>
        }
        %scan3A_523 = arith.constant 1600 : i32
        %shift_right_arithmetic3A_524 = arith.constant 10 : i32
        %shift_right_arithmetic3A_525 = arith.shrsi %scan3A_522#0, %shift_right_arithmetic3A_524 : i32
        %while3A_526 = arith.constant 0 : i32
        %while3A_527 = arith.constant 0 : i32
        %while3A_528 = arith.subi %shift_right_arithmetic3A_525, %while3A_526 : i32
        %while3A_529 = arith.addi %while3A_526, %while3A_528 : i32
        %while3A_530 = arith.constant 1 : i32
        %while3A_531 = arith.divsi %while3A_528, %while3A_530 : i32
        %while3A_532 = arith.muli %while3A_531, %while3A_530 : i32
        %while3A_533 = arith.addi %while3A_526, %while3A_532 : i32
        %while3A_534 = arith.constant 1 : i32
        %while3A_535 = scf.for %while3A_574 = %while3A_526 to %while3A_533 step %while3A_534 iter_args(%while3A_575 = %while3A_527) -> (i32)  : i32 {
          %mul3A_576 = arith.constant 1024 : i32
          %mul3A_577 = arith.muli %while3A_574, %mul3A_576 : i32
          %multiple_of3A_578 = tpu.assume_multiple %mul3A_577, 8 : i32
          %mul3A_579 = arith.constant 1024 : i32
          %mul3A_580 = arith.muli %while3A_574, %mul3A_579 : i32
          %add3A_581 = arith.addi %scan3A_511, %mul3A_580 : i32
          %multiple_of3A_582 = tpu.assume_multiple %add3A_581, 8 : i32
          "tpu.region"() ({
            %run_scoped3A = tpu.sem_alloc : memref<!tpu.dma_semaphore, #tpu.memory_space<semaphore_mem>>
            %dma_start3A = tpu.memref_slice %arg8[%multiple_of3A_578] : memref<25632xf32, #tpu.memory_space<vmem>> -> memref<1024xf32, #tpu.memory_space<vmem>>
            %dma_start3A_584 = tpu.memref_slice %arg4[%multiple_of3A_582] : memref<819200xf32, #tpu.memory_space<hbm>> -> memref<1024xf32, #tpu.memory_space<hbm>>
            %dma_start3A_585 = tpu.memref_slice %arg4[%multiple_of3A_582] : memref<819200xf32, #tpu.memory_space<hbm>> -> memref<1024xf32, #tpu.memory_space<hbm>>
            %dma_start3A_586 = tpu.memref_slice %arg8[%multiple_of3A_578] : memref<25632xf32, #tpu.memory_space<vmem>> -> memref<1024xf32, #tpu.memory_space<vmem>>
            tpu.enqueue_dma source(%dma_start3A_586 : memref<1024xf32, #tpu.memory_space<vmem>>) target(%dma_start3A_585 : memref<1024xf32, #tpu.memory_space<hbm>>) target_semaphore(%run_scoped3A : memref<!tpu.dma_semaphore, #tpu.memory_space<semaphore_mem>>)
            %dma_wait3A = tpu.memref_slice %arg8[%multiple_of3A_578] : memref<25632xf32, #tpu.memory_space<vmem>> -> memref<1024xf32, #tpu.memory_space<vmem>>
            %dma_wait3A_587 = tpu.memref_slice %arg4[%multiple_of3A_582] : memref<819200xf32, #tpu.memory_space<hbm>> -> memref<1024xf32, #tpu.memory_space<hbm>>
            %dma_wait3A_588 = tpu.memref_slice %arg4[%multiple_of3A_582] : memref<819200xf32, #tpu.memory_space<hbm>> -> memref<1024xf32, #tpu.memory_space<hbm>>
            %dma_wait3A_589 = tpu.memref_slice %arg8[%multiple_of3A_578] : memref<25632xf32, #tpu.memory_space<vmem>> -> memref<1024xf32, #tpu.memory_space<vmem>>
            tpu.wait_dma2 semaphore(%run_scoped3A : memref<!tpu.dma_semaphore, #tpu.memory_space<semaphore_mem>>) src(%dma_wait3A_589 : memref<1024xf32, #tpu.memory_space<vmem>>) dst(%dma_wait3A_588 : memref<1024xf32, #tpu.memory_space<hbm>>)
            tpu.yield
          }) : () -> ()
          "tpu.region"() ({
            %run_scoped3A = tpu.sem_alloc : memref<!tpu.dma_semaphore, #tpu.memory_space<semaphore_mem>>
            %dma_start3A = tpu.memref_slice %arg9[%multiple_of3A_578] : memref<25632xi32, #tpu.memory_space<vmem>> -> memref<1024xi32, #tpu.memory_space<vmem>>
            %dma_start3A_584 = tpu.memref_slice %arg5[%multiple_of3A_582] : memref<819200xi32, #tpu.memory_space<hbm>> -> memref<1024xi32, #tpu.memory_space<hbm>>
            %dma_start3A_585 = tpu.memref_slice %arg5[%multiple_of3A_582] : memref<819200xi32, #tpu.memory_space<hbm>> -> memref<1024xi32, #tpu.memory_space<hbm>>
            %dma_start3A_586 = tpu.memref_slice %arg9[%multiple_of3A_578] : memref<25632xi32, #tpu.memory_space<vmem>> -> memref<1024xi32, #tpu.memory_space<vmem>>
            tpu.enqueue_dma source(%dma_start3A_586 : memref<1024xi32, #tpu.memory_space<vmem>>) target(%dma_start3A_585 : memref<1024xi32, #tpu.memory_space<hbm>>) target_semaphore(%run_scoped3A : memref<!tpu.dma_semaphore, #tpu.memory_space<semaphore_mem>>)
            %dma_wait3A = tpu.memref_slice %arg9[%multiple_of3A_578] : memref<25632xi32, #tpu.memory_space<vmem>> -> memref<1024xi32, #tpu.memory_space<vmem>>
            %dma_wait3A_587 = tpu.memref_slice %arg5[%multiple_of3A_582] : memref<819200xi32, #tpu.memory_space<hbm>> -> memref<1024xi32, #tpu.memory_space<hbm>>
            %dma_wait3A_588 = tpu.memref_slice %arg5[%multiple_of3A_582] : memref<819200xi32, #tpu.memory_space<hbm>> -> memref<1024xi32, #tpu.memory_space<hbm>>
            %dma_wait3A_589 = tpu.memref_slice %arg9[%multiple_of3A_578] : memref<25632xi32, #tpu.memory_space<vmem>> -> memref<1024xi32, #tpu.memory_space<vmem>>
            tpu.wait_dma2 semaphore(%run_scoped3A : memref<!tpu.dma_semaphore, #tpu.memory_space<semaphore_mem>>) src(%dma_wait3A_589 : memref<1024xi32, #tpu.memory_space<vmem>>) dst(%dma_wait3A_588 : memref<1024xi32, #tpu.memory_space<hbm>>)
            tpu.yield
          }) : () -> ()
          "tpu.region"() ({
            %run_scoped3A = tpu.sem_alloc : memref<!tpu.dma_semaphore, #tpu.memory_space<semaphore_mem>>
            %dma_start3A = tpu.memref_slice %arg10[%multiple_of3A_578] : memref<25632xi32, #tpu.memory_space<vmem>> -> memref<1024xi32, #tpu.memory_space<vmem>>
            %dma_start3A_584 = tpu.memref_slice %arg6[%multiple_of3A_582] : memref<819200xi32, #tpu.memory_space<hbm>> -> memref<1024xi32, #tpu.memory_space<hbm>>
            %dma_start3A_585 = tpu.memref_slice %arg6[%multiple_of3A_582] : memref<819200xi32, #tpu.memory_space<hbm>> -> memref<1024xi32, #tpu.memory_space<hbm>>
            %dma_start3A_586 = tpu.memref_slice %arg10[%multiple_of3A_578] : memref<25632xi32, #tpu.memory_space<vmem>> -> memref<1024xi32, #tpu.memory_space<vmem>>
            tpu.enqueue_dma source(%dma_start3A_586 : memref<1024xi32, #tpu.memory_space<vmem>>) target(%dma_start3A_585 : memref<1024xi32, #tpu.memory_space<hbm>>) target_semaphore(%run_scoped3A : memref<!tpu.dma_semaphore, #tpu.memory_space<semaphore_mem>>)
            %dma_wait3A = tpu.memref_slice %arg10[%multiple_of3A_578] : memref<25632xi32, #tpu.memory_space<vmem>> -> memref<1024xi32, #tpu.memory_space<vmem>>
            %dma_wait3A_587 = tpu.memref_slice %arg6[%multiple_of3A_582] : memref<819200xi32, #tpu.memory_space<hbm>> -> memref<1024xi32, #tpu.memory_space<hbm>>
            %dma_wait3A_588 = tpu.memref_slice %arg6[%multiple_of3A_582] : memref<819200xi32, #tpu.memory_space<hbm>> -> memref<1024xi32, #tpu.memory_space<hbm>>
            %dma_wait3A_589 = tpu.memref_slice %arg10[%multiple_of3A_578] : memref<25632xi32, #tpu.memory_space<vmem>> -> memref<1024xi32, #tpu.memory_space<vmem>>
            tpu.wait_dma2 semaphore(%run_scoped3A : memref<!tpu.dma_semaphore, #tpu.memory_space<semaphore_mem>>) src(%dma_wait3A_589 : memref<1024xi32, #tpu.memory_space<vmem>>) dst(%dma_wait3A_588 : memref<1024xi32, #tpu.memory_space<hbm>>)
            tpu.yield
          }) : () -> ()
          %while3A_583 = arith.constant 0 : i32
          scf.yield %while3A_583 : i32
        }
        %while3A_536 = arith.constant 1 : i32
        %while3A_537 = scf.for %while3A_574 = %while3A_533 to %while3A_529 step %while3A_536 iter_args(%while3A_575 = %while3A_535) -> (i32)  : i32 {
          %mul3A_576 = arith.constant 1024 : i32
          %mul3A_577 = arith.muli %while3A_574, %mul3A_576 : i32
          %multiple_of3A_578 = tpu.assume_multiple %mul3A_577, 8 : i32
          %mul3A_579 = arith.constant 1024 : i32
          %mul3A_580 = arith.muli %while3A_574, %mul3A_579 : i32
          %add3A_581 = arith.addi %scan3A_511, %mul3A_580 : i32
          %multiple_of3A_582 = tpu.assume_multiple %add3A_581, 8 : i32
          "tpu.region"() ({
            %run_scoped3A = tpu.sem_alloc : memref<!tpu.dma_semaphore, #tpu.memory_space<semaphore_mem>>
            %dma_start3A = tpu.memref_slice %arg8[%multiple_of3A_578] : memref<25632xf32, #tpu.memory_space<vmem>> -> memref<1024xf32, #tpu.memory_space<vmem>>
            %dma_start3A_584 = tpu.memref_slice %arg4[%multiple_of3A_582] : memref<819200xf32, #tpu.memory_space<hbm>> -> memref<1024xf32, #tpu.memory_space<hbm>>
            %dma_start3A_585 = tpu.memref_slice %arg4[%multiple_of3A_582] : memref<819200xf32, #tpu.memory_space<hbm>> -> memref<1024xf32, #tpu.memory_space<hbm>>
            %dma_start3A_586 = tpu.memref_slice %arg8[%multiple_of3A_578] : memref<25632xf32, #tpu.memory_space<vmem>> -> memref<1024xf32, #tpu.memory_space<vmem>>
            tpu.enqueue_dma source(%dma_start3A_586 : memref<1024xf32, #tpu.memory_space<vmem>>) target(%dma_start3A_585 : memref<1024xf32, #tpu.memory_space<hbm>>) target_semaphore(%run_scoped3A : memref<!tpu.dma_semaphore, #tpu.memory_space<semaphore_mem>>)
            %dma_wait3A = tpu.memref_slice %arg8[%multiple_of3A_578] : memref<25632xf32, #tpu.memory_space<vmem>> -> memref<1024xf32, #tpu.memory_space<vmem>>
            %dma_wait3A_587 = tpu.memref_slice %arg4[%multiple_of3A_582] : memref<819200xf32, #tpu.memory_space<hbm>> -> memref<1024xf32, #tpu.memory_space<hbm>>
            %dma_wait3A_588 = tpu.memref_slice %arg4[%multiple_of3A_582] : memref<819200xf32, #tpu.memory_space<hbm>> -> memref<1024xf32, #tpu.memory_space<hbm>>
            %dma_wait3A_589 = tpu.memref_slice %arg8[%multiple_of3A_578] : memref<25632xf32, #tpu.memory_space<vmem>> -> memref<1024xf32, #tpu.memory_space<vmem>>
            tpu.wait_dma2 semaphore(%run_scoped3A : memref<!tpu.dma_semaphore, #tpu.memory_space<semaphore_mem>>) src(%dma_wait3A_589 : memref<1024xf32, #tpu.memory_space<vmem>>) dst(%dma_wait3A_588 : memref<1024xf32, #tpu.memory_space<hbm>>)
            tpu.yield
          }) : () -> ()
          "tpu.region"() ({
            %run_scoped3A = tpu.sem_alloc : memref<!tpu.dma_semaphore, #tpu.memory_space<semaphore_mem>>
            %dma_start3A = tpu.memref_slice %arg9[%multiple_of3A_578] : memref<25632xi32, #tpu.memory_space<vmem>> -> memref<1024xi32, #tpu.memory_space<vmem>>
            %dma_start3A_584 = tpu.memref_slice %arg5[%multiple_of3A_582] : memref<819200xi32, #tpu.memory_space<hbm>> -> memref<1024xi32, #tpu.memory_space<hbm>>
            %dma_start3A_585 = tpu.memref_slice %arg5[%multiple_of3A_582] : memref<819200xi32, #tpu.memory_space<hbm>> -> memref<1024xi32, #tpu.memory_space<hbm>>
            %dma_start3A_586 = tpu.memref_slice %arg9[%multiple_of3A_578] : memref<25632xi32, #tpu.memory_space<vmem>> -> memref<1024xi32, #tpu.memory_space<vmem>>
            tpu.enqueue_dma source(%dma_start3A_586 : memref<1024xi32, #tpu.memory_space<vmem>>) target(%dma_start3A_585 : memref<1024xi32, #tpu.memory_space<hbm>>) target_semaphore(%run_scoped3A : memref<!tpu.dma_semaphore, #tpu.memory_space<semaphore_mem>>)
            %dma_wait3A = tpu.memref_slice %arg9[%multiple_of3A_578] : memref<25632xi32, #tpu.memory_space<vmem>> -> memref<1024xi32, #tpu.memory_space<vmem>>
            %dma_wait3A_587 = tpu.memref_slice %arg5[%multiple_of3A_582] : memref<819200xi32, #tpu.memory_space<hbm>> -> memref<1024xi32, #tpu.memory_space<hbm>>
            %dma_wait3A_588 = tpu.memref_slice %arg5[%multiple_of3A_582] : memref<819200xi32, #tpu.memory_space<hbm>> -> memref<1024xi32, #tpu.memory_space<hbm>>
            %dma_wait3A_589 = tpu.memref_slice %arg9[%multiple_of3A_578] : memref<25632xi32, #tpu.memory_space<vmem>> -> memref<1024xi32, #tpu.memory_space<vmem>>
            tpu.wait_dma2 semaphore(%run_scoped3A : memref<!tpu.dma_semaphore, #tpu.memory_space<semaphore_mem>>) src(%dma_wait3A_589 : memref<1024xi32, #tpu.memory_space<vmem>>) dst(%dma_wait3A_588 : memref<1024xi32, #tpu.memory_space<hbm>>)
            tpu.yield
          }) : () -> ()
          "tpu.region"() ({
            %run_scoped3A = tpu.sem_alloc : memref<!tpu.dma_semaphore, #tpu.memory_space<semaphore_mem>>
            %dma_start3A = tpu.memref_slice %arg10[%multiple_of3A_578] : memref<25632xi32, #tpu.memory_space<vmem>> -> memref<1024xi32, #tpu.memory_space<vmem>>
            %dma_start3A_584 = tpu.memref_slice %arg6[%multiple_of3A_582] : memref<819200xi32, #tpu.memory_space<hbm>> -> memref<1024xi32, #tpu.memory_space<hbm>>
            %dma_start3A_585 = tpu.memref_slice %arg6[%multiple_of3A_582] : memref<819200xi32, #tpu.memory_space<hbm>> -> memref<1024xi32, #tpu.memory_space<hbm>>
            %dma_start3A_586 = tpu.memref_slice %arg10[%multiple_of3A_578] : memref<25632xi32, #tpu.memory_space<vmem>> -> memref<1024xi32, #tpu.memory_space<vmem>>
            tpu.enqueue_dma source(%dma_start3A_586 : memref<1024xi32, #tpu.memory_space<vmem>>) target(%dma_start3A_585 : memref<1024xi32, #tpu.memory_space<hbm>>) target_semaphore(%run_scoped3A : memref<!tpu.dma_semaphore, #tpu.memory_space<semaphore_mem>>)
            %dma_wait3A = tpu.memref_slice %arg10[%multiple_of3A_578] : memref<25632xi32, #tpu.memory_space<vmem>> -> memref<1024xi32, #tpu.memory_space<vmem>>
            %dma_wait3A_587 = tpu.memref_slice %arg6[%multiple_of3A_582] : memref<819200xi32, #tpu.memory_space<hbm>> -> memref<1024xi32, #tpu.memory_space<hbm>>
            %dma_wait3A_588 = tpu.memref_slice %arg6[%multiple_of3A_582] : memref<819200xi32, #tpu.memory_space<hbm>> -> memref<1024xi32, #tpu.memory_space<hbm>>
            %dma_wait3A_589 = tpu.memref_slice %arg10[%multiple_of3A_578] : memref<25632xi32, #tpu.memory_space<vmem>> -> memref<1024xi32, #tpu.memory_space<vmem>>
            tpu.wait_dma2 semaphore(%run_scoped3A : memref<!tpu.dma_semaphore, #tpu.memory_space<semaphore_mem>>) src(%dma_wait3A_589 : memref<1024xi32, #tpu.memory_space<vmem>>) dst(%dma_wait3A_588 : memref<1024xi32, #tpu.memory_space<hbm>>)
            tpu.yield
          }) : () -> ()
          %while3A_583 = arith.constant 0 : i32
          scf.yield %while3A_583 : i32
        }
        %shift_left3A_538 = arith.constant 10 : i32
        %shift_left3A_539 = arith.shli %shift_right_arithmetic3A_525, %shift_left3A_538 : i32
        %sub3A_540 = arith.subi %scan3A_522#0, %shift_left3A_539 : i32
        %shift_right_arithmetic3A_541 = arith.constant 3 : i32
        %shift_right_arithmetic3A_542 = arith.shrsi %sub3A_540, %shift_right_arithmetic3A_541 : i32
        %while3A_543 = arith.constant 0 : i32
        %while3A_544 = arith.constant 0 : i32
        %while3A_545 = arith.subi %shift_right_arithmetic3A_542, %while3A_543 : i32
        %while3A_546 = arith.addi %while3A_543, %while3A_545 : i32
        %while3A_547 = arith.constant 1 : i32
        %while3A_548 = arith.divsi %while3A_545, %while3A_547 : i32
        %while3A_549 = arith.muli %while3A_548, %while3A_547 : i32
        %while3A_550 = arith.addi %while3A_543, %while3A_549 : i32
        %while3A_551 = arith.constant 1 : i32
        %while3A_552 = scf.for %while3A_574 = %while3A_543 to %while3A_550 step %while3A_551 iter_args(%while3A_575 = %while3A_544) -> (i32)  : i32 {
          %mul3A_576 = arith.constant 8 : i32
          %mul3A_577 = arith.muli %while3A_574, %mul3A_576 : i32
          %add3A_578 = arith.addi %shift_left3A_539, %mul3A_577 : i32
          %multiple_of3A_579 = tpu.assume_multiple %add3A_578, 8 : i32
          %add3A_580 = arith.addi %scan3A_511, %shift_left3A_539 : i32
          %mul3A_581 = arith.constant 8 : i32
          %mul3A_582 = arith.muli %while3A_574, %mul3A_581 : i32
          %add3A_583 = arith.addi %add3A_580, %mul3A_582 : i32
          %multiple_of3A_584 = tpu.assume_multiple %add3A_583, 8 : i32
          "tpu.region"() ({
            %run_scoped3A = tpu.sem_alloc : memref<!tpu.dma_semaphore, #tpu.memory_space<semaphore_mem>>
            %dma_start3A = tpu.memref_slice %arg8[%multiple_of3A_579] : memref<25632xf32, #tpu.memory_space<vmem>> -> memref<8xf32, #tpu.memory_space<vmem>>
            %dma_start3A_586 = tpu.memref_slice %arg4[%multiple_of3A_584] : memref<819200xf32, #tpu.memory_space<hbm>> -> memref<8xf32, #tpu.memory_space<hbm>>
            %dma_start3A_587 = tpu.memref_slice %arg4[%multiple_of3A_584] : memref<819200xf32, #tpu.memory_space<hbm>> -> memref<8xf32, #tpu.memory_space<hbm>>
            %dma_start3A_588 = tpu.memref_slice %arg8[%multiple_of3A_579] : memref<25632xf32, #tpu.memory_space<vmem>> -> memref<8xf32, #tpu.memory_space<vmem>>
            tpu.enqueue_dma source(%dma_start3A_588 : memref<8xf32, #tpu.memory_space<vmem>>) target(%dma_start3A_587 : memref<8xf32, #tpu.memory_space<hbm>>) target_semaphore(%run_scoped3A : memref<!tpu.dma_semaphore, #tpu.memory_space<semaphore_mem>>)
            %dma_wait3A = tpu.memref_slice %arg8[%multiple_of3A_579] : memref<25632xf32, #tpu.memory_space<vmem>> -> memref<8xf32, #tpu.memory_space<vmem>>
            %dma_wait3A_589 = tpu.memref_slice %arg4[%multiple_of3A_584] : memref<819200xf32, #tpu.memory_space<hbm>> -> memref<8xf32, #tpu.memory_space<hbm>>
            %dma_wait3A_590 = tpu.memref_slice %arg4[%multiple_of3A_584] : memref<819200xf32, #tpu.memory_space<hbm>> -> memref<8xf32, #tpu.memory_space<hbm>>
            %dma_wait3A_591 = tpu.memref_slice %arg8[%multiple_of3A_579] : memref<25632xf32, #tpu.memory_space<vmem>> -> memref<8xf32, #tpu.memory_space<vmem>>
            tpu.wait_dma2 semaphore(%run_scoped3A : memref<!tpu.dma_semaphore, #tpu.memory_space<semaphore_mem>>) src(%dma_wait3A_591 : memref<8xf32, #tpu.memory_space<vmem>>) dst(%dma_wait3A_590 : memref<8xf32, #tpu.memory_space<hbm>>)
            tpu.yield
          }) : () -> ()
          "tpu.region"() ({
            %run_scoped3A = tpu.sem_alloc : memref<!tpu.dma_semaphore, #tpu.memory_space<semaphore_mem>>
            %dma_start3A = tpu.memref_slice %arg9[%multiple_of3A_579] : memref<25632xi32, #tpu.memory_space<vmem>> -> memref<8xi32, #tpu.memory_space<vmem>>
            %dma_start3A_586 = tpu.memref_slice %arg5[%multiple_of3A_584] : memref<819200xi32, #tpu.memory_space<hbm>> -> memref<8xi32, #tpu.memory_space<hbm>>
            %dma_start3A_587 = tpu.memref_slice %arg5[%multiple_of3A_584] : memref<819200xi32, #tpu.memory_space<hbm>> -> memref<8xi32, #tpu.memory_space<hbm>>
            %dma_start3A_588 = tpu.memref_slice %arg9[%multiple_of3A_579] : memref<25632xi32, #tpu.memory_space<vmem>> -> memref<8xi32, #tpu.memory_space<vmem>>
            tpu.enqueue_dma source(%dma_start3A_588 : memref<8xi32, #tpu.memory_space<vmem>>) target(%dma_start3A_587 : memref<8xi32, #tpu.memory_space<hbm>>) target_semaphore(%run_scoped3A : memref<!tpu.dma_semaphore, #tpu.memory_space<semaphore_mem>>)
            %dma_wait3A = tpu.memref_slice %arg9[%multiple_of3A_579] : memref<25632xi32, #tpu.memory_space<vmem>> -> memref<8xi32, #tpu.memory_space<vmem>>
            %dma_wait3A_589 = tpu.memref_slice %arg5[%multiple_of3A_584] : memref<819200xi32, #tpu.memory_space<hbm>> -> memref<8xi32, #tpu.memory_space<hbm>>
            %dma_wait3A_590 = tpu.memref_slice %arg5[%multiple_of3A_584] : memref<819200xi32, #tpu.memory_space<hbm>> -> memref<8xi32, #tpu.memory_space<hbm>>
            %dma_wait3A_591 = tpu.memref_slice %arg9[%multiple_of3A_579] : memref<25632xi32, #tpu.memory_space<vmem>> -> memref<8xi32, #tpu.memory_space<vmem>>
            tpu.wait_dma2 semaphore(%run_scoped3A : memref<!tpu.dma_semaphore, #tpu.memory_space<semaphore_mem>>) src(%dma_wait3A_591 : memref<8xi32, #tpu.memory_space<vmem>>) dst(%dma_wait3A_590 : memref<8xi32, #tpu.memory_space<hbm>>)
            tpu.yield
          }) : () -> ()
          "tpu.region"() ({
            %run_scoped3A = tpu.sem_alloc : memref<!tpu.dma_semaphore, #tpu.memory_space<semaphore_mem>>
            %dma_start3A = tpu.memref_slice %arg10[%multiple_of3A_579] : memref<25632xi32, #tpu.memory_space<vmem>> -> memref<8xi32, #tpu.memory_space<vmem>>
            %dma_start3A_586 = tpu.memref_slice %arg6[%multiple_of3A_584] : memref<819200xi32, #tpu.memory_space<hbm>> -> memref<8xi32, #tpu.memory_space<hbm>>
            %dma_start3A_587 = tpu.memref_slice %arg6[%multiple_of3A_584] : memref<819200xi32, #tpu.memory_space<hbm>> -> memref<8xi32, #tpu.memory_space<hbm>>
            %dma_start3A_588 = tpu.memref_slice %arg10[%multiple_of3A_579] : memref<25632xi32, #tpu.memory_space<vmem>> -> memref<8xi32, #tpu.memory_space<vmem>>
            tpu.enqueue_dma source(%dma_start3A_588 : memref<8xi32, #tpu.memory_space<vmem>>) target(%dma_start3A_587 : memref<8xi32, #tpu.memory_space<hbm>>) target_semaphore(%run_scoped3A : memref<!tpu.dma_semaphore, #tpu.memory_space<semaphore_mem>>)
            %dma_wait3A = tpu.memref_slice %arg10[%multiple_of3A_579] : memref<25632xi32, #tpu.memory_space<vmem>> -> memref<8xi32, #tpu.memory_space<vmem>>
            %dma_wait3A_589 = tpu.memref_slice %arg6[%multiple_of3A_584] : memref<819200xi32, #tpu.memory_space<hbm>> -> memref<8xi32, #tpu.memory_space<hbm>>
            %dma_wait3A_590 = tpu.memref_slice %arg6[%multiple_of3A_584] : memref<819200xi32, #tpu.memory_space<hbm>> -> memref<8xi32, #tpu.memory_space<hbm>>
            %dma_wait3A_591 = tpu.memref_slice %arg10[%multiple_of3A_579] : memref<25632xi32, #tpu.memory_space<vmem>> -> memref<8xi32, #tpu.memory_space<vmem>>
            tpu.wait_dma2 semaphore(%run_scoped3A : memref<!tpu.dma_semaphore, #tpu.memory_space<semaphore_mem>>) src(%dma_wait3A_591 : memref<8xi32, #tpu.memory_space<vmem>>) dst(%dma_wait3A_590 : memref<8xi32, #tpu.memory_space<hbm>>)
            tpu.yield
          }) : () -> ()
          %while3A_585 = arith.constant 0 : i32
          scf.yield %while3A_585 : i32
        }
        %while3A_553 = arith.constant 1 : i32
        %while3A_554 = scf.for %while3A_574 = %while3A_550 to %while3A_546 step %while3A_553 iter_args(%while3A_575 = %while3A_552) -> (i32)  : i32 {
          %mul3A_576 = arith.constant 8 : i32
          %mul3A_577 = arith.muli %while3A_574, %mul3A_576 : i32
          %add3A_578 = arith.addi %shift_left3A_539, %mul3A_577 : i32
          %multiple_of3A_579 = tpu.assume_multiple %add3A_578, 8 : i32
          %add3A_580 = arith.addi %scan3A_511, %shift_left3A_539 : i32
          %mul3A_581 = arith.constant 8 : i32
          %mul3A_582 = arith.muli %while3A_574, %mul3A_581 : i32
          %add3A_583 = arith.addi %add3A_580, %mul3A_582 : i32
          %multiple_of3A_584 = tpu.assume_multiple %add3A_583, 8 : i32
          "tpu.region"() ({
            %run_scoped3A = tpu.sem_alloc : memref<!tpu.dma_semaphore, #tpu.memory_space<semaphore_mem>>
            %dma_start3A = tpu.memref_slice %arg8[%multiple_of3A_579] : memref<25632xf32, #tpu.memory_space<vmem>> -> memref<8xf32, #tpu.memory_space<vmem>>
            %dma_start3A_586 = tpu.memref_slice %arg4[%multiple_of3A_584] : memref<819200xf32, #tpu.memory_space<hbm>> -> memref<8xf32, #tpu.memory_space<hbm>>
            %dma_start3A_587 = tpu.memref_slice %arg4[%multiple_of3A_584] : memref<819200xf32, #tpu.memory_space<hbm>> -> memref<8xf32, #tpu.memory_space<hbm>>
            %dma_start3A_588 = tpu.memref_slice %arg8[%multiple_of3A_579] : memref<25632xf32, #tpu.memory_space<vmem>> -> memref<8xf32, #tpu.memory_space<vmem>>
            tpu.enqueue_dma source(%dma_start3A_588 : memref<8xf32, #tpu.memory_space<vmem>>) target(%dma_start3A_587 : memref<8xf32, #tpu.memory_space<hbm>>) target_semaphore(%run_scoped3A : memref<!tpu.dma_semaphore, #tpu.memory_space<semaphore_mem>>)
            %dma_wait3A = tpu.memref_slice %arg8[%multiple_of3A_579] : memref<25632xf32, #tpu.memory_space<vmem>> -> memref<8xf32, #tpu.memory_space<vmem>>
            %dma_wait3A_589 = tpu.memref_slice %arg4[%multiple_of3A_584] : memref<819200xf32, #tpu.memory_space<hbm>> -> memref<8xf32, #tpu.memory_space<hbm>>
            %dma_wait3A_590 = tpu.memref_slice %arg4[%multiple_of3A_584] : memref<819200xf32, #tpu.memory_space<hbm>> -> memref<8xf32, #tpu.memory_space<hbm>>
            %dma_wait3A_591 = tpu.memref_slice %arg8[%multiple_of3A_579] : memref<25632xf32, #tpu.memory_space<vmem>> -> memref<8xf32, #tpu.memory_space<vmem>>
            tpu.wait_dma2 semaphore(%run_scoped3A : memref<!tpu.dma_semaphore, #tpu.memory_space<semaphore_mem>>) src(%dma_wait3A_591 : memref<8xf32, #tpu.memory_space<vmem>>) dst(%dma_wait3A_590 : memref<8xf32, #tpu.memory_space<hbm>>)
            tpu.yield
          }) : () -> ()
          "tpu.region"() ({
            %run_scoped3A = tpu.sem_alloc : memref<!tpu.dma_semaphore, #tpu.memory_space<semaphore_mem>>
            %dma_start3A = tpu.memref_slice %arg9[%multiple_of3A_579] : memref<25632xi32, #tpu.memory_space<vmem>> -> memref<8xi32, #tpu.memory_space<vmem>>
            %dma_start3A_586 = tpu.memref_slice %arg5[%multiple_of3A_584] : memref<819200xi32, #tpu.memory_space<hbm>> -> memref<8xi32, #tpu.memory_space<hbm>>
            %dma_start3A_587 = tpu.memref_slice %arg5[%multiple_of3A_584] : memref<819200xi32, #tpu.memory_space<hbm>> -> memref<8xi32, #tpu.memory_space<hbm>>
            %dma_start3A_588 = tpu.memref_slice %arg9[%multiple_of3A_579] : memref<25632xi32, #tpu.memory_space<vmem>> -> memref<8xi32, #tpu.memory_space<vmem>>
            tpu.enqueue_dma source(%dma_start3A_588 : memref<8xi32, #tpu.memory_space<vmem>>) target(%dma_start3A_587 : memref<8xi32, #tpu.memory_space<hbm>>) target_semaphore(%run_scoped3A : memref<!tpu.dma_semaphore, #tpu.memory_space<semaphore_mem>>)
            %dma_wait3A = tpu.memref_slice %arg9[%multiple_of3A_579] : memref<25632xi32, #tpu.memory_space<vmem>> -> memref<8xi32, #tpu.memory_space<vmem>>
            %dma_wait3A_589 = tpu.memref_slice %arg5[%multiple_of3A_584] : memref<819200xi32, #tpu.memory_space<hbm>> -> memref<8xi32, #tpu.memory_space<hbm>>
            %dma_wait3A_590 = tpu.memref_slice %arg5[%multiple_of3A_584] : memref<819200xi32, #tpu.memory_space<hbm>> -> memref<8xi32, #tpu.memory_space<hbm>>
            %dma_wait3A_591 = tpu.memref_slice %arg9[%multiple_of3A_579] : memref<25632xi32, #tpu.memory_space<vmem>> -> memref<8xi32, #tpu.memory_space<vmem>>
            tpu.wait_dma2 semaphore(%run_scoped3A : memref<!tpu.dma_semaphore, #tpu.memory_space<semaphore_mem>>) src(%dma_wait3A_591 : memref<8xi32, #tpu.memory_space<vmem>>) dst(%dma_wait3A_590 : memref<8xi32, #tpu.memory_space<hbm>>)
            tpu.yield
          }) : () -> ()
          "tpu.region"() ({
            %run_scoped3A = tpu.sem_alloc : memref<!tpu.dma_semaphore, #tpu.memory_space<semaphore_mem>>
            %dma_start3A = tpu.memref_slice %arg10[%multiple_of3A_579] : memref<25632xi32, #tpu.memory_space<vmem>> -> memref<8xi32, #tpu.memory_space<vmem>>
            %dma_start3A_586 = tpu.memref_slice %arg6[%multiple_of3A_584] : memref<819200xi32, #tpu.memory_space<hbm>> -> memref<8xi32, #tpu.memory_space<hbm>>
            %dma_start3A_587 = tpu.memref_slice %arg6[%multiple_of3A_584] : memref<819200xi32, #tpu.memory_space<hbm>> -> memref<8xi32, #tpu.memory_space<hbm>>
            %dma_start3A_588 = tpu.memref_slice %arg10[%multiple_of3A_579] : memref<25632xi32, #tpu.memory_space<vmem>> -> memref<8xi32, #tpu.memory_space<vmem>>
            tpu.enqueue_dma source(%dma_start3A_588 : memref<8xi32, #tpu.memory_space<vmem>>) target(%dma_start3A_587 : memref<8xi32, #tpu.memory_space<hbm>>) target_semaphore(%run_scoped3A : memref<!tpu.dma_semaphore, #tpu.memory_space<semaphore_mem>>)
            %dma_wait3A = tpu.memref_slice %arg10[%multiple_of3A_579] : memref<25632xi32, #tpu.memory_space<vmem>> -> memref<8xi32, #tpu.memory_space<vmem>>
            %dma_wait3A_589 = tpu.memref_slice %arg6[%multiple_of3A_584] : memref<819200xi32, #tpu.memory_space<hbm>> -> memref<8xi32, #tpu.memory_space<hbm>>
            %dma_wait3A_590 = tpu.memref_slice %arg6[%multiple_of3A_584] : memref<819200xi32, #tpu.memory_space<hbm>> -> memref<8xi32, #tpu.memory_space<hbm>>
            %dma_wait3A_591 = tpu.memref_slice %arg10[%multiple_of3A_579] : memref<25632xi32, #tpu.memory_space<vmem>> -> memref<8xi32, #tpu.memory_space<vmem>>
            tpu.wait_dma2 semaphore(%run_scoped3A : memref<!tpu.dma_semaphore, #tpu.memory_space<semaphore_mem>>) src(%dma_wait3A_591 : memref<8xi32, #tpu.memory_space<vmem>>) dst(%dma_wait3A_590 : memref<8xi32, #tpu.memory_space<hbm>>)
            tpu.yield
          }) : () -> ()
          %while3A_585 = arith.constant 0 : i32
          scf.yield %while3A_585 : i32
        }
        %shift_right_arithmetic3A_555 = arith.constant 3 : i32
        %shift_right_arithmetic3A_556 = arith.shrsi %scan3A_522#0, %shift_right_arithmetic3A_555 : i32
        %shift_left3A_557 = arith.constant 3 : i32
        %shift_left3A_558 = arith.shli %shift_right_arithmetic3A_556, %shift_left3A_557 : i32
        %multiple_of3A_559 = tpu.assume_multiple %shift_left3A_558, 8 : i32
        %get3A_560 = arith.index_cast %multiple_of3A_559 : i32 to index
        %get3A_561 = tpu.vector_load %arg8[%get3A_560] {strides = array<i32>} : memref<25632xf32, #tpu.memory_space<vmem>>, vector<16xf32>,
        %get3A_562 = arith.index_cast %multiple_of3A_559 : i32 to index
        %get3A_563 = tpu.vector_load %arg9[%get3A_562] {strides = array<i32>} : memref<25632xi32, #tpu.memory_space<vmem>>, vector<16xi32>,
        %get3A_564 = arith.index_cast %multiple_of3A_559 : i32 to index
        %get3A_565 = tpu.vector_load %arg10[%get3A_564] {strides = array<i32>} : memref<25632xi32, #tpu.memory_space<vmem>>, vector<16xi32>,
        %swap3A_566 = arith.constant 0 : index
        %swap3A_567 = tpu.vector_load %arg8[%swap3A_566] {strides = array<i32>} : memref<25632xf32, #tpu.memory_space<vmem>>, vector<16xf32>,
        tpu.vector_store %arg8[%swap3A_566], %get3A_561 {strides = array<i32>} : memref<25632xf32, #tpu.memory_space<vmem>>, vector<16xf32>,
        %swap3A_568 = arith.constant 0 : index
        %swap3A_569 = tpu.vector_load %arg9[%swap3A_568] {strides = array<i32>} : memref<25632xi32, #tpu.memory_space<vmem>>, vector<16xi32>,
        tpu.vector_store %arg9[%swap3A_568], %get3A_563 {strides = array<i32>} : memref<25632xi32, #tpu.memory_space<vmem>>, vector<16xi32>,
        %swap3A_570 = arith.constant 0 : index
        %swap3A_571 = tpu.vector_load %arg10[%swap3A_570] {strides = array<i32>} : memref<25632xi32, #tpu.memory_space<vmem>>, vector<16xi32>,
        tpu.vector_store %arg10[%swap3A_570], %get3A_565 {strides = array<i32>} : memref<25632xi32, #tpu.memory_space<vmem>>, vector<16xi32>,
        %sub3A_572 = arith.subi %scan3A_522#0, %multiple_of3A_559 : i32
        %add3A_573 = arith.addi %scan3A_511, %multiple_of3A_559 : i32
        scf.yield %sub3A_572, %add3A_573 : i32, i32
      }
      %scan3A_24 = arith.constant 32 : i32
      %sub3A = arith.constant 819200 : i32
      %sub3A_25 = arith.subi %sub3A, %squeeze3A : i32
      %and3A_26 = arith.constant 7 : i32
      %and3A_27 = arith.andi %scan3A_23#0, %and3A_26 : i32
      %sub3A_28 = arith.constant 8 : i32
      %sub3A_29 = arith.subi %sub3A_28, %and3A_27 : i32
      %and3A_30 = arith.constant 7 : i32
      %and3A_31 = arith.andi %sub3A_29, %and3A_30 : i32
      %min3A = arith.minsi %sub3A_25, %and3A_31 : i32
      %add3A_32 = vector.broadcast %scan3A_23#0 : i32 to vector<16xi32>
      %add3A_33 = arith.addi %add3A_32, %iota3A : vector<16xi32>
      %lt3A = vector.broadcast %min3A : i32 to vector<16xi32>
      %lt3A_34 = arith.cmpi slt, %iota3A, %lt3A : vector<16xi32>
      tpu.vector_store_idx %arg8[%add3A_33], %broadcast_in_dim3A masked %lt3A_34 : memref<25632xf32, #tpu.memory_space<vmem>>[vector<16xi32>], vector<16xf32>, vector<16xi1>
      %add3A_35 = vector.broadcast %scan3A_23#0 : i32 to vector<16xi32>
      %add3A_36 = arith.addi %add3A_35, %iota3A : vector<16xi32>
      %lt3A_37 = vector.broadcast %min3A : i32 to vector<16xi32>
      %lt3A_38 = arith.cmpi slt, %iota3A, %lt3A_37 : vector<16xi32>
      tpu.vector_store_idx %arg9[%add3A_36], %broadcast_in_dim3A_17 masked %lt3A_38 : memref<25632xi32, #tpu.memory_space<vmem>>[vector<16xi32>], vector<16xi32>, vector<16xi1>
      %add3A_39 = vector.broadcast %scan3A_23#0 : i32 to vector<16xi32>
      %add3A_40 = arith.addi %add3A_39, %iota3A : vector<16xi32>
      %lt3A_41 = vector.broadcast %min3A : i32 to vector<16xi32>
      %lt3A_42 = arith.cmpi slt, %iota3A, %lt3A_41 : vector<16xi32>
      tpu.vector_store_idx %arg10[%add3A_40], %broadcast_in_dim3A_17 masked %lt3A_42 : memref<25632xi32, #tpu.memory_space<vmem>>[vector<16xi32>], vector<16xi32>, vector<16xi1>
      %add3A_43 = arith.addi %scan3A_23#0, %min3A : i32
      %shift_right_arithmetic3A = arith.constant 10 : i32
      %shift_right_arithmetic3A_44 = arith.shrsi %add3A_43, %shift_right_arithmetic3A : i32
      %while3A = arith.constant 0 : i32
      %while3A_45 = arith.constant 0 : i32
      %while3A_46 = arith.subi %shift_right_arithmetic3A_44, %while3A : i32
      %while3A_47 = arith.addi %while3A, %while3A_46 : i32
      %while3A_48 = arith.constant 1 : i32
      %while3A_49 = arith.divsi %while3A_46, %while3A_48 : i32
      %while3A_50 = arith.muli %while3A_49, %while3A_48 : i32
      %while3A_51 = arith.addi %while3A, %while3A_50 : i32
      %while3A_52 = arith.constant 1 : i32
      %while3A_53 = scf.for %while3A_509 = %while3A to %while3A_51 step %while3A_52 iter_args(%while3A_510 = %while3A_45) -> (i32)  : i32 {
        %mul3A_511 = arith.constant 1024 : i32
        %mul3A_512 = arith.muli %while3A_509, %mul3A_511 : i32
        %multiple_of3A_513 = tpu.assume_multiple %mul3A_512, 8 : i32
        %mul3A_514 = arith.constant 1024 : i32
        %mul3A_515 = arith.muli %while3A_509, %mul3A_514 : i32
        %add3A_516 = arith.addi %scan3A_23#1, %mul3A_515 : i32
        %multiple_of3A_517 = tpu.assume_multiple %add3A_516, 8 : i32
        "tpu.region"() ({
          %run_scoped3A = tpu.sem_alloc : memref<!tpu.dma_semaphore, #tpu.memory_space<semaphore_mem>>
          %dma_start3A = tpu.memref_slice %arg8[%multiple_of3A_513] : memref<25632xf32, #tpu.memory_space<vmem>> -> memref<1024xf32, #tpu.memory_space<vmem>>
          %dma_start3A_519 = tpu.memref_slice %arg4[%multiple_of3A_517] : memref<819200xf32, #tpu.memory_space<hbm>> -> memref<1024xf32, #tpu.memory_space<hbm>>
          %dma_start3A_520 = tpu.memref_slice %arg4[%multiple_of3A_517] : memref<819200xf32, #tpu.memory_space<hbm>> -> memref<1024xf32, #tpu.memory_space<hbm>>
          %dma_start3A_521 = tpu.memref_slice %arg8[%multiple_of3A_513] : memref<25632xf32, #tpu.memory_space<vmem>> -> memref<1024xf32, #tpu.memory_space<vmem>>
          tpu.enqueue_dma source(%dma_start3A_521 : memref<1024xf32, #tpu.memory_space<vmem>>) target(%dma_start3A_520 : memref<1024xf32, #tpu.memory_space<hbm>>) target_semaphore(%run_scoped3A : memref<!tpu.dma_semaphore, #tpu.memory_space<semaphore_mem>>)
          %dma_wait3A = tpu.memref_slice %arg8[%multiple_of3A_513] : memref<25632xf32, #tpu.memory_space<vmem>> -> memref<1024xf32, #tpu.memory_space<vmem>>
          %dma_wait3A_522 = tpu.memref_slice %arg4[%multiple_of3A_517] : memref<819200xf32, #tpu.memory_space<hbm>> -> memref<1024xf32, #tpu.memory_space<hbm>>
          %dma_wait3A_523 = tpu.memref_slice %arg4[%multiple_of3A_517] : memref<819200xf32, #tpu.memory_space<hbm>> -> memref<1024xf32, #tpu.memory_space<hbm>>
          %dma_wait3A_524 = tpu.memref_slice %arg8[%multiple_of3A_513] : memref<25632xf32, #tpu.memory_space<vmem>> -> memref<1024xf32, #tpu.memory_space<vmem>>
          tpu.wait_dma2 semaphore(%run_scoped3A : memref<!tpu.dma_semaphore, #tpu.memory_space<semaphore_mem>>) src(%dma_wait3A_524 : memref<1024xf32, #tpu.memory_space<vmem>>) dst(%dma_wait3A_523 : memref<1024xf32, #tpu.memory_space<hbm>>)
          tpu.yield
        }) : () -> ()
        "tpu.region"() ({
          %run_scoped3A = tpu.sem_alloc : memref<!tpu.dma_semaphore, #tpu.memory_space<semaphore_mem>>
          %dma_start3A = tpu.memref_slice %arg9[%multiple_of3A_513] : memref<25632xi32, #tpu.memory_space<vmem>> -> memref<1024xi32, #tpu.memory_space<vmem>>
          %dma_start3A_519 = tpu.memref_slice %arg5[%multiple_of3A_517] : memref<819200xi32, #tpu.memory_space<hbm>> -> memref<1024xi32, #tpu.memory_space<hbm>>
          %dma_start3A_520 = tpu.memref_slice %arg5[%multiple_of3A_517] : memref<819200xi32, #tpu.memory_space<hbm>> -> memref<1024xi32, #tpu.memory_space<hbm>>
          %dma_start3A_521 = tpu.memref_slice %arg9[%multiple_of3A_513] : memref<25632xi32, #tpu.memory_space<vmem>> -> memref<1024xi32, #tpu.memory_space<vmem>>
          tpu.enqueue_dma source(%dma_start3A_521 : memref<1024xi32, #tpu.memory_space<vmem>>) target(%dma_start3A_520 : memref<1024xi32, #tpu.memory_space<hbm>>) target_semaphore(%run_scoped3A : memref<!tpu.dma_semaphore, #tpu.memory_space<semaphore_mem>>)
          %dma_wait3A = tpu.memref_slice %arg9[%multiple_of3A_513] : memref<25632xi32, #tpu.memory_space<vmem>> -> memref<1024xi32, #tpu.memory_space<vmem>>
          %dma_wait3A_522 = tpu.memref_slice %arg5[%multiple_of3A_517] : memref<819200xi32, #tpu.memory_space<hbm>> -> memref<1024xi32, #tpu.memory_space<hbm>>
          %dma_wait3A_523 = tpu.memref_slice %arg5[%multiple_of3A_517] : memref<819200xi32, #tpu.memory_space<hbm>> -> memref<1024xi32, #tpu.memory_space<hbm>>
          %dma_wait3A_524 = tpu.memref_slice %arg9[%multiple_of3A_513] : memref<25632xi32, #tpu.memory_space<vmem>> -> memref<1024xi32, #tpu.memory_space<vmem>>
          tpu.wait_dma2 semaphore(%run_scoped3A : memref<!tpu.dma_semaphore, #tpu.memory_space<semaphore_mem>>) src(%dma_wait3A_524 : memref<1024xi32, #tpu.memory_space<vmem>>) dst(%dma_wait3A_523 : memref<1024xi32, #tpu.memory_space<hbm>>)
          tpu.yield
        }) : () -> ()
        "tpu.region"() ({
          %run_scoped3A = tpu.sem_alloc : memref<!tpu.dma_semaphore, #tpu.memory_space<semaphore_mem>>
          %dma_start3A = tpu.memref_slice %arg10[%multiple_of3A_513] : memref<25632xi32, #tpu.memory_space<vmem>> -> memref<1024xi32, #tpu.memory_space<vmem>>
          %dma_start3A_519 = tpu.memref_slice %arg6[%multiple_of3A_517] : memref<819200xi32, #tpu.memory_space<hbm>> -> memref<1024xi32, #tpu.memory_space<hbm>>
          %dma_start3A_520 = tpu.memref_slice %arg6[%multiple_of3A_517] : memref<819200xi32, #tpu.memory_space<hbm>> -> memref<1024xi32, #tpu.memory_space<hbm>>
          %dma_start3A_521 = tpu.memref_slice %arg10[%multiple_of3A_513] : memref<25632xi32, #tpu.memory_space<vmem>> -> memref<1024xi32, #tpu.memory_space<vmem>>
          tpu.enqueue_dma source(%dma_start3A_521 : memref<1024xi32, #tpu.memory_space<vmem>>) target(%dma_start3A_520 : memref<1024xi32, #tpu.memory_space<hbm>>) target_semaphore(%run_scoped3A : memref<!tpu.dma_semaphore, #tpu.memory_space<semaphore_mem>>)
          %dma_wait3A = tpu.memref_slice %arg10[%multiple_of3A_513] : memref<25632xi32, #tpu.memory_space<vmem>> -> memref<1024xi32, #tpu.memory_space<vmem>>
          %dma_wait3A_522 = tpu.memref_slice %arg6[%multiple_of3A_517] : memref<819200xi32, #tpu.memory_space<hbm>> -> memref<1024xi32, #tpu.memory_space<hbm>>
          %dma_wait3A_523 = tpu.memref_slice %arg6[%multiple_of3A_517] : memref<819200xi32, #tpu.memory_space<hbm>> -> memref<1024xi32, #tpu.memory_space<hbm>>
          %dma_wait3A_524 = tpu.memref_slice %arg10[%multiple_of3A_513] : memref<25632xi32, #tpu.memory_space<vmem>> -> memref<1024xi32, #tpu.memory_space<vmem>>
          tpu.wait_dma2 semaphore(%run_scoped3A : memref<!tpu.dma_semaphore, #tpu.memory_space<semaphore_mem>>) src(%dma_wait3A_524 : memref<1024xi32, #tpu.memory_space<vmem>>) dst(%dma_wait3A_523 : memref<1024xi32, #tpu.memory_space<hbm>>)
          tpu.yield
        }) : () -> ()
        %while3A_518 = arith.constant 0 : i32
        scf.yield %while3A_518 : i32
      }
      %while3A_54 = arith.constant 1 : i32
      %while3A_55 = scf.for %while3A_509 = %while3A_51 to %while3A_47 step %while3A_54 iter_args(%while3A_510 = %while3A_53) -> (i32)  : i32 {
        %mul3A_511 = arith.constant 1024 : i32
        %mul3A_512 = arith.muli %while3A_509, %mul3A_511 : i32
        %multiple_of3A_513 = tpu.assume_multiple %mul3A_512, 8 : i32
        %mul3A_514 = arith.constant 1024 : i32
        %mul3A_515 = arith.muli %while3A_509, %mul3A_514 : i32
        %add3A_516 = arith.addi %scan3A_23#1, %mul3A_515 : i32
        %multiple_of3A_517 = tpu.assume_multiple %add3A_516, 8 : i32
        "tpu.region"() ({
          %run_scoped3A = tpu.sem_alloc : memref<!tpu.dma_semaphore, #tpu.memory_space<semaphore_mem>>
          %dma_start3A = tpu.memref_slice %arg8[%multiple_of3A_513] : memref<25632xf32, #tpu.memory_space<vmem>> -> memref<1024xf32, #tpu.memory_space<vmem>>
          %dma_start3A_519 = tpu.memref_slice %arg4[%multiple_of3A_517] : memref<819200xf32, #tpu.memory_space<hbm>> -> memref<1024xf32, #tpu.memory_space<hbm>>
          %dma_start3A_520 = tpu.memref_slice %arg4[%multiple_of3A_517] : memref<819200xf32, #tpu.memory_space<hbm>> -> memref<1024xf32, #tpu.memory_space<hbm>>
          %dma_start3A_521 = tpu.memref_slice %arg8[%multiple_of3A_513] : memref<25632xf32, #tpu.memory_space<vmem>> -> memref<1024xf32, #tpu.memory_space<vmem>>
          tpu.enqueue_dma source(%dma_start3A_521 : memref<1024xf32, #tpu.memory_space<vmem>>) target(%dma_start3A_520 : memref<1024xf32, #tpu.memory_space<hbm>>) target_semaphore(%run_scoped3A : memref<!tpu.dma_semaphore, #tpu.memory_space<semaphore_mem>>)
          %dma_wait3A = tpu.memref_slice %arg8[%multiple_of3A_513] : memref<25632xf32, #tpu.memory_space<vmem>> -> memref<1024xf32, #tpu.memory_space<vmem>>
          %dma_wait3A_522 = tpu.memref_slice %arg4[%multiple_of3A_517] : memref<819200xf32, #tpu.memory_space<hbm>> -> memref<1024xf32, #tpu.memory_space<hbm>>
          %dma_wait3A_523 = tpu.memref_slice %arg4[%multiple_of3A_517] : memref<819200xf32, #tpu.memory_space<hbm>> -> memref<1024xf32, #tpu.memory_space<hbm>>
          %dma_wait3A_524 = tpu.memref_slice %arg8[%multiple_of3A_513] : memref<25632xf32, #tpu.memory_space<vmem>> -> memref<1024xf32, #tpu.memory_space<vmem>>
          tpu.wait_dma2 semaphore(%run_scoped3A : memref<!tpu.dma_semaphore, #tpu.memory_space<semaphore_mem>>) src(%dma_wait3A_524 : memref<1024xf32, #tpu.memory_space<vmem>>) dst(%dma_wait3A_523 : memref<1024xf32, #tpu.memory_space<hbm>>)
          tpu.yield
        }) : () -> ()
        "tpu.region"() ({
          %run_scoped3A = tpu.sem_alloc : memref<!tpu.dma_semaphore, #tpu.memory_space<semaphore_mem>>
          %dma_start3A = tpu.memref_slice %arg9[%multiple_of3A_513] : memref<25632xi32, #tpu.memory_space<vmem>> -> memref<1024xi32, #tpu.memory_space<vmem>>
          %dma_start3A_519 = tpu.memref_slice %arg5[%multiple_of3A_517] : memref<819200xi32, #tpu.memory_space<hbm>> -> memref<1024xi32, #tpu.memory_space<hbm>>
          %dma_start3A_520 = tpu.memref_slice %arg5[%multiple_of3A_517] : memref<819200xi32, #tpu.memory_space<hbm>> -> memref<1024xi32, #tpu.memory_space<hbm>>
          %dma_start3A_521 = tpu.memref_slice %arg9[%multiple_of3A_513] : memref<25632xi32, #tpu.memory_space<vmem>> -> memref<1024xi32, #tpu.memory_space<vmem>>
          tpu.enqueue_dma source(%dma_start3A_521 : memref<1024xi32, #tpu.memory_space<vmem>>) target(%dma_start3A_520 : memref<1024xi32, #tpu.memory_space<hbm>>) target_semaphore(%run_scoped3A : memref<!tpu.dma_semaphore, #tpu.memory_space<semaphore_mem>>)
          %dma_wait3A = tpu.memref_slice %arg9[%multiple_of3A_513] : memref<25632xi32, #tpu.memory_space<vmem>> -> memref<1024xi32, #tpu.memory_space<vmem>>
          %dma_wait3A_522 = tpu.memref_slice %arg5[%multiple_of3A_517] : memref<819200xi32, #tpu.memory_space<hbm>> -> memref<1024xi32, #tpu.memory_space<hbm>>
          %dma_wait3A_523 = tpu.memref_slice %arg5[%multiple_of3A_517] : memref<819200xi32, #tpu.memory_space<hbm>> -> memref<1024xi32, #tpu.memory_space<hbm>>
          %dma_wait3A_524 = tpu.memref_slice %arg9[%multiple_of3A_513] : memref<25632xi32, #tpu.memory_space<vmem>> -> memref<1024xi32, #tpu.memory_space<vmem>>
          tpu.wait_dma2 semaphore(%run_scoped3A : memref<!tpu.dma_semaphore, #tpu.memory_space<semaphore_mem>>) src(%dma_wait3A_524 : memref<1024xi32, #tpu.memory_space<vmem>>) dst(%dma_wait3A_523 : memref<1024xi32, #tpu.memory_space<hbm>>)
          tpu.yield
        }) : () -> ()
        "tpu.region"() ({
          %run_scoped3A = tpu.sem_alloc : memref<!tpu.dma_semaphore, #tpu.memory_space<semaphore_mem>>
          %dma_start3A = tpu.memref_slice %arg10[%multiple_of3A_513] : memref<25632xi32, #tpu.memory_space<vmem>> -> memref<1024xi32, #tpu.memory_space<vmem>>
          %dma_start3A_519 = tpu.memref_slice %arg6[%multiple_of3A_517] : memref<819200xi32, #tpu.memory_space<hbm>> -> memref<1024xi32, #tpu.memory_space<hbm>>
          %dma_start3A_520 = tpu.memref_slice %arg6[%multiple_of3A_517] : memref<819200xi32, #tpu.memory_space<hbm>> -> memref<1024xi32, #tpu.memory_space<hbm>>
          %dma_start3A_521 = tpu.memref_slice %arg10[%multiple_of3A_513] : memref<25632xi32, #tpu.memory_space<vmem>> -> memref<1024xi32, #tpu.memory_space<vmem>>
          tpu.enqueue_dma source(%dma_start3A_521 : memref<1024xi32, #tpu.memory_space<vmem>>) target(%dma_start3A_520 : memref<1024xi32, #tpu.memory_space<hbm>>) target_semaphore(%run_scoped3A : memref<!tpu.dma_semaphore, #tpu.memory_space<semaphore_mem>>)
          %dma_wait3A = tpu.memref_slice %arg10[%multiple_of3A_513] : memref<25632xi32, #tpu.memory_space<vmem>> -> memref<1024xi32, #tpu.memory_space<vmem>>
          %dma_wait3A_522 = tpu.memref_slice %arg6[%multiple_of3A_517] : memref<819200xi32, #tpu.memory_space<hbm>> -> memref<1024xi32, #tpu.memory_space<hbm>>
          %dma_wait3A_523 = tpu.memref_slice %arg6[%multiple_of3A_517] : memref<819200xi32, #tpu.memory_space<hbm>> -> memref<1024xi32, #tpu.memory_space<hbm>>
          %dma_wait3A_524 = tpu.memref_slice %arg10[%multiple_of3A_513] : memref<25632xi32, #tpu.memory_space<vmem>> -> memref<1024xi32, #tpu.memory_space<vmem>>
          tpu.wait_dma2 semaphore(%run_scoped3A : memref<!tpu.dma_semaphore, #tpu.memory_space<semaphore_mem>>) src(%dma_wait3A_524 : memref<1024xi32, #tpu.memory_space<vmem>>) dst(%dma_wait3A_523 : memref<1024xi32, #tpu.memory_space<hbm>>)
          tpu.yield
        }) : () -> ()
        %while3A_518 = arith.constant 0 : i32
        scf.yield %while3A_518 : i32
      }
      %shift_left3A = arith.constant 10 : i32
      %shift_left3A_56 = arith.shli %shift_right_arithmetic3A_44, %shift_left3A : i32
      %sub3A_57 = arith.subi %add3A_43, %shift_left3A_56 : i32
      %shift_right_arithmetic3A_58 = arith.constant 3 : i32
      %shift_right_arithmetic3A_59 = arith.shrsi %sub3A_57, %shift_right_arithmetic3A_58 : i32
      %while3A_60 = arith.constant 0 : i32
      %while3A_61 = arith.constant 0 : i32
      %while3A_62 = arith.subi %shift_right_arithmetic3A_59, %while3A_60 : i32
      %while3A_63 = arith.addi %while3A_60, %while3A_62 : i32
      %while3A_64 = arith.constant 1 : i32
      %while3A_65 = arith.divsi %while3A_62, %while3A_64 : i32
      %while3A_66 = arith.muli %while3A_65, %while3A_64 : i32
      %while3A_67 = arith.addi %while3A_60, %while3A_66 : i32
      %while3A_68 = arith.constant 1 : i32
      %while3A_69 = scf.for %while3A_509 = %while3A_60 to %while3A_67 step %while3A_68 iter_args(%while3A_510 = %while3A_61) -> (i32)  : i32 {
        %mul3A_511 = arith.constant 8 : i32
        %mul3A_512 = arith.muli %while3A_509, %mul3A_511 : i32
        %add3A_513 = arith.addi %shift_left3A_56, %mul3A_512 : i32
        %multiple_of3A_514 = tpu.assume_multiple %add3A_513, 8 : i32
        %add3A_515 = arith.addi %scan3A_23#1, %shift_left3A_56 : i32
        %mul3A_516 = arith.constant 8 : i32
        %mul3A_517 = arith.muli %while3A_509, %mul3A_516 : i32
        %add3A_518 = arith.addi %add3A_515, %mul3A_517 : i32
        %multiple_of3A_519 = tpu.assume_multiple %add3A_518, 8 : i32
        "tpu.region"() ({
          %run_scoped3A = tpu.sem_alloc : memref<!tpu.dma_semaphore, #tpu.memory_space<semaphore_mem>>
          %dma_start3A = tpu.memref_slice %arg8[%multiple_of3A_514] : memref<25632xf32, #tpu.memory_space<vmem>> -> memref<8xf32, #tpu.memory_space<vmem>>
          %dma_start3A_521 = tpu.memref_slice %arg4[%multiple_of3A_519] : memref<819200xf32, #tpu.memory_space<hbm>> -> memref<8xf32, #tpu.memory_space<hbm>>
          %dma_start3A_522 = tpu.memref_slice %arg4[%multiple_of3A_519] : memref<819200xf32, #tpu.memory_space<hbm>> -> memref<8xf32, #tpu.memory_space<hbm>>
          %dma_start3A_523 = tpu.memref_slice %arg8[%multiple_of3A_514] : memref<25632xf32, #tpu.memory_space<vmem>> -> memref<8xf32, #tpu.memory_space<vmem>>
          tpu.enqueue_dma source(%dma_start3A_523 : memref<8xf32, #tpu.memory_space<vmem>>) target(%dma_start3A_522 : memref<8xf32, #tpu.memory_space<hbm>>) target_semaphore(%run_scoped3A : memref<!tpu.dma_semaphore, #tpu.memory_space<semaphore_mem>>)
          %dma_wait3A = tpu.memref_slice %arg8[%multiple_of3A_514] : memref<25632xf32, #tpu.memory_space<vmem>> -> memref<8xf32, #tpu.memory_space<vmem>>
          %dma_wait3A_524 = tpu.memref_slice %arg4[%multiple_of3A_519] : memref<819200xf32, #tpu.memory_space<hbm>> -> memref<8xf32, #tpu.memory_space<hbm>>
          %dma_wait3A_525 = tpu.memref_slice %arg4[%multiple_of3A_519] : memref<819200xf32, #tpu.memory_space<hbm>> -> memref<8xf32, #tpu.memory_space<hbm>>
          %dma_wait3A_526 = tpu.memref_slice %arg8[%multiple_of3A_514] : memref<25632xf32, #tpu.memory_space<vmem>> -> memref<8xf32, #tpu.memory_space<vmem>>
          tpu.wait_dma2 semaphore(%run_scoped3A : memref<!tpu.dma_semaphore, #tpu.memory_space<semaphore_mem>>) src(%dma_wait3A_526 : memref<8xf32, #tpu.memory_space<vmem>>) dst(%dma_wait3A_525 : memref<8xf32, #tpu.memory_space<hbm>>)
          tpu.yield
        }) : () -> ()
        "tpu.region"() ({
          %run_scoped3A = tpu.sem_alloc : memref<!tpu.dma_semaphore, #tpu.memory_space<semaphore_mem>>
          %dma_start3A = tpu.memref_slice %arg9[%multiple_of3A_514] : memref<25632xi32, #tpu.memory_space<vmem>> -> memref<8xi32, #tpu.memory_space<vmem>>
          %dma_start3A_521 = tpu.memref_slice %arg5[%multiple_of3A_519] : memref<819200xi32, #tpu.memory_space<hbm>> -> memref<8xi32, #tpu.memory_space<hbm>>
          %dma_start3A_522 = tpu.memref_slice %arg5[%multiple_of3A_519] : memref<819200xi32, #tpu.memory_space<hbm>> -> memref<8xi32, #tpu.memory_space<hbm>>
          %dma_start3A_523 = tpu.memref_slice %arg9[%multiple_of3A_514] : memref<25632xi32, #tpu.memory_space<vmem>> -> memref<8xi32, #tpu.memory_space<vmem>>
          tpu.enqueue_dma source(%dma_start3A_523 : memref<8xi32, #tpu.memory_space<vmem>>) target(%dma_start3A_522 : memref<8xi32, #tpu.memory_space<hbm>>) target_semaphore(%run_scoped3A : memref<!tpu.dma_semaphore, #tpu.memory_space<semaphore_mem>>)
          %dma_wait3A = tpu.memref_slice %arg9[%multiple_of3A_514] : memref<25632xi32, #tpu.memory_space<vmem>> -> memref<8xi32, #tpu.memory_space<vmem>>
          %dma_wait3A_524 = tpu.memref_slice %arg5[%multiple_of3A_519] : memref<819200xi32, #tpu.memory_space<hbm>> -> memref<8xi32, #tpu.memory_space<hbm>>
          %dma_wait3A_525 = tpu.memref_slice %arg5[%multiple_of3A_519] : memref<819200xi32, #tpu.memory_space<hbm>> -> memref<8xi32, #tpu.memory_space<hbm>>
          %dma_wait3A_526 = tpu.memref_slice %arg9[%multiple_of3A_514] : memref<25632xi32, #tpu.memory_space<vmem>> -> memref<8xi32, #tpu.memory_space<vmem>>
          tpu.wait_dma2 semaphore(%run_scoped3A : memref<!tpu.dma_semaphore, #tpu.memory_space<semaphore_mem>>) src(%dma_wait3A_526 : memref<8xi32, #tpu.memory_space<vmem>>) dst(%dma_wait3A_525 : memref<8xi32, #tpu.memory_space<hbm>>)
          tpu.yield
        }) : () -> ()
        "tpu.region"() ({
          %run_scoped3A = tpu.sem_alloc : memref<!tpu.dma_semaphore, #tpu.memory_space<semaphore_mem>>
          %dma_start3A = tpu.memref_slice %arg10[%multiple_of3A_514] : memref<25632xi32, #tpu.memory_space<vmem>> -> memref<8xi32, #tpu.memory_space<vmem>>
          %dma_start3A_521 = tpu.memref_slice %arg6[%multiple_of3A_519] : memref<819200xi32, #tpu.memory_space<hbm>> -> memref<8xi32, #tpu.memory_space<hbm>>
          %dma_start3A_522 = tpu.memref_slice %arg6[%multiple_of3A_519] : memref<819200xi32, #tpu.memory_space<hbm>> -> memref<8xi32, #tpu.memory_space<hbm>>
          %dma_start3A_523 = tpu.memref_slice %arg10[%multiple_of3A_514] : memref<25632xi32, #tpu.memory_space<vmem>> -> memref<8xi32, #tpu.memory_space<vmem>>
          tpu.enqueue_dma source(%dma_start3A_523 : memref<8xi32, #tpu.memory_space<vmem>>) target(%dma_start3A_522 : memref<8xi32, #tpu.memory_space<hbm>>) target_semaphore(%run_scoped3A : memref<!tpu.dma_semaphore, #tpu.memory_space<semaphore_mem>>)
          %dma_wait3A = tpu.memref_slice %arg10[%multiple_of3A_514] : memref<25632xi32, #tpu.memory_space<vmem>> -> memref<8xi32, #tpu.memory_space<vmem>>
          %dma_wait3A_524 = tpu.memref_slice %arg6[%multiple_of3A_519] : memref<819200xi32, #tpu.memory_space<hbm>> -> memref<8xi32, #tpu.memory_space<hbm>>
          %dma_wait3A_525 = tpu.memref_slice %arg6[%multiple_of3A_519] : memref<819200xi32, #tpu.memory_space<hbm>> -> memref<8xi32, #tpu.memory_space<hbm>>
          %dma_wait3A_526 = tpu.memref_slice %arg10[%multiple_of3A_514] : memref<25632xi32, #tpu.memory_space<vmem>> -> memref<8xi32, #tpu.memory_space<vmem>>
          tpu.wait_dma2 semaphore(%run_scoped3A : memref<!tpu.dma_semaphore, #tpu.memory_space<semaphore_mem>>) src(%dma_wait3A_526 : memref<8xi32, #tpu.memory_space<vmem>>) dst(%dma_wait3A_525 : memref<8xi32, #tpu.memory_space<hbm>>)
          tpu.yield
        }) : () -> ()
        %while3A_520 = arith.constant 0 : i32
        scf.yield %while3A_520 : i32
      }
      %while3A_70 = arith.constant 1 : i32
      %while3A_71 = scf.for %while3A_509 = %while3A_67 to %while3A_63 step %while3A_70 iter_args(%while3A_510 = %while3A_69) -> (i32)  : i32 {
        %mul3A_511 = arith.constant 8 : i32
        %mul3A_512 = arith.muli %while3A_509, %mul3A_511 : i32
        %add3A_513 = arith.addi %shift_left3A_56, %mul3A_512 : i32
        %multiple_of3A_514 = tpu.assume_multiple %add3A_513, 8 : i32
        %add3A_515 = arith.addi %scan3A_23#1, %shift_left3A_56 : i32
        %mul3A_516 = arith.constant 8 : i32
        %mul3A_517 = arith.muli %while3A_509, %mul3A_516 : i32
        %add3A_518 = arith.addi %add3A_515, %mul3A_517 : i32
        %multiple_of3A_519 = tpu.assume_multiple %add3A_518, 8 : i32
        "tpu.region"() ({
          %run_scoped3A = tpu.sem_alloc : memref<!tpu.dma_semaphore, #tpu.memory_space<semaphore_mem>>
          %dma_start3A = tpu.memref_slice %arg8[%multiple_of3A_514] : memref<25632xf32, #tpu.memory_space<vmem>> -> memref<8xf32, #tpu.memory_space<vmem>>
          %dma_start3A_521 = tpu.memref_slice %arg4[%multiple_of3A_519] : memref<819200xf32, #tpu.memory_space<hbm>> -> memref<8xf32, #tpu.memory_space<hbm>>
          %dma_start3A_522 = tpu.memref_slice %arg4[%multiple_of3A_519] : memref<819200xf32, #tpu.memory_space<hbm>> -> memref<8xf32, #tpu.memory_space<hbm>>
          %dma_start3A_523 = tpu.memref_slice %arg8[%multiple_of3A_514] : memref<25632xf32, #tpu.memory_space<vmem>> -> memref<8xf32, #tpu.memory_space<vmem>>
          tpu.enqueue_dma source(%dma_start3A_523 : memref<8xf32, #tpu.memory_space<vmem>>) target(%dma_start3A_522 : memref<8xf32, #tpu.memory_space<hbm>>) target_semaphore(%run_scoped3A : memref<!tpu.dma_semaphore, #tpu.memory_space<semaphore_mem>>)
          %dma_wait3A = tpu.memref_slice %arg8[%multiple_of3A_514] : memref<25632xf32, #tpu.memory_space<vmem>> -> memref<8xf32, #tpu.memory_space<vmem>>
          %dma_wait3A_524 = tpu.memref_slice %arg4[%multiple_of3A_519] : memref<819200xf32, #tpu.memory_space<hbm>> -> memref<8xf32, #tpu.memory_space<hbm>>
          %dma_wait3A_525 = tpu.memref_slice %arg4[%multiple_of3A_519] : memref<819200xf32, #tpu.memory_space<hbm>> -> memref<8xf32, #tpu.memory_space<hbm>>
          %dma_wait3A_526 = tpu.memref_slice %arg8[%multiple_of3A_514] : memref<25632xf32, #tpu.memory_space<vmem>> -> memref<8xf32, #tpu.memory_space<vmem>>
          tpu.wait_dma2 semaphore(%run_scoped3A : memref<!tpu.dma_semaphore, #tpu.memory_space<semaphore_mem>>) src(%dma_wait3A_526 : memref<8xf32, #tpu.memory_space<vmem>>) dst(%dma_wait3A_525 : memref<8xf32, #tpu.memory_space<hbm>>)
          tpu.yield
        }) : () -> ()
        "tpu.region"() ({
          %run_scoped3A = tpu.sem_alloc : memref<!tpu.dma_semaphore, #tpu.memory_space<semaphore_mem>>
          %dma_start3A = tpu.memref_slice %arg9[%multiple_of3A_514] : memref<25632xi32, #tpu.memory_space<vmem>> -> memref<8xi32, #tpu.memory_space<vmem>>
          %dma_start3A_521 = tpu.memref_slice %arg5[%multiple_of3A_519] : memref<819200xi32, #tpu.memory_space<hbm>> -> memref<8xi32, #tpu.memory_space<hbm>>
          %dma_start3A_522 = tpu.memref_slice %arg5[%multiple_of3A_519] : memref<819200xi32, #tpu.memory_space<hbm>> -> memref<8xi32, #tpu.memory_space<hbm>>
          %dma_start3A_523 = tpu.memref_slice %arg9[%multiple_of3A_514] : memref<25632xi32, #tpu.memory_space<vmem>> -> memref<8xi32, #tpu.memory_space<vmem>>
          tpu.enqueue_dma source(%dma_start3A_523 : memref<8xi32, #tpu.memory_space<vmem>>) target(%dma_start3A_522 : memref<8xi32, #tpu.memory_space<hbm>>) target_semaphore(%run_scoped3A : memref<!tpu.dma_semaphore, #tpu.memory_space<semaphore_mem>>)
          %dma_wait3A = tpu.memref_slice %arg9[%multiple_of3A_514] : memref<25632xi32, #tpu.memory_space<vmem>> -> memref<8xi32, #tpu.memory_space<vmem>>
          %dma_wait3A_524 = tpu.memref_slice %arg5[%multiple_of3A_519] : memref<819200xi32, #tpu.memory_space<hbm>> -> memref<8xi32, #tpu.memory_space<hbm>>
          %dma_wait3A_525 = tpu.memref_slice %arg5[%multiple_of3A_519] : memref<819200xi32, #tpu.memory_space<hbm>> -> memref<8xi32, #tpu.memory_space<hbm>>
          %dma_wait3A_526 = tpu.memref_slice %arg9[%multiple_of3A_514] : memref<25632xi32, #tpu.memory_space<vmem>> -> memref<8xi32, #tpu.memory_space<vmem>>
          tpu.wait_dma2 semaphore(%run_scoped3A : memref<!tpu.dma_semaphore, #tpu.memory_space<semaphore_mem>>) src(%dma_wait3A_526 : memref<8xi32, #tpu.memory_space<vmem>>) dst(%dma_wait3A_525 : memref<8xi32, #tpu.memory_space<hbm>>)
          tpu.yield
        }) : () -> ()
        "tpu.region"() ({
          %run_scoped3A = tpu.sem_alloc : memref<!tpu.dma_semaphore, #tpu.memory_space<semaphore_mem>>
          %dma_start3A = tpu.memref_slice %arg10[%multiple_of3A_514] : memref<25632xi32, #tpu.memory_space<vmem>> -> memref<8xi32, #tpu.memory_space<vmem>>
          %dma_start3A_521 = tpu.memref_slice %arg6[%multiple_of3A_519] : memref<819200xi32, #tpu.memory_space<hbm>> -> memref<8xi32, #tpu.memory_space<hbm>>
          %dma_start3A_522 = tpu.memref_slice %arg6[%multiple_of3A_519] : memref<819200xi32, #tpu.memory_space<hbm>> -> memref<8xi32, #tpu.memory_space<hbm>>
          %dma_start3A_523 = tpu.memref_slice %arg10[%multiple_of3A_514] : memref<25632xi32, #tpu.memory_space<vmem>> -> memref<8xi32, #tpu.memory_space<vmem>>
          tpu.enqueue_dma source(%dma_start3A_523 : memref<8xi32, #tpu.memory_space<vmem>>) target(%dma_start3A_522 : memref<8xi32, #tpu.memory_space<hbm>>) target_semaphore(%run_scoped3A : memref<!tpu.dma_semaphore, #tpu.memory_space<semaphore_mem>>)
          %dma_wait3A = tpu.memref_slice %arg10[%multiple_of3A_514] : memref<25632xi32, #tpu.memory_space<vmem>> -> memref<8xi32, #tpu.memory_space<vmem>>
          %dma_wait3A_524 = tpu.memref_slice %arg6[%multiple_of3A_519] : memref<819200xi32, #tpu.memory_space<hbm>> -> memref<8xi32, #tpu.memory_space<hbm>>
          %dma_wait3A_525 = tpu.memref_slice %arg6[%multiple_of3A_519] : memref<819200xi32, #tpu.memory_space<hbm>> -> memref<8xi32, #tpu.memory_space<hbm>>
          %dma_wait3A_526 = tpu.memref_slice %arg10[%multiple_of3A_514] : memref<25632xi32, #tpu.memory_space<vmem>> -> memref<8xi32, #tpu.memory_space<vmem>>
          tpu.wait_dma2 semaphore(%run_scoped3A : memref<!tpu.dma_semaphore, #tpu.memory_space<semaphore_mem>>) src(%dma_wait3A_526 : memref<8xi32, #tpu.memory_space<vmem>>) dst(%dma_wait3A_525 : memref<8xi32, #tpu.memory_space<hbm>>)
          tpu.yield
        }) : () -> ()
        %while3A_520 = arith.constant 0 : i32
        scf.yield %while3A_520 : i32
      }
      %shift_right_arithmetic3A_72 = arith.constant 3 : i32
      %shift_right_arithmetic3A_73 = arith.shrsi %add3A_43, %shift_right_arithmetic3A_72 : i32
      %shift_left3A_74 = arith.constant 3 : i32
      %shift_left3A_75 = arith.shli %shift_right_arithmetic3A_73, %shift_left3A_74 : i32
      %multiple_of3A_76 = tpu.assume_multiple %shift_left3A_75, 8 : i32
      %get3A_77 = arith.index_cast %multiple_of3A_76 : i32 to index
      %get3A_78 = tpu.vector_load %arg8[%get3A_77] {strides = array<i32>} : memref<25632xf32, #tpu.memory_space<vmem>>, vector<16xf32>,
      %get3A_79 = arith.index_cast %multiple_of3A_76 : i32 to index
      %get3A_80 = tpu.vector_load %arg9[%get3A_79] {strides = array<i32>} : memref<25632xi32, #tpu.memory_space<vmem>>, vector<16xi32>,
      %get3A_81 = arith.index_cast %multiple_of3A_76 : i32 to index
      %get3A_82 = tpu.vector_load %arg10[%get3A_81] {strides = array<i32>} : memref<25632xi32, #tpu.memory_space<vmem>>, vector<16xi32>,
      %swap3A = arith.constant 0 : index
      %swap3A_83 = tpu.vector_load %arg8[%swap3A] {strides = array<i32>} : memref<25632xf32, #tpu.memory_space<vmem>>, vector<16xf32>,
      tpu.vector_store %arg8[%swap3A], %get3A_78 {strides = array<i32>} : memref<25632xf32, #tpu.memory_space<vmem>>, vector<16xf32>,
      %swap3A_84 = arith.constant 0 : index
      %swap3A_85 = tpu.vector_load %arg9[%swap3A_84] {strides = array<i32>} : memref<25632xi32, #tpu.memory_space<vmem>>, vector<16xi32>,
      tpu.vector_store %arg9[%swap3A_84], %get3A_80 {strides = array<i32>} : memref<25632xi32, #tpu.memory_space<vmem>>, vector<16xi32>,
      %swap3A_86 = arith.constant 0 : index
      %swap3A_87 = tpu.vector_load %arg10[%swap3A_86] {strides = array<i32>} : memref<25632xi32, #tpu.memory_space<vmem>>, vector<16xi32>,
      tpu.vector_store %arg10[%swap3A_86], %get3A_82 {strides = array<i32>} : memref<25632xi32, #tpu.memory_space<vmem>>, vector<16xi32>,
      %sub3A_88 = arith.subi %add3A_43, %multiple_of3A_76 : i32
      %add3A_89 = arith.addi %scan3A_23#1, %multiple_of3A_76 : i32
      %swap3A_90 = arith.constant 0 : index
      %swap3A_91 = tpu.vector_load %arg8[%swap3A_90] {strides = array<i32>} : memref<25632xf32, #tpu.memory_space<vmem>>, vector<16xf32>,
      tpu.vector_store %arg8[%swap3A_90], %broadcast_in_dim3A {strides = array<i32>} : memref<25632xf32, #tpu.memory_space<vmem>>, vector<16xf32>,
      %swap3A_92 = arith.constant 0 : index
      %swap3A_93 = tpu.vector_load %arg9[%swap3A_92] {strides = array<i32>} : memref<25632xi32, #tpu.memory_space<vmem>>, vector<16xi32>,
      tpu.vector_store %arg9[%swap3A_92], %broadcast_in_dim3A_17 {strides = array<i32>} : memref<25632xi32, #tpu.memory_space<vmem>>, vector<16xi32>,
      %swap3A_94 = arith.constant 0 : index
      %swap3A_95 = tpu.vector_load %arg10[%swap3A_94] {strides = array<i32>} : memref<25632xi32, #tpu.memory_space<vmem>>, vector<16xi32>,
      tpu.vector_store %arg10[%swap3A_94], %broadcast_in_dim3A_17 {strides = array<i32>} : memref<25632xi32, #tpu.memory_space<vmem>>, vector<16xi32>,
      %swap3A_96 = arith.constant 16 : index
      %swap3A_97 = tpu.vector_load %arg8[%swap3A_96] {strides = array<i32>} : memref<25632xf32, #tpu.memory_space<vmem>>, vector<16xf32>,
      tpu.vector_store %arg8[%swap3A_96], %broadcast_in_dim3A {strides = array<i32>} : memref<25632xf32, #tpu.memory_space<vmem>>, vector<16xf32>,
      %swap3A_98 = arith.constant 16 : index
      %swap3A_99 = tpu.vector_load %arg9[%swap3A_98] {strides = array<i32>} : memref<25632xi32, #tpu.memory_space<vmem>>, vector<16xi32>,
      tpu.vector_store %arg9[%swap3A_98], %broadcast_in_dim3A_17 {strides = array<i32>} : memref<25632xi32, #tpu.memory_space<vmem>>, vector<16xi32>,
      %swap3A_100 = arith.constant 16 : index
      %swap3A_101 = tpu.vector_load %arg10[%swap3A_100] {strides = array<i32>} : memref<25632xi32, #tpu.memory_space<vmem>>, vector<16xi32>,
      tpu.vector_store %arg10[%swap3A_100], %broadcast_in_dim3A_17 {strides = array<i32>} : memref<25632xi32, #tpu.memory_space<vmem>>, vector<16xi32>,
      %swap3A_102 = arith.constant 32 : index
      %swap3A_103 = tpu.vector_load %arg8[%swap3A_102] {strides = array<i32>} : memref<25632xf32, #tpu.memory_space<vmem>>, vector<16xf32>,
      tpu.vector_store %arg8[%swap3A_102], %broadcast_in_dim3A {strides = array<i32>} : memref<25632xf32, #tpu.memory_space<vmem>>, vector<16xf32>,
      %swap3A_104 = arith.constant 32 : index
      %swap3A_105 = tpu.vector_load %arg9[%swap3A_104] {strides = array<i32>} : memref<25632xi32, #tpu.memory_space<vmem>>, vector<16xi32>,
      tpu.vector_store %arg9[%swap3A_104], %broadcast_in_dim3A_17 {strides = array<i32>} : memref<25632xi32, #tpu.memory_space<vmem>>, vector<16xi32>,
      %swap3A_106 = arith.constant 32 : index
      %swap3A_107 = tpu.vector_load %arg10[%swap3A_106] {strides = array<i32>} : memref<25632xi32, #tpu.memory_space<vmem>>, vector<16xi32>,
      tpu.vector_store %arg10[%swap3A_106], %broadcast_in_dim3A_17 {strides = array<i32>} : memref<25632xi32, #tpu.memory_space<vmem>>, vector<16xi32>,
      %swap3A_108 = arith.constant 48 : index
      %swap3A_109 = tpu.vector_load %arg8[%swap3A_108] {strides = array<i32>} : memref<25632xf32, #tpu.memory_space<vmem>>, vector<16xf32>,
      tpu.vector_store %arg8[%swap3A_108], %broadcast_in_dim3A {strides = array<i32>} : memref<25632xf32, #tpu.memory_space<vmem>>, vector<16xf32>,
      %swap3A_110 = arith.constant 48 : index
      %swap3A_111 = tpu.vector_load %arg9[%swap3A_110] {strides = array<i32>} : memref<25632xi32, #tpu.memory_space<vmem>>, vector<16xi32>,
      tpu.vector_store %arg9[%swap3A_110], %broadcast_in_dim3A_17 {strides = array<i32>} : memref<25632xi32, #tpu.memory_space<vmem>>, vector<16xi32>,
      %swap3A_112 = arith.constant 48 : index
      %swap3A_113 = tpu.vector_load %arg10[%swap3A_112] {strides = array<i32>} : memref<25632xi32, #tpu.memory_space<vmem>>, vector<16xi32>,
      tpu.vector_store %arg10[%swap3A_112], %broadcast_in_dim3A_17 {strides = array<i32>} : memref<25632xi32, #tpu.memory_space<vmem>>, vector<16xi32>,
      %swap3A_114 = arith.constant 64 : index
      %swap3A_115 = tpu.vector_load %arg8[%swap3A_114] {strides = array<i32>} : memref<25632xf32, #tpu.memory_space<vmem>>, vector<16xf32>,
      tpu.vector_store %arg8[%swap3A_114], %broadcast_in_dim3A {strides = array<i32>} : memref<25632xf32, #tpu.memory_space<vmem>>, vector<16xf32>,
      %swap3A_116 = arith.constant 64 : index
      %swap3A_117 = tpu.vector_load %arg9[%swap3A_116] {strides = array<i32>} : memref<25632xi32, #tpu.memory_space<vmem>>, vector<16xi32>,
      tpu.vector_store %arg9[%swap3A_116], %broadcast_in_dim3A_17 {strides = array<i32>} : memref<25632xi32, #tpu.memory_space<vmem>>, vector<16xi32>,
      %swap3A_118 = arith.constant 64 : index
      %swap3A_119 = tpu.vector_load %arg10[%swap3A_118] {strides = array<i32>} : memref<25632xi32, #tpu.memory_space<vmem>>, vector<16xi32>,
      tpu.vector_store %arg10[%swap3A_118], %broadcast_in_dim3A_17 {strides = array<i32>} : memref<25632xi32, #tpu.memory_space<vmem>>, vector<16xi32>,
      %swap3A_120 = arith.constant 80 : index
      %swap3A_121 = tpu.vector_load %arg8[%swap3A_120] {strides = array<i32>} : memref<25632xf32, #tpu.memory_space<vmem>>, vector<16xf32>,
      tpu.vector_store %arg8[%swap3A_120], %broadcast_in_dim3A {strides = array<i32>} : memref<25632xf32, #tpu.memory_space<vmem>>, vector<16xf32>,
      %swap3A_122 = arith.constant 80 : index
      %swap3A_123 = tpu.vector_load %arg9[%swap3A_122] {strides = array<i32>} : memref<25632xi32, #tpu.memory_space<vmem>>, vector<16xi32>,
      tpu.vector_store %arg9[%swap3A_122], %broadcast_in_dim3A_17 {strides = array<i32>} : memref<25632xi32, #tpu.memory_space<vmem>>, vector<16xi32>,
      %swap3A_124 = arith.constant 80 : index
      %swap3A_125 = tpu.vector_load %arg10[%swap3A_124] {strides = array<i32>} : memref<25632xi32, #tpu.memory_space<vmem>>, vector<16xi32>,
      tpu.vector_store %arg10[%swap3A_124], %broadcast_in_dim3A_17 {strides = array<i32>} : memref<25632xi32, #tpu.memory_space<vmem>>, vector<16xi32>,
      %swap3A_126 = arith.constant 96 : index
      %swap3A_127 = tpu.vector_load %arg8[%swap3A_126] {strides = array<i32>} : memref<25632xf32, #tpu.memory_space<vmem>>, vector<16xf32>,
      tpu.vector_store %arg8[%swap3A_126], %broadcast_in_dim3A {strides = array<i32>} : memref<25632xf32, #tpu.memory_space<vmem>>, vector<16xf32>,
      %swap3A_128 = arith.constant 96 : index
      %swap3A_129 = tpu.vector_load %arg9[%swap3A_128] {strides = array<i32>} : memref<25632xi32, #tpu.memory_space<vmem>>, vector<16xi32>,
      tpu.vector_store %arg9[%swap3A_128], %broadcast_in_dim3A_17 {strides = array<i32>} : memref<25632xi32, #tpu.memory_space<vmem>>, vector<16xi32>,
      %swap3A_130 = arith.constant 96 : index
      %swap3A_131 = tpu.vector_load %arg10[%swap3A_130] {strides = array<i32>} : memref<25632xi32, #tpu.memory_space<vmem>>, vector<16xi32>,
      tpu.vector_store %arg10[%swap3A_130], %broadcast_in_dim3A_17 {strides = array<i32>} : memref<25632xi32, #tpu.memory_space<vmem>>, vector<16xi32>,
      %swap3A_132 = arith.constant 112 : index
      %swap3A_133 = tpu.vector_load %arg8[%swap3A_132] {strides = array<i32>} : memref<25632xf32, #tpu.memory_space<vmem>>, vector<16xf32>,
      tpu.vector_store %arg8[%swap3A_132], %broadcast_in_dim3A {strides = array<i32>} : memref<25632xf32, #tpu.memory_space<vmem>>, vector<16xf32>,
      %swap3A_134 = arith.constant 112 : index
      %swap3A_135 = tpu.vector_load %arg9[%swap3A_134] {strides = array<i32>} : memref<25632xi32, #tpu.memory_space<vmem>>, vector<16xi32>,
      tpu.vector_store %arg9[%swap3A_134], %broadcast_in_dim3A_17 {strides = array<i32>} : memref<25632xi32, #tpu.memory_space<vmem>>, vector<16xi32>,
      %swap3A_136 = arith.constant 112 : index
      %swap3A_137 = tpu.vector_load %arg10[%swap3A_136] {strides = array<i32>} : memref<25632xi32, #tpu.memory_space<vmem>>, vector<16xi32>,
      tpu.vector_store %arg10[%swap3A_136], %broadcast_in_dim3A_17 {strides = array<i32>} : memref<25632xi32, #tpu.memory_space<vmem>>, vector<16xi32>,
      %swap3A_138 = arith.constant 128 : index
      %swap3A_139 = tpu.vector_load %arg8[%swap3A_138] {strides = array<i32>} : memref<25632xf32, #tpu.memory_space<vmem>>, vector<16xf32>,
      tpu.vector_store %arg8[%swap3A_138], %broadcast_in_dim3A {strides = array<i32>} : memref<25632xf32, #tpu.memory_space<vmem>>, vector<16xf32>,
      %swap3A_140 = arith.constant 128 : index
      %swap3A_141 = tpu.vector_load %arg9[%swap3A_140] {strides = array<i32>} : memref<25632xi32, #tpu.memory_space<vmem>>, vector<16xi32>,
      tpu.vector_store %arg9[%swap3A_140], %broadcast_in_dim3A_17 {strides = array<i32>} : memref<25632xi32, #tpu.memory_space<vmem>>, vector<16xi32>,
      %swap3A_142 = arith.constant 128 : index
      %swap3A_143 = tpu.vector_load %arg10[%swap3A_142] {strides = array<i32>} : memref<25632xi32, #tpu.memory_space<vmem>>, vector<16xi32>,
      tpu.vector_store %arg10[%swap3A_142], %broadcast_in_dim3A_17 {strides = array<i32>} : memref<25632xi32, #tpu.memory_space<vmem>>, vector<16xi32>,
      %swap3A_144 = arith.constant 144 : index
      %swap3A_145 = tpu.vector_load %arg8[%swap3A_144] {strides = array<i32>} : memref<25632xf32, #tpu.memory_space<vmem>>, vector<16xf32>,
      tpu.vector_store %arg8[%swap3A_144], %broadcast_in_dim3A {strides = array<i32>} : memref<25632xf32, #tpu.memory_space<vmem>>, vector<16xf32>,
      %swap3A_146 = arith.constant 144 : index
      %swap3A_147 = tpu.vector_load %arg9[%swap3A_146] {strides = array<i32>} : memref<25632xi32, #tpu.memory_space<vmem>>, vector<16xi32>,
      tpu.vector_store %arg9[%swap3A_146], %broadcast_in_dim3A_17 {strides = array<i32>} : memref<25632xi32, #tpu.memory_space<vmem>>, vector<16xi32>,
      %swap3A_148 = arith.constant 144 : index
      %swap3A_149 = tpu.vector_load %arg10[%swap3A_148] {strides = array<i32>} : memref<25632xi32, #tpu.memory_space<vmem>>, vector<16xi32>,
      tpu.vector_store %arg10[%swap3A_148], %broadcast_in_dim3A_17 {strides = array<i32>} : memref<25632xi32, #tpu.memory_space<vmem>>, vector<16xi32>,
      %swap3A_150 = arith.constant 160 : index
      %swap3A_151 = tpu.vector_load %arg8[%swap3A_150] {strides = array<i32>} : memref<25632xf32, #tpu.memory_space<vmem>>, vector<16xf32>,
      tpu.vector_store %arg8[%swap3A_150], %broadcast_in_dim3A {strides = array<i32>} : memref<25632xf32, #tpu.memory_space<vmem>>, vector<16xf32>,
      %swap3A_152 = arith.constant 160 : index
      %swap3A_153 = tpu.vector_load %arg9[%swap3A_152] {strides = array<i32>} : memref<25632xi32, #tpu.memory_space<vmem>>, vector<16xi32>,
      tpu.vector_store %arg9[%swap3A_152], %broadcast_in_dim3A_17 {strides = array<i32>} : memref<25632xi32, #tpu.memory_space<vmem>>, vector<16xi32>,
      %swap3A_154 = arith.constant 160 : index
      %swap3A_155 = tpu.vector_load %arg10[%swap3A_154] {strides = array<i32>} : memref<25632xi32, #tpu.memory_space<vmem>>, vector<16xi32>,
      tpu.vector_store %arg10[%swap3A_154], %broadcast_in_dim3A_17 {strides = array<i32>} : memref<25632xi32, #tpu.memory_space<vmem>>, vector<16xi32>,
      %swap3A_156 = arith.constant 176 : index
      %swap3A_157 = tpu.vector_load %arg8[%swap3A_156] {strides = array<i32>} : memref<25632xf32, #tpu.memory_space<vmem>>, vector<16xf32>,
      tpu.vector_store %arg8[%swap3A_156], %broadcast_in_dim3A {strides = array<i32>} : memref<25632xf32, #tpu.memory_space<vmem>>, vector<16xf32>,
      %swap3A_158 = arith.constant 176 : index
      %swap3A_159 = tpu.vector_load %arg9[%swap3A_158] {strides = array<i32>} : memref<25632xi32, #tpu.memory_space<vmem>>, vector<16xi32>,
      tpu.vector_store %arg9[%swap3A_158], %broadcast_in_dim3A_17 {strides = array<i32>} : memref<25632xi32, #tpu.memory_space<vmem>>, vector<16xi32>,
      %swap3A_160 = arith.constant 176 : index
      %swap3A_161 = tpu.vector_load %arg10[%swap3A_160] {strides = array<i32>} : memref<25632xi32, #tpu.memory_space<vmem>>, vector<16xi32>,
      tpu.vector_store %arg10[%swap3A_160], %broadcast_in_dim3A_17 {strides = array<i32>} : memref<25632xi32, #tpu.memory_space<vmem>>, vector<16xi32>,
      %swap3A_162 = arith.constant 192 : index
      %swap3A_163 = tpu.vector_load %arg8[%swap3A_162] {strides = array<i32>} : memref<25632xf32, #tpu.memory_space<vmem>>, vector<16xf32>,
      tpu.vector_store %arg8[%swap3A_162], %broadcast_in_dim3A {strides = array<i32>} : memref<25632xf32, #tpu.memory_space<vmem>>, vector<16xf32>,
      %swap3A_164 = arith.constant 192 : index
      %swap3A_165 = tpu.vector_load %arg9[%swap3A_164] {strides = array<i32>} : memref<25632xi32, #tpu.memory_space<vmem>>, vector<16xi32>,
      tpu.vector_store %arg9[%swap3A_164], %broadcast_in_dim3A_17 {strides = array<i32>} : memref<25632xi32, #tpu.memory_space<vmem>>, vector<16xi32>,
      %swap3A_166 = arith.constant 192 : index
      %swap3A_167 = tpu.vector_load %arg10[%swap3A_166] {strides = array<i32>} : memref<25632xi32, #tpu.memory_space<vmem>>, vector<16xi32>,
      tpu.vector_store %arg10[%swap3A_166], %broadcast_in_dim3A_17 {strides = array<i32>} : memref<25632xi32, #tpu.memory_space<vmem>>, vector<16xi32>,
      %swap3A_168 = arith.constant 208 : index
      %swap3A_169 = tpu.vector_load %arg8[%swap3A_168] {strides = array<i32>} : memref<25632xf32, #tpu.memory_space<vmem>>, vector<16xf32>,
      tpu.vector_store %arg8[%swap3A_168], %broadcast_in_dim3A {strides = array<i32>} : memref<25632xf32, #tpu.memory_space<vmem>>, vector<16xf32>,
      %swap3A_170 = arith.constant 208 : index
      %swap3A_171 = tpu.vector_load %arg9[%swap3A_170] {strides = array<i32>} : memref<25632xi32, #tpu.memory_space<vmem>>, vector<16xi32>,
      tpu.vector_store %arg9[%swap3A_170], %broadcast_in_dim3A_17 {strides = array<i32>} : memref<25632xi32, #tpu.memory_space<vmem>>, vector<16xi32>,
      %swap3A_172 = arith.constant 208 : index
      %swap3A_173 = tpu.vector_load %arg10[%swap3A_172] {strides = array<i32>} : memref<25632xi32, #tpu.memory_space<vmem>>, vector<16xi32>,
      tpu.vector_store %arg10[%swap3A_172], %broadcast_in_dim3A_17 {strides = array<i32>} : memref<25632xi32, #tpu.memory_space<vmem>>, vector<16xi32>,
      %swap3A_174 = arith.constant 224 : index
      %swap3A_175 = tpu.vector_load %arg8[%swap3A_174] {strides = array<i32>} : memref<25632xf32, #tpu.memory_space<vmem>>, vector<16xf32>,
      tpu.vector_store %arg8[%swap3A_174], %broadcast_in_dim3A {strides = array<i32>} : memref<25632xf32, #tpu.memory_space<vmem>>, vector<16xf32>,
      %swap3A_176 = arith.constant 224 : index
      %swap3A_177 = tpu.vector_load %arg9[%swap3A_176] {strides = array<i32>} : memref<25632xi32, #tpu.memory_space<vmem>>, vector<16xi32>,
      tpu.vector_store %arg9[%swap3A_176], %broadcast_in_dim3A_17 {strides = array<i32>} : memref<25632xi32, #tpu.memory_space<vmem>>, vector<16xi32>,
      %swap3A_178 = arith.constant 224 : index
      %swap3A_179 = tpu.vector_load %arg10[%swap3A_178] {strides = array<i32>} : memref<25632xi32, #tpu.memory_space<vmem>>, vector<16xi32>,
      tpu.vector_store %arg10[%swap3A_178], %broadcast_in_dim3A_17 {strides = array<i32>} : memref<25632xi32, #tpu.memory_space<vmem>>, vector<16xi32>,
      %swap3A_180 = arith.constant 240 : index
      %swap3A_181 = tpu.vector_load %arg8[%swap3A_180] {strides = array<i32>} : memref<25632xf32, #tpu.memory_space<vmem>>, vector<16xf32>,
      tpu.vector_store %arg8[%swap3A_180], %broadcast_in_dim3A {strides = array<i32>} : memref<25632xf32, #tpu.memory_space<vmem>>, vector<16xf32>,
      %swap3A_182 = arith.constant 240 : index
      %swap3A_183 = tpu.vector_load %arg9[%swap3A_182] {strides = array<i32>} : memref<25632xi32, #tpu.memory_space<vmem>>, vector<16xi32>,
      tpu.vector_store %arg9[%swap3A_182], %broadcast_in_dim3A_17 {strides = array<i32>} : memref<25632xi32, #tpu.memory_space<vmem>>, vector<16xi32>,
      %swap3A_184 = arith.constant 240 : index
      %swap3A_185 = tpu.vector_load %arg10[%swap3A_184] {strides = array<i32>} : memref<25632xi32, #tpu.memory_space<vmem>>, vector<16xi32>,
      tpu.vector_store %arg10[%swap3A_184], %broadcast_in_dim3A_17 {strides = array<i32>} : memref<25632xi32, #tpu.memory_space<vmem>>, vector<16xi32>,
      %swap3A_186 = arith.constant 256 : index
      %swap3A_187 = tpu.vector_load %arg8[%swap3A_186] {strides = array<i32>} : memref<25632xf32, #tpu.memory_space<vmem>>, vector<16xf32>,
      tpu.vector_store %arg8[%swap3A_186], %broadcast_in_dim3A {strides = array<i32>} : memref<25632xf32, #tpu.memory_space<vmem>>, vector<16xf32>,
      %swap3A_188 = arith.constant 256 : index
      %swap3A_189 = tpu.vector_load %arg9[%swap3A_188] {strides = array<i32>} : memref<25632xi32, #tpu.memory_space<vmem>>, vector<16xi32>,
      tpu.vector_store %arg9[%swap3A_188], %broadcast_in_dim3A_17 {strides = array<i32>} : memref<25632xi32, #tpu.memory_space<vmem>>, vector<16xi32>,
      %swap3A_190 = arith.constant 256 : index
      %swap3A_191 = tpu.vector_load %arg10[%swap3A_190] {strides = array<i32>} : memref<25632xi32, #tpu.memory_space<vmem>>, vector<16xi32>,
      tpu.vector_store %arg10[%swap3A_190], %broadcast_in_dim3A_17 {strides = array<i32>} : memref<25632xi32, #tpu.memory_space<vmem>>, vector<16xi32>,
      %swap3A_192 = arith.constant 272 : index
      %swap3A_193 = tpu.vector_load %arg8[%swap3A_192] {strides = array<i32>} : memref<25632xf32, #tpu.memory_space<vmem>>, vector<16xf32>,
      tpu.vector_store %arg8[%swap3A_192], %broadcast_in_dim3A {strides = array<i32>} : memref<25632xf32, #tpu.memory_space<vmem>>, vector<16xf32>,
      %swap3A_194 = arith.constant 272 : index
      %swap3A_195 = tpu.vector_load %arg9[%swap3A_194] {strides = array<i32>} : memref<25632xi32, #tpu.memory_space<vmem>>, vector<16xi32>,
      tpu.vector_store %arg9[%swap3A_194], %broadcast_in_dim3A_17 {strides = array<i32>} : memref<25632xi32, #tpu.memory_space<vmem>>, vector<16xi32>,
      %swap3A_196 = arith.constant 272 : index
      %swap3A_197 = tpu.vector_load %arg10[%swap3A_196] {strides = array<i32>} : memref<25632xi32, #tpu.memory_space<vmem>>, vector<16xi32>,
      tpu.vector_store %arg10[%swap3A_196], %broadcast_in_dim3A_17 {strides = array<i32>} : memref<25632xi32, #tpu.memory_space<vmem>>, vector<16xi32>,
      %swap3A_198 = arith.constant 288 : index
      %swap3A_199 = tpu.vector_load %arg8[%swap3A_198] {strides = array<i32>} : memref<25632xf32, #tpu.memory_space<vmem>>, vector<16xf32>,
      tpu.vector_store %arg8[%swap3A_198], %broadcast_in_dim3A {strides = array<i32>} : memref<25632xf32, #tpu.memory_space<vmem>>, vector<16xf32>,
      %swap3A_200 = arith.constant 288 : index
      %swap3A_201 = tpu.vector_load %arg9[%swap3A_200] {strides = array<i32>} : memref<25632xi32, #tpu.memory_space<vmem>>, vector<16xi32>,
      tpu.vector_store %arg9[%swap3A_200], %broadcast_in_dim3A_17 {strides = array<i32>} : memref<25632xi32, #tpu.memory_space<vmem>>, vector<16xi32>,
      %swap3A_202 = arith.constant 288 : index
      %swap3A_203 = tpu.vector_load %arg10[%swap3A_202] {strides = array<i32>} : memref<25632xi32, #tpu.memory_space<vmem>>, vector<16xi32>,
      tpu.vector_store %arg10[%swap3A_202], %broadcast_in_dim3A_17 {strides = array<i32>} : memref<25632xi32, #tpu.memory_space<vmem>>, vector<16xi32>,
      %swap3A_204 = arith.constant 304 : index
      %swap3A_205 = tpu.vector_load %arg8[%swap3A_204] {strides = array<i32>} : memref<25632xf32, #tpu.memory_space<vmem>>, vector<16xf32>,
      tpu.vector_store %arg8[%swap3A_204], %broadcast_in_dim3A {strides = array<i32>} : memref<25632xf32, #tpu.memory_space<vmem>>, vector<16xf32>,
      %swap3A_206 = arith.constant 304 : index
      %swap3A_207 = tpu.vector_load %arg9[%swap3A_206] {strides = array<i32>} : memref<25632xi32, #tpu.memory_space<vmem>>, vector<16xi32>,
      tpu.vector_store %arg9[%swap3A_206], %broadcast_in_dim3A_17 {strides = array<i32>} : memref<25632xi32, #tpu.memory_space<vmem>>, vector<16xi32>,
      %swap3A_208 = arith.constant 304 : index
      %swap3A_209 = tpu.vector_load %arg10[%swap3A_208] {strides = array<i32>} : memref<25632xi32, #tpu.memory_space<vmem>>, vector<16xi32>,
      tpu.vector_store %arg10[%swap3A_208], %broadcast_in_dim3A_17 {strides = array<i32>} : memref<25632xi32, #tpu.memory_space<vmem>>, vector<16xi32>,
      %swap3A_210 = arith.constant 320 : index
      %swap3A_211 = tpu.vector_load %arg8[%swap3A_210] {strides = array<i32>} : memref<25632xf32, #tpu.memory_space<vmem>>, vector<16xf32>,
      tpu.vector_store %arg8[%swap3A_210], %broadcast_in_dim3A {strides = array<i32>} : memref<25632xf32, #tpu.memory_space<vmem>>, vector<16xf32>,
      %swap3A_212 = arith.constant 320 : index
      %swap3A_213 = tpu.vector_load %arg9[%swap3A_212] {strides = array<i32>} : memref<25632xi32, #tpu.memory_space<vmem>>, vector<16xi32>,
      tpu.vector_store %arg9[%swap3A_212], %broadcast_in_dim3A_17 {strides = array<i32>} : memref<25632xi32, #tpu.memory_space<vmem>>, vector<16xi32>,
      %swap3A_214 = arith.constant 320 : index
      %swap3A_215 = tpu.vector_load %arg10[%swap3A_214] {strides = array<i32>} : memref<25632xi32, #tpu.memory_space<vmem>>, vector<16xi32>,
      tpu.vector_store %arg10[%swap3A_214], %broadcast_in_dim3A_17 {strides = array<i32>} : memref<25632xi32, #tpu.memory_space<vmem>>, vector<16xi32>,
      %swap3A_216 = arith.constant 336 : index
      %swap3A_217 = tpu.vector_load %arg8[%swap3A_216] {strides = array<i32>} : memref<25632xf32, #tpu.memory_space<vmem>>, vector<16xf32>,
      tpu.vector_store %arg8[%swap3A_216], %broadcast_in_dim3A {strides = array<i32>} : memref<25632xf32, #tpu.memory_space<vmem>>, vector<16xf32>,
      %swap3A_218 = arith.constant 336 : index
      %swap3A_219 = tpu.vector_load %arg9[%swap3A_218] {strides = array<i32>} : memref<25632xi32, #tpu.memory_space<vmem>>, vector<16xi32>,
      tpu.vector_store %arg9[%swap3A_218], %broadcast_in_dim3A_17 {strides = array<i32>} : memref<25632xi32, #tpu.memory_space<vmem>>, vector<16xi32>,
      %swap3A_220 = arith.constant 336 : index
      %swap3A_221 = tpu.vector_load %arg10[%swap3A_220] {strides = array<i32>} : memref<25632xi32, #tpu.memory_space<vmem>>, vector<16xi32>,
      tpu.vector_store %arg10[%swap3A_220], %broadcast_in_dim3A_17 {strides = array<i32>} : memref<25632xi32, #tpu.memory_space<vmem>>, vector<16xi32>,
      %swap3A_222 = arith.constant 352 : index
      %swap3A_223 = tpu.vector_load %arg8[%swap3A_222] {strides = array<i32>} : memref<25632xf32, #tpu.memory_space<vmem>>, vector<16xf32>,
      tpu.vector_store %arg8[%swap3A_222], %broadcast_in_dim3A {strides = array<i32>} : memref<25632xf32, #tpu.memory_space<vmem>>, vector<16xf32>,
      %swap3A_224 = arith.constant 352 : index
      %swap3A_225 = tpu.vector_load %arg9[%swap3A_224] {strides = array<i32>} : memref<25632xi32, #tpu.memory_space<vmem>>, vector<16xi32>,
      tpu.vector_store %arg9[%swap3A_224], %broadcast_in_dim3A_17 {strides = array<i32>} : memref<25632xi32, #tpu.memory_space<vmem>>, vector<16xi32>,
      %swap3A_226 = arith.constant 352 : index
      %swap3A_227 = tpu.vector_load %arg10[%swap3A_226] {strides = array<i32>} : memref<25632xi32, #tpu.memory_space<vmem>>, vector<16xi32>,
      tpu.vector_store %arg10[%swap3A_226], %broadcast_in_dim3A_17 {strides = array<i32>} : memref<25632xi32, #tpu.memory_space<vmem>>, vector<16xi32>,
      %swap3A_228 = arith.constant 368 : index
      %swap3A_229 = tpu.vector_load %arg8[%swap3A_228] {strides = array<i32>} : memref<25632xf32, #tpu.memory_space<vmem>>, vector<16xf32>,
      tpu.vector_store %arg8[%swap3A_228], %broadcast_in_dim3A {strides = array<i32>} : memref<25632xf32, #tpu.memory_space<vmem>>, vector<16xf32>,
      %swap3A_230 = arith.constant 368 : index
      %swap3A_231 = tpu.vector_load %arg9[%swap3A_230] {strides = array<i32>} : memref<25632xi32, #tpu.memory_space<vmem>>, vector<16xi32>,
      tpu.vector_store %arg9[%swap3A_230], %broadcast_in_dim3A_17 {strides = array<i32>} : memref<25632xi32, #tpu.memory_space<vmem>>, vector<16xi32>,
      %swap3A_232 = arith.constant 368 : index
      %swap3A_233 = tpu.vector_load %arg10[%swap3A_232] {strides = array<i32>} : memref<25632xi32, #tpu.memory_space<vmem>>, vector<16xi32>,
      tpu.vector_store %arg10[%swap3A_232], %broadcast_in_dim3A_17 {strides = array<i32>} : memref<25632xi32, #tpu.memory_space<vmem>>, vector<16xi32>,
      %swap3A_234 = arith.constant 384 : index
      %swap3A_235 = tpu.vector_load %arg8[%swap3A_234] {strides = array<i32>} : memref<25632xf32, #tpu.memory_space<vmem>>, vector<16xf32>,
      tpu.vector_store %arg8[%swap3A_234], %broadcast_in_dim3A {strides = array<i32>} : memref<25632xf32, #tpu.memory_space<vmem>>, vector<16xf32>,
      %swap3A_236 = arith.constant 384 : index
      %swap3A_237 = tpu.vector_load %arg9[%swap3A_236] {strides = array<i32>} : memref<25632xi32, #tpu.memory_space<vmem>>, vector<16xi32>,
      tpu.vector_store %arg9[%swap3A_236], %broadcast_in_dim3A_17 {strides = array<i32>} : memref<25632xi32, #tpu.memory_space<vmem>>, vector<16xi32>,
      %swap3A_238 = arith.constant 384 : index
      %swap3A_239 = tpu.vector_load %arg10[%swap3A_238] {strides = array<i32>} : memref<25632xi32, #tpu.memory_space<vmem>>, vector<16xi32>,
      tpu.vector_store %arg10[%swap3A_238], %broadcast_in_dim3A_17 {strides = array<i32>} : memref<25632xi32, #tpu.memory_space<vmem>>, vector<16xi32>,
      %swap3A_240 = arith.constant 400 : index
      %swap3A_241 = tpu.vector_load %arg8[%swap3A_240] {strides = array<i32>} : memref<25632xf32, #tpu.memory_space<vmem>>, vector<16xf32>,
      tpu.vector_store %arg8[%swap3A_240], %broadcast_in_dim3A {strides = array<i32>} : memref<25632xf32, #tpu.memory_space<vmem>>, vector<16xf32>,
      %swap3A_242 = arith.constant 400 : index
      %swap3A_243 = tpu.vector_load %arg9[%swap3A_242] {strides = array<i32>} : memref<25632xi32, #tpu.memory_space<vmem>>, vector<16xi32>,
      tpu.vector_store %arg9[%swap3A_242], %broadcast_in_dim3A_17 {strides = array<i32>} : memref<25632xi32, #tpu.memory_space<vmem>>, vector<16xi32>,
      %swap3A_244 = arith.constant 400 : index
      %swap3A_245 = tpu.vector_load %arg10[%swap3A_244] {strides = array<i32>} : memref<25632xi32, #tpu.memory_space<vmem>>, vector<16xi32>,
      tpu.vector_store %arg10[%swap3A_244], %broadcast_in_dim3A_17 {strides = array<i32>} : memref<25632xi32, #tpu.memory_space<vmem>>, vector<16xi32>,
      %swap3A_246 = arith.constant 416 : index
      %swap3A_247 = tpu.vector_load %arg8[%swap3A_246] {strides = array<i32>} : memref<25632xf32, #tpu.memory_space<vmem>>, vector<16xf32>,
      tpu.vector_store %arg8[%swap3A_246], %broadcast_in_dim3A {strides = array<i32>} : memref<25632xf32, #tpu.memory_space<vmem>>, vector<16xf32>,
      %swap3A_248 = arith.constant 416 : index
      %swap3A_249 = tpu.vector_load %arg9[%swap3A_248] {strides = array<i32>} : memref<25632xi32, #tpu.memory_space<vmem>>, vector<16xi32>,
      tpu.vector_store %arg9[%swap3A_248], %broadcast_in_dim3A_17 {strides = array<i32>} : memref<25632xi32, #tpu.memory_space<vmem>>, vector<16xi32>,
      %swap3A_250 = arith.constant 416 : index
      %swap3A_251 = tpu.vector_load %arg10[%swap3A_250] {strides = array<i32>} : memref<25632xi32, #tpu.memory_space<vmem>>, vector<16xi32>,
      tpu.vector_store %arg10[%swap3A_250], %broadcast_in_dim3A_17 {strides = array<i32>} : memref<25632xi32, #tpu.memory_space<vmem>>, vector<16xi32>,
      %swap3A_252 = arith.constant 432 : index
      %swap3A_253 = tpu.vector_load %arg8[%swap3A_252] {strides = array<i32>} : memref<25632xf32, #tpu.memory_space<vmem>>, vector<16xf32>,
      tpu.vector_store %arg8[%swap3A_252], %broadcast_in_dim3A {strides = array<i32>} : memref<25632xf32, #tpu.memory_space<vmem>>, vector<16xf32>,
      %swap3A_254 = arith.constant 432 : index
      %swap3A_255 = tpu.vector_load %arg9[%swap3A_254] {strides = array<i32>} : memref<25632xi32, #tpu.memory_space<vmem>>, vector<16xi32>,
      tpu.vector_store %arg9[%swap3A_254], %broadcast_in_dim3A_17 {strides = array<i32>} : memref<25632xi32, #tpu.memory_space<vmem>>, vector<16xi32>,
      %swap3A_256 = arith.constant 432 : index
      %swap3A_257 = tpu.vector_load %arg10[%swap3A_256] {strides = array<i32>} : memref<25632xi32, #tpu.memory_space<vmem>>, vector<16xi32>,
      tpu.vector_store %arg10[%swap3A_256], %broadcast_in_dim3A_17 {strides = array<i32>} : memref<25632xi32, #tpu.memory_space<vmem>>, vector<16xi32>,
      %swap3A_258 = arith.constant 448 : index
      %swap3A_259 = tpu.vector_load %arg8[%swap3A_258] {strides = array<i32>} : memref<25632xf32, #tpu.memory_space<vmem>>, vector<16xf32>,
      tpu.vector_store %arg8[%swap3A_258], %broadcast_in_dim3A {strides = array<i32>} : memref<25632xf32, #tpu.memory_space<vmem>>, vector<16xf32>,
      %swap3A_260 = arith.constant 448 : index
      %swap3A_261 = tpu.vector_load %arg9[%swap3A_260] {strides = array<i32>} : memref<25632xi32, #tpu.memory_space<vmem>>, vector<16xi32>,
      tpu.vector_store %arg9[%swap3A_260], %broadcast_in_dim3A_17 {strides = array<i32>} : memref<25632xi32, #tpu.memory_space<vmem>>, vector<16xi32>,
      %swap3A_262 = arith.constant 448 : index
      %swap3A_263 = tpu.vector_load %arg10[%swap3A_262] {strides = array<i32>} : memref<25632xi32, #tpu.memory_space<vmem>>, vector<16xi32>,
      tpu.vector_store %arg10[%swap3A_262], %broadcast_in_dim3A_17 {strides = array<i32>} : memref<25632xi32, #tpu.memory_space<vmem>>, vector<16xi32>,
      %swap3A_264 = arith.constant 464 : index
      %swap3A_265 = tpu.vector_load %arg8[%swap3A_264] {strides = array<i32>} : memref<25632xf32, #tpu.memory_space<vmem>>, vector<16xf32>,
      tpu.vector_store %arg8[%swap3A_264], %broadcast_in_dim3A {strides = array<i32>} : memref<25632xf32, #tpu.memory_space<vmem>>, vector<16xf32>,
      %swap3A_266 = arith.constant 464 : index
      %swap3A_267 = tpu.vector_load %arg9[%swap3A_266] {strides = array<i32>} : memref<25632xi32, #tpu.memory_space<vmem>>, vector<16xi32>,
      tpu.vector_store %arg9[%swap3A_266], %broadcast_in_dim3A_17 {strides = array<i32>} : memref<25632xi32, #tpu.memory_space<vmem>>, vector<16xi32>,
      %swap3A_268 = arith.constant 464 : index
      %swap3A_269 = tpu.vector_load %arg10[%swap3A_268] {strides = array<i32>} : memref<25632xi32, #tpu.memory_space<vmem>>, vector<16xi32>,
      tpu.vector_store %arg10[%swap3A_268], %broadcast_in_dim3A_17 {strides = array<i32>} : memref<25632xi32, #tpu.memory_space<vmem>>, vector<16xi32>,
      %swap3A_270 = arith.constant 480 : index
      %swap3A_271 = tpu.vector_load %arg8[%swap3A_270] {strides = array<i32>} : memref<25632xf32, #tpu.memory_space<vmem>>, vector<16xf32>,
      tpu.vector_store %arg8[%swap3A_270], %broadcast_in_dim3A {strides = array<i32>} : memref<25632xf32, #tpu.memory_space<vmem>>, vector<16xf32>,
      %swap3A_272 = arith.constant 480 : index
      %swap3A_273 = tpu.vector_load %arg9[%swap3A_272] {strides = array<i32>} : memref<25632xi32, #tpu.memory_space<vmem>>, vector<16xi32>,
      tpu.vector_store %arg9[%swap3A_272], %broadcast_in_dim3A_17 {strides = array<i32>} : memref<25632xi32, #tpu.memory_space<vmem>>, vector<16xi32>,
      %swap3A_274 = arith.constant 480 : index
      %swap3A_275 = tpu.vector_load %arg10[%swap3A_274] {strides = array<i32>} : memref<25632xi32, #tpu.memory_space<vmem>>, vector<16xi32>,
      tpu.vector_store %arg10[%swap3A_274], %broadcast_in_dim3A_17 {strides = array<i32>} : memref<25632xi32, #tpu.memory_space<vmem>>, vector<16xi32>,
      %swap3A_276 = arith.constant 496 : index
      %swap3A_277 = tpu.vector_load %arg8[%swap3A_276] {strides = array<i32>} : memref<25632xf32, #tpu.memory_space<vmem>>, vector<16xf32>,
      tpu.vector_store %arg8[%swap3A_276], %broadcast_in_dim3A {strides = array<i32>} : memref<25632xf32, #tpu.memory_space<vmem>>, vector<16xf32>,
      %swap3A_278 = arith.constant 496 : index
      %swap3A_279 = tpu.vector_load %arg9[%swap3A_278] {strides = array<i32>} : memref<25632xi32, #tpu.memory_space<vmem>>, vector<16xi32>,
      tpu.vector_store %arg9[%swap3A_278], %broadcast_in_dim3A_17 {strides = array<i32>} : memref<25632xi32, #tpu.memory_space<vmem>>, vector<16xi32>,
      %swap3A_280 = arith.constant 496 : index
      %swap3A_281 = tpu.vector_load %arg10[%swap3A_280] {strides = array<i32>} : memref<25632xi32, #tpu.memory_space<vmem>>, vector<16xi32>,
      tpu.vector_store %arg10[%swap3A_280], %broadcast_in_dim3A_17 {strides = array<i32>} : memref<25632xi32, #tpu.memory_space<vmem>>, vector<16xi32>,
      %swap3A_282 = arith.constant 512 : index
      %swap3A_283 = tpu.vector_load %arg8[%swap3A_282] {strides = array<i32>} : memref<25632xf32, #tpu.memory_space<vmem>>, vector<16xf32>,
      tpu.vector_store %arg8[%swap3A_282], %broadcast_in_dim3A {strides = array<i32>} : memref<25632xf32, #tpu.memory_space<vmem>>, vector<16xf32>,
      %swap3A_284 = arith.constant 512 : index
      %swap3A_285 = tpu.vector_load %arg9[%swap3A_284] {strides = array<i32>} : memref<25632xi32, #tpu.memory_space<vmem>>, vector<16xi32>,
      tpu.vector_store %arg9[%swap3A_284], %broadcast_in_dim3A_17 {strides = array<i32>} : memref<25632xi32, #tpu.memory_space<vmem>>, vector<16xi32>,
      %swap3A_286 = arith.constant 512 : index
      %swap3A_287 = tpu.vector_load %arg10[%swap3A_286] {strides = array<i32>} : memref<25632xi32, #tpu.memory_space<vmem>>, vector<16xi32>,
      tpu.vector_store %arg10[%swap3A_286], %broadcast_in_dim3A_17 {strides = array<i32>} : memref<25632xi32, #tpu.memory_space<vmem>>, vector<16xi32>,
      %swap3A_288 = arith.constant 528 : index
      %swap3A_289 = tpu.vector_load %arg8[%swap3A_288] {strides = array<i32>} : memref<25632xf32, #tpu.memory_space<vmem>>, vector<16xf32>,
      tpu.vector_store %arg8[%swap3A_288], %broadcast_in_dim3A {strides = array<i32>} : memref<25632xf32, #tpu.memory_space<vmem>>, vector<16xf32>,
      %swap3A_290 = arith.constant 528 : index
      %swap3A_291 = tpu.vector_load %arg9[%swap3A_290] {strides = array<i32>} : memref<25632xi32, #tpu.memory_space<vmem>>, vector<16xi32>,
      tpu.vector_store %arg9[%swap3A_290], %broadcast_in_dim3A_17 {strides = array<i32>} : memref<25632xi32, #tpu.memory_space<vmem>>, vector<16xi32>,
      %swap3A_292 = arith.constant 528 : index
      %swap3A_293 = tpu.vector_load %arg10[%swap3A_292] {strides = array<i32>} : memref<25632xi32, #tpu.memory_space<vmem>>, vector<16xi32>,
      tpu.vector_store %arg10[%swap3A_292], %broadcast_in_dim3A_17 {strides = array<i32>} : memref<25632xi32, #tpu.memory_space<vmem>>, vector<16xi32>,
      %swap3A_294 = arith.constant 544 : index
      %swap3A_295 = tpu.vector_load %arg8[%swap3A_294] {strides = array<i32>} : memref<25632xf32, #tpu.memory_space<vmem>>, vector<16xf32>,
      tpu.vector_store %arg8[%swap3A_294], %broadcast_in_dim3A {strides = array<i32>} : memref<25632xf32, #tpu.memory_space<vmem>>, vector<16xf32>,
      %swap3A_296 = arith.constant 544 : index
      %swap3A_297 = tpu.vector_load %arg9[%swap3A_296] {strides = array<i32>} : memref<25632xi32, #tpu.memory_space<vmem>>, vector<16xi32>,
      tpu.vector_store %arg9[%swap3A_296], %broadcast_in_dim3A_17 {strides = array<i32>} : memref<25632xi32, #tpu.memory_space<vmem>>, vector<16xi32>,
      %swap3A_298 = arith.constant 544 : index
      %swap3A_299 = tpu.vector_load %arg10[%swap3A_298] {strides = array<i32>} : memref<25632xi32, #tpu.memory_space<vmem>>, vector<16xi32>,
      tpu.vector_store %arg10[%swap3A_298], %broadcast_in_dim3A_17 {strides = array<i32>} : memref<25632xi32, #tpu.memory_space<vmem>>, vector<16xi32>,
      %swap3A_300 = arith.constant 560 : index
      %swap3A_301 = tpu.vector_load %arg8[%swap3A_300] {strides = array<i32>} : memref<25632xf32, #tpu.memory_space<vmem>>, vector<16xf32>,
      tpu.vector_store %arg8[%swap3A_300], %broadcast_in_dim3A {strides = array<i32>} : memref<25632xf32, #tpu.memory_space<vmem>>, vector<16xf32>,
      %swap3A_302 = arith.constant 560 : index
      %swap3A_303 = tpu.vector_load %arg9[%swap3A_302] {strides = array<i32>} : memref<25632xi32, #tpu.memory_space<vmem>>, vector<16xi32>,
      tpu.vector_store %arg9[%swap3A_302], %broadcast_in_dim3A_17 {strides = array<i32>} : memref<25632xi32, #tpu.memory_space<vmem>>, vector<16xi32>,
      %swap3A_304 = arith.constant 560 : index
      %swap3A_305 = tpu.vector_load %arg10[%swap3A_304] {strides = array<i32>} : memref<25632xi32, #tpu.memory_space<vmem>>, vector<16xi32>,
      tpu.vector_store %arg10[%swap3A_304], %broadcast_in_dim3A_17 {strides = array<i32>} : memref<25632xi32, #tpu.memory_space<vmem>>, vector<16xi32>,
      %swap3A_306 = arith.constant 576 : index
      %swap3A_307 = tpu.vector_load %arg8[%swap3A_306] {strides = array<i32>} : memref<25632xf32, #tpu.memory_space<vmem>>, vector<16xf32>,
      tpu.vector_store %arg8[%swap3A_306], %broadcast_in_dim3A {strides = array<i32>} : memref<25632xf32, #tpu.memory_space<vmem>>, vector<16xf32>,
      %swap3A_308 = arith.constant 576 : index
      %swap3A_309 = tpu.vector_load %arg9[%swap3A_308] {strides = array<i32>} : memref<25632xi32, #tpu.memory_space<vmem>>, vector<16xi32>,
      tpu.vector_store %arg9[%swap3A_308], %broadcast_in_dim3A_17 {strides = array<i32>} : memref<25632xi32, #tpu.memory_space<vmem>>, vector<16xi32>,
      %swap3A_310 = arith.constant 576 : index
      %swap3A_311 = tpu.vector_load %arg10[%swap3A_310] {strides = array<i32>} : memref<25632xi32, #tpu.memory_space<vmem>>, vector<16xi32>,
      tpu.vector_store %arg10[%swap3A_310], %broadcast_in_dim3A_17 {strides = array<i32>} : memref<25632xi32, #tpu.memory_space<vmem>>, vector<16xi32>,
      %swap3A_312 = arith.constant 592 : index
      %swap3A_313 = tpu.vector_load %arg8[%swap3A_312] {strides = array<i32>} : memref<25632xf32, #tpu.memory_space<vmem>>, vector<16xf32>,
      tpu.vector_store %arg8[%swap3A_312], %broadcast_in_dim3A {strides = array<i32>} : memref<25632xf32, #tpu.memory_space<vmem>>, vector<16xf32>,
      %swap3A_314 = arith.constant 592 : index
      %swap3A_315 = tpu.vector_load %arg9[%swap3A_314] {strides = array<i32>} : memref<25632xi32, #tpu.memory_space<vmem>>, vector<16xi32>,
      tpu.vector_store %arg9[%swap3A_314], %broadcast_in_dim3A_17 {strides = array<i32>} : memref<25632xi32, #tpu.memory_space<vmem>>, vector<16xi32>,
      %swap3A_316 = arith.constant 592 : index
      %swap3A_317 = tpu.vector_load %arg10[%swap3A_316] {strides = array<i32>} : memref<25632xi32, #tpu.memory_space<vmem>>, vector<16xi32>,
      tpu.vector_store %arg10[%swap3A_316], %broadcast_in_dim3A_17 {strides = array<i32>} : memref<25632xi32, #tpu.memory_space<vmem>>, vector<16xi32>,
      %swap3A_318 = arith.constant 608 : index
      %swap3A_319 = tpu.vector_load %arg8[%swap3A_318] {strides = array<i32>} : memref<25632xf32, #tpu.memory_space<vmem>>, vector<16xf32>,
      tpu.vector_store %arg8[%swap3A_318], %broadcast_in_dim3A {strides = array<i32>} : memref<25632xf32, #tpu.memory_space<vmem>>, vector<16xf32>,
      %swap3A_320 = arith.constant 608 : index
      %swap3A_321 = tpu.vector_load %arg9[%swap3A_320] {strides = array<i32>} : memref<25632xi32, #tpu.memory_space<vmem>>, vector<16xi32>,
      tpu.vector_store %arg9[%swap3A_320], %broadcast_in_dim3A_17 {strides = array<i32>} : memref<25632xi32, #tpu.memory_space<vmem>>, vector<16xi32>,
      %swap3A_322 = arith.constant 608 : index
      %swap3A_323 = tpu.vector_load %arg10[%swap3A_322] {strides = array<i32>} : memref<25632xi32, #tpu.memory_space<vmem>>, vector<16xi32>,
      tpu.vector_store %arg10[%swap3A_322], %broadcast_in_dim3A_17 {strides = array<i32>} : memref<25632xi32, #tpu.memory_space<vmem>>, vector<16xi32>,
      %swap3A_324 = arith.constant 624 : index
      %swap3A_325 = tpu.vector_load %arg8[%swap3A_324] {strides = array<i32>} : memref<25632xf32, #tpu.memory_space<vmem>>, vector<16xf32>,
      tpu.vector_store %arg8[%swap3A_324], %broadcast_in_dim3A {strides = array<i32>} : memref<25632xf32, #tpu.memory_space<vmem>>, vector<16xf32>,
      %swap3A_326 = arith.constant 624 : index
      %swap3A_327 = tpu.vector_load %arg9[%swap3A_326] {strides = array<i32>} : memref<25632xi32, #tpu.memory_space<vmem>>, vector<16xi32>,
      tpu.vector_store %arg9[%swap3A_326], %broadcast_in_dim3A_17 {strides = array<i32>} : memref<25632xi32, #tpu.memory_space<vmem>>, vector<16xi32>,
      %swap3A_328 = arith.constant 624 : index
      %swap3A_329 = tpu.vector_load %arg10[%swap3A_328] {strides = array<i32>} : memref<25632xi32, #tpu.memory_space<vmem>>, vector<16xi32>,
      tpu.vector_store %arg10[%swap3A_328], %broadcast_in_dim3A_17 {strides = array<i32>} : memref<25632xi32, #tpu.memory_space<vmem>>, vector<16xi32>,
      %swap3A_330 = arith.constant 640 : index
      %swap3A_331 = tpu.vector_load %arg8[%swap3A_330] {strides = array<i32>} : memref<25632xf32, #tpu.memory_space<vmem>>, vector<16xf32>,
      tpu.vector_store %arg8[%swap3A_330], %broadcast_in_dim3A {strides = array<i32>} : memref<25632xf32, #tpu.memory_space<vmem>>, vector<16xf32>,
      %swap3A_332 = arith.constant 640 : index
      %swap3A_333 = tpu.vector_load %arg9[%swap3A_332] {strides = array<i32>} : memref<25632xi32, #tpu.memory_space<vmem>>, vector<16xi32>,
      tpu.vector_store %arg9[%swap3A_332], %broadcast_in_dim3A_17 {strides = array<i32>} : memref<25632xi32, #tpu.memory_space<vmem>>, vector<16xi32>,
      %swap3A_334 = arith.constant 640 : index
      %swap3A_335 = tpu.vector_load %arg10[%swap3A_334] {strides = array<i32>} : memref<25632xi32, #tpu.memory_space<vmem>>, vector<16xi32>,
      tpu.vector_store %arg10[%swap3A_334], %broadcast_in_dim3A_17 {strides = array<i32>} : memref<25632xi32, #tpu.memory_space<vmem>>, vector<16xi32>,
      %swap3A_336 = arith.constant 656 : index
      %swap3A_337 = tpu.vector_load %arg8[%swap3A_336] {strides = array<i32>} : memref<25632xf32, #tpu.memory_space<vmem>>, vector<16xf32>,
      tpu.vector_store %arg8[%swap3A_336], %broadcast_in_dim3A {strides = array<i32>} : memref<25632xf32, #tpu.memory_space<vmem>>, vector<16xf32>,
      %swap3A_338 = arith.constant 656 : index
      %swap3A_339 = tpu.vector_load %arg9[%swap3A_338] {strides = array<i32>} : memref<25632xi32, #tpu.memory_space<vmem>>, vector<16xi32>,
      tpu.vector_store %arg9[%swap3A_338], %broadcast_in_dim3A_17 {strides = array<i32>} : memref<25632xi32, #tpu.memory_space<vmem>>, vector<16xi32>,
      %swap3A_340 = arith.constant 656 : index
      %swap3A_341 = tpu.vector_load %arg10[%swap3A_340] {strides = array<i32>} : memref<25632xi32, #tpu.memory_space<vmem>>, vector<16xi32>,
      tpu.vector_store %arg10[%swap3A_340], %broadcast_in_dim3A_17 {strides = array<i32>} : memref<25632xi32, #tpu.memory_space<vmem>>, vector<16xi32>,
      %swap3A_342 = arith.constant 672 : index
      %swap3A_343 = tpu.vector_load %arg8[%swap3A_342] {strides = array<i32>} : memref<25632xf32, #tpu.memory_space<vmem>>, vector<16xf32>,
      tpu.vector_store %arg8[%swap3A_342], %broadcast_in_dim3A {strides = array<i32>} : memref<25632xf32, #tpu.memory_space<vmem>>, vector<16xf32>,
      %swap3A_344 = arith.constant 672 : index
      %swap3A_345 = tpu.vector_load %arg9[%swap3A_344] {strides = array<i32>} : memref<25632xi32, #tpu.memory_space<vmem>>, vector<16xi32>,
      tpu.vector_store %arg9[%swap3A_344], %broadcast_in_dim3A_17 {strides = array<i32>} : memref<25632xi32, #tpu.memory_space<vmem>>, vector<16xi32>,
      %swap3A_346 = arith.constant 672 : index
      %swap3A_347 = tpu.vector_load %arg10[%swap3A_346] {strides = array<i32>} : memref<25632xi32, #tpu.memory_space<vmem>>, vector<16xi32>,
      tpu.vector_store %arg10[%swap3A_346], %broadcast_in_dim3A_17 {strides = array<i32>} : memref<25632xi32, #tpu.memory_space<vmem>>, vector<16xi32>,
      %swap3A_348 = arith.constant 688 : index
      %swap3A_349 = tpu.vector_load %arg8[%swap3A_348] {strides = array<i32>} : memref<25632xf32, #tpu.memory_space<vmem>>, vector<16xf32>,
      tpu.vector_store %arg8[%swap3A_348], %broadcast_in_dim3A {strides = array<i32>} : memref<25632xf32, #tpu.memory_space<vmem>>, vector<16xf32>,
      %swap3A_350 = arith.constant 688 : index
      %swap3A_351 = tpu.vector_load %arg9[%swap3A_350] {strides = array<i32>} : memref<25632xi32, #tpu.memory_space<vmem>>, vector<16xi32>,
      tpu.vector_store %arg9[%swap3A_350], %broadcast_in_dim3A_17 {strides = array<i32>} : memref<25632xi32, #tpu.memory_space<vmem>>, vector<16xi32>,
      %swap3A_352 = arith.constant 688 : index
      %swap3A_353 = tpu.vector_load %arg10[%swap3A_352] {strides = array<i32>} : memref<25632xi32, #tpu.memory_space<vmem>>, vector<16xi32>,
      tpu.vector_store %arg10[%swap3A_352], %broadcast_in_dim3A_17 {strides = array<i32>} : memref<25632xi32, #tpu.memory_space<vmem>>, vector<16xi32>,
      %swap3A_354 = arith.constant 704 : index
      %swap3A_355 = tpu.vector_load %arg8[%swap3A_354] {strides = array<i32>} : memref<25632xf32, #tpu.memory_space<vmem>>, vector<16xf32>,
      tpu.vector_store %arg8[%swap3A_354], %broadcast_in_dim3A {strides = array<i32>} : memref<25632xf32, #tpu.memory_space<vmem>>, vector<16xf32>,
      %swap3A_356 = arith.constant 704 : index
      %swap3A_357 = tpu.vector_load %arg9[%swap3A_356] {strides = array<i32>} : memref<25632xi32, #tpu.memory_space<vmem>>, vector<16xi32>,
      tpu.vector_store %arg9[%swap3A_356], %broadcast_in_dim3A_17 {strides = array<i32>} : memref<25632xi32, #tpu.memory_space<vmem>>, vector<16xi32>,
      %swap3A_358 = arith.constant 704 : index
      %swap3A_359 = tpu.vector_load %arg10[%swap3A_358] {strides = array<i32>} : memref<25632xi32, #tpu.memory_space<vmem>>, vector<16xi32>,
      tpu.vector_store %arg10[%swap3A_358], %broadcast_in_dim3A_17 {strides = array<i32>} : memref<25632xi32, #tpu.memory_space<vmem>>, vector<16xi32>,
      %swap3A_360 = arith.constant 720 : index
      %swap3A_361 = tpu.vector_load %arg8[%swap3A_360] {strides = array<i32>} : memref<25632xf32, #tpu.memory_space<vmem>>, vector<16xf32>,
      tpu.vector_store %arg8[%swap3A_360], %broadcast_in_dim3A {strides = array<i32>} : memref<25632xf32, #tpu.memory_space<vmem>>, vector<16xf32>,
      %swap3A_362 = arith.constant 720 : index
      %swap3A_363 = tpu.vector_load %arg9[%swap3A_362] {strides = array<i32>} : memref<25632xi32, #tpu.memory_space<vmem>>, vector<16xi32>,
      tpu.vector_store %arg9[%swap3A_362], %broadcast_in_dim3A_17 {strides = array<i32>} : memref<25632xi32, #tpu.memory_space<vmem>>, vector<16xi32>,
      %swap3A_364 = arith.constant 720 : index
      %swap3A_365 = tpu.vector_load %arg10[%swap3A_364] {strides = array<i32>} : memref<25632xi32, #tpu.memory_space<vmem>>, vector<16xi32>,
      tpu.vector_store %arg10[%swap3A_364], %broadcast_in_dim3A_17 {strides = array<i32>} : memref<25632xi32, #tpu.memory_space<vmem>>, vector<16xi32>,
      %swap3A_366 = arith.constant 736 : index
      %swap3A_367 = tpu.vector_load %arg8[%swap3A_366] {strides = array<i32>} : memref<25632xf32, #tpu.memory_space<vmem>>, vector<16xf32>,
      tpu.vector_store %arg8[%swap3A_366], %broadcast_in_dim3A {strides = array<i32>} : memref<25632xf32, #tpu.memory_space<vmem>>, vector<16xf32>,
      %swap3A_368 = arith.constant 736 : index
      %swap3A_369 = tpu.vector_load %arg9[%swap3A_368] {strides = array<i32>} : memref<25632xi32, #tpu.memory_space<vmem>>, vector<16xi32>,
      tpu.vector_store %arg9[%swap3A_368], %broadcast_in_dim3A_17 {strides = array<i32>} : memref<25632xi32, #tpu.memory_space<vmem>>, vector<16xi32>,
      %swap3A_370 = arith.constant 736 : index
      %swap3A_371 = tpu.vector_load %arg10[%swap3A_370] {strides = array<i32>} : memref<25632xi32, #tpu.memory_space<vmem>>, vector<16xi32>,
      tpu.vector_store %arg10[%swap3A_370], %broadcast_in_dim3A_17 {strides = array<i32>} : memref<25632xi32, #tpu.memory_space<vmem>>, vector<16xi32>,
      %swap3A_372 = arith.constant 752 : index
      %swap3A_373 = tpu.vector_load %arg8[%swap3A_372] {strides = array<i32>} : memref<25632xf32, #tpu.memory_space<vmem>>, vector<16xf32>,
      tpu.vector_store %arg8[%swap3A_372], %broadcast_in_dim3A {strides = array<i32>} : memref<25632xf32, #tpu.memory_space<vmem>>, vector<16xf32>,
      %swap3A_374 = arith.constant 752 : index
      %swap3A_375 = tpu.vector_load %arg9[%swap3A_374] {strides = array<i32>} : memref<25632xi32, #tpu.memory_space<vmem>>, vector<16xi32>,
      tpu.vector_store %arg9[%swap3A_374], %broadcast_in_dim3A_17 {strides = array<i32>} : memref<25632xi32, #tpu.memory_space<vmem>>, vector<16xi32>,
      %swap3A_376 = arith.constant 752 : index
      %swap3A_377 = tpu.vector_load %arg10[%swap3A_376] {strides = array<i32>} : memref<25632xi32, #tpu.memory_space<vmem>>, vector<16xi32>,
      tpu.vector_store %arg10[%swap3A_376], %broadcast_in_dim3A_17 {strides = array<i32>} : memref<25632xi32, #tpu.memory_space<vmem>>, vector<16xi32>,
      %swap3A_378 = arith.constant 768 : index
      %swap3A_379 = tpu.vector_load %arg8[%swap3A_378] {strides = array<i32>} : memref<25632xf32, #tpu.memory_space<vmem>>, vector<16xf32>,
      tpu.vector_store %arg8[%swap3A_378], %broadcast_in_dim3A {strides = array<i32>} : memref<25632xf32, #tpu.memory_space<vmem>>, vector<16xf32>,
      %swap3A_380 = arith.constant 768 : index
      %swap3A_381 = tpu.vector_load %arg9[%swap3A_380] {strides = array<i32>} : memref<25632xi32, #tpu.memory_space<vmem>>, vector<16xi32>,
      tpu.vector_store %arg9[%swap3A_380], %broadcast_in_dim3A_17 {strides = array<i32>} : memref<25632xi32, #tpu.memory_space<vmem>>, vector<16xi32>,
      %swap3A_382 = arith.constant 768 : index
      %swap3A_383 = tpu.vector_load %arg10[%swap3A_382] {strides = array<i32>} : memref<25632xi32, #tpu.memory_space<vmem>>, vector<16xi32>,
      tpu.vector_store %arg10[%swap3A_382], %broadcast_in_dim3A_17 {strides = array<i32>} : memref<25632xi32, #tpu.memory_space<vmem>>, vector<16xi32>,
      %swap3A_384 = arith.constant 784 : index
      %swap3A_385 = tpu.vector_load %arg8[%swap3A_384] {strides = array<i32>} : memref<25632xf32, #tpu.memory_space<vmem>>, vector<16xf32>,
      tpu.vector_store %arg8[%swap3A_384], %broadcast_in_dim3A {strides = array<i32>} : memref<25632xf32, #tpu.memory_space<vmem>>, vector<16xf32>,
      %swap3A_386 = arith.constant 784 : index
      %swap3A_387 = tpu.vector_load %arg9[%swap3A_386] {strides = array<i32>} : memref<25632xi32, #tpu.memory_space<vmem>>, vector<16xi32>,
      tpu.vector_store %arg9[%swap3A_386], %broadcast_in_dim3A_17 {strides = array<i32>} : memref<25632xi32, #tpu.memory_space<vmem>>, vector<16xi32>,
      %swap3A_388 = arith.constant 784 : index
      %swap3A_389 = tpu.vector_load %arg10[%swap3A_388] {strides = array<i32>} : memref<25632xi32, #tpu.memory_space<vmem>>, vector<16xi32>,
      tpu.vector_store %arg10[%swap3A_388], %broadcast_in_dim3A_17 {strides = array<i32>} : memref<25632xi32, #tpu.memory_space<vmem>>, vector<16xi32>,
      %swap3A_390 = arith.constant 800 : index
      %swap3A_391 = tpu.vector_load %arg8[%swap3A_390] {strides = array<i32>} : memref<25632xf32, #tpu.memory_space<vmem>>, vector<16xf32>,
      tpu.vector_store %arg8[%swap3A_390], %broadcast_in_dim3A {strides = array<i32>} : memref<25632xf32, #tpu.memory_space<vmem>>, vector<16xf32>,
      %swap3A_392 = arith.constant 800 : index
      %swap3A_393 = tpu.vector_load %arg9[%swap3A_392] {strides = array<i32>} : memref<25632xi32, #tpu.memory_space<vmem>>, vector<16xi32>,
      tpu.vector_store %arg9[%swap3A_392], %broadcast_in_dim3A_17 {strides = array<i32>} : memref<25632xi32, #tpu.memory_space<vmem>>, vector<16xi32>,
      %swap3A_394 = arith.constant 800 : index
      %swap3A_395 = tpu.vector_load %arg10[%swap3A_394] {strides = array<i32>} : memref<25632xi32, #tpu.memory_space<vmem>>, vector<16xi32>,
      tpu.vector_store %arg10[%swap3A_394], %broadcast_in_dim3A_17 {strides = array<i32>} : memref<25632xi32, #tpu.memory_space<vmem>>, vector<16xi32>,
      %swap3A_396 = arith.constant 816 : index
      %swap3A_397 = tpu.vector_load %arg8[%swap3A_396] {strides = array<i32>} : memref<25632xf32, #tpu.memory_space<vmem>>, vector<16xf32>,
      tpu.vector_store %arg8[%swap3A_396], %broadcast_in_dim3A {strides = array<i32>} : memref<25632xf32, #tpu.memory_space<vmem>>, vector<16xf32>,
      %swap3A_398 = arith.constant 816 : index
      %swap3A_399 = tpu.vector_load %arg9[%swap3A_398] {strides = array<i32>} : memref<25632xi32, #tpu.memory_space<vmem>>, vector<16xi32>,
      tpu.vector_store %arg9[%swap3A_398], %broadcast_in_dim3A_17 {strides = array<i32>} : memref<25632xi32, #tpu.memory_space<vmem>>, vector<16xi32>,
      %swap3A_400 = arith.constant 816 : index
      %swap3A_401 = tpu.vector_load %arg10[%swap3A_400] {strides = array<i32>} : memref<25632xi32, #tpu.memory_space<vmem>>, vector<16xi32>,
      tpu.vector_store %arg10[%swap3A_400], %broadcast_in_dim3A_17 {strides = array<i32>} : memref<25632xi32, #tpu.memory_space<vmem>>, vector<16xi32>,
      %swap3A_402 = arith.constant 832 : index
      %swap3A_403 = tpu.vector_load %arg8[%swap3A_402] {strides = array<i32>} : memref<25632xf32, #tpu.memory_space<vmem>>, vector<16xf32>,
      tpu.vector_store %arg8[%swap3A_402], %broadcast_in_dim3A {strides = array<i32>} : memref<25632xf32, #tpu.memory_space<vmem>>, vector<16xf32>,
      %swap3A_404 = arith.constant 832 : index
      %swap3A_405 = tpu.vector_load %arg9[%swap3A_404] {strides = array<i32>} : memref<25632xi32, #tpu.memory_space<vmem>>, vector<16xi32>,
      tpu.vector_store %arg9[%swap3A_404], %broadcast_in_dim3A_17 {strides = array<i32>} : memref<25632xi32, #tpu.memory_space<vmem>>, vector<16xi32>,
      %swap3A_406 = arith.constant 832 : index
      %swap3A_407 = tpu.vector_load %arg10[%swap3A_406] {strides = array<i32>} : memref<25632xi32, #tpu.memory_space<vmem>>, vector<16xi32>,
      tpu.vector_store %arg10[%swap3A_406], %broadcast_in_dim3A_17 {strides = array<i32>} : memref<25632xi32, #tpu.memory_space<vmem>>, vector<16xi32>,
      %swap3A_408 = arith.constant 848 : index
      %swap3A_409 = tpu.vector_load %arg8[%swap3A_408] {strides = array<i32>} : memref<25632xf32, #tpu.memory_space<vmem>>, vector<16xf32>,
      tpu.vector_store %arg8[%swap3A_408], %broadcast_in_dim3A {strides = array<i32>} : memref<25632xf32, #tpu.memory_space<vmem>>, vector<16xf32>,
      %swap3A_410 = arith.constant 848 : index
      %swap3A_411 = tpu.vector_load %arg9[%swap3A_410] {strides = array<i32>} : memref<25632xi32, #tpu.memory_space<vmem>>, vector<16xi32>,
      tpu.vector_store %arg9[%swap3A_410], %broadcast_in_dim3A_17 {strides = array<i32>} : memref<25632xi32, #tpu.memory_space<vmem>>, vector<16xi32>,
      %swap3A_412 = arith.constant 848 : index
      %swap3A_413 = tpu.vector_load %arg10[%swap3A_412] {strides = array<i32>} : memref<25632xi32, #tpu.memory_space<vmem>>, vector<16xi32>,
      tpu.vector_store %arg10[%swap3A_412], %broadcast_in_dim3A_17 {strides = array<i32>} : memref<25632xi32, #tpu.memory_space<vmem>>, vector<16xi32>,
      %swap3A_414 = arith.constant 864 : index
      %swap3A_415 = tpu.vector_load %arg8[%swap3A_414] {strides = array<i32>} : memref<25632xf32, #tpu.memory_space<vmem>>, vector<16xf32>,
      tpu.vector_store %arg8[%swap3A_414], %broadcast_in_dim3A {strides = array<i32>} : memref<25632xf32, #tpu.memory_space<vmem>>, vector<16xf32>,
      %swap3A_416 = arith.constant 864 : index
      %swap3A_417 = tpu.vector_load %arg9[%swap3A_416] {strides = array<i32>} : memref<25632xi32, #tpu.memory_space<vmem>>, vector<16xi32>,
      tpu.vector_store %arg9[%swap3A_416], %broadcast_in_dim3A_17 {strides = array<i32>} : memref<25632xi32, #tpu.memory_space<vmem>>, vector<16xi32>,
      %swap3A_418 = arith.constant 864 : index
      %swap3A_419 = tpu.vector_load %arg10[%swap3A_418] {strides = array<i32>} : memref<25632xi32, #tpu.memory_space<vmem>>, vector<16xi32>,
      tpu.vector_store %arg10[%swap3A_418], %broadcast_in_dim3A_17 {strides = array<i32>} : memref<25632xi32, #tpu.memory_space<vmem>>, vector<16xi32>,
      %swap3A_420 = arith.constant 880 : index
      %swap3A_421 = tpu.vector_load %arg8[%swap3A_420] {strides = array<i32>} : memref<25632xf32, #tpu.memory_space<vmem>>, vector<16xf32>,
      tpu.vector_store %arg8[%swap3A_420], %broadcast_in_dim3A {strides = array<i32>} : memref<25632xf32, #tpu.memory_space<vmem>>, vector<16xf32>,
      %swap3A_422 = arith.constant 880 : index
      %swap3A_423 = tpu.vector_load %arg9[%swap3A_422] {strides = array<i32>} : memref<25632xi32, #tpu.memory_space<vmem>>, vector<16xi32>,
      tpu.vector_store %arg9[%swap3A_422], %broadcast_in_dim3A_17 {strides = array<i32>} : memref<25632xi32, #tpu.memory_space<vmem>>, vector<16xi32>,
      %swap3A_424 = arith.constant 880 : index
      %swap3A_425 = tpu.vector_load %arg10[%swap3A_424] {strides = array<i32>} : memref<25632xi32, #tpu.memory_space<vmem>>, vector<16xi32>,
      tpu.vector_store %arg10[%swap3A_424], %broadcast_in_dim3A_17 {strides = array<i32>} : memref<25632xi32, #tpu.memory_space<vmem>>, vector<16xi32>,
      %swap3A_426 = arith.constant 896 : index
      %swap3A_427 = tpu.vector_load %arg8[%swap3A_426] {strides = array<i32>} : memref<25632xf32, #tpu.memory_space<vmem>>, vector<16xf32>,
      tpu.vector_store %arg8[%swap3A_426], %broadcast_in_dim3A {strides = array<i32>} : memref<25632xf32, #tpu.memory_space<vmem>>, vector<16xf32>,
      %swap3A_428 = arith.constant 896 : index
      %swap3A_429 = tpu.vector_load %arg9[%swap3A_428] {strides = array<i32>} : memref<25632xi32, #tpu.memory_space<vmem>>, vector<16xi32>,
      tpu.vector_store %arg9[%swap3A_428], %broadcast_in_dim3A_17 {strides = array<i32>} : memref<25632xi32, #tpu.memory_space<vmem>>, vector<16xi32>,
      %swap3A_430 = arith.constant 896 : index
      %swap3A_431 = tpu.vector_load %arg10[%swap3A_430] {strides = array<i32>} : memref<25632xi32, #tpu.memory_space<vmem>>, vector<16xi32>,
      tpu.vector_store %arg10[%swap3A_430], %broadcast_in_dim3A_17 {strides = array<i32>} : memref<25632xi32, #tpu.memory_space<vmem>>, vector<16xi32>,
      %swap3A_432 = arith.constant 912 : index
      %swap3A_433 = tpu.vector_load %arg8[%swap3A_432] {strides = array<i32>} : memref<25632xf32, #tpu.memory_space<vmem>>, vector<16xf32>,
      tpu.vector_store %arg8[%swap3A_432], %broadcast_in_dim3A {strides = array<i32>} : memref<25632xf32, #tpu.memory_space<vmem>>, vector<16xf32>,
      %swap3A_434 = arith.constant 912 : index
      %swap3A_435 = tpu.vector_load %arg9[%swap3A_434] {strides = array<i32>} : memref<25632xi32, #tpu.memory_space<vmem>>, vector<16xi32>,
      tpu.vector_store %arg9[%swap3A_434], %broadcast_in_dim3A_17 {strides = array<i32>} : memref<25632xi32, #tpu.memory_space<vmem>>, vector<16xi32>,
      %swap3A_436 = arith.constant 912 : index
      %swap3A_437 = tpu.vector_load %arg10[%swap3A_436] {strides = array<i32>} : memref<25632xi32, #tpu.memory_space<vmem>>, vector<16xi32>,
      tpu.vector_store %arg10[%swap3A_436], %broadcast_in_dim3A_17 {strides = array<i32>} : memref<25632xi32, #tpu.memory_space<vmem>>, vector<16xi32>,
      %swap3A_438 = arith.constant 928 : index
      %swap3A_439 = tpu.vector_load %arg8[%swap3A_438] {strides = array<i32>} : memref<25632xf32, #tpu.memory_space<vmem>>, vector<16xf32>,
      tpu.vector_store %arg8[%swap3A_438], %broadcast_in_dim3A {strides = array<i32>} : memref<25632xf32, #tpu.memory_space<vmem>>, vector<16xf32>,
      %swap3A_440 = arith.constant 928 : index
      %swap3A_441 = tpu.vector_load %arg9[%swap3A_440] {strides = array<i32>} : memref<25632xi32, #tpu.memory_space<vmem>>, vector<16xi32>,
      tpu.vector_store %arg9[%swap3A_440], %broadcast_in_dim3A_17 {strides = array<i32>} : memref<25632xi32, #tpu.memory_space<vmem>>, vector<16xi32>,
      %swap3A_442 = arith.constant 928 : index
      %swap3A_443 = tpu.vector_load %arg10[%swap3A_442] {strides = array<i32>} : memref<25632xi32, #tpu.memory_space<vmem>>, vector<16xi32>,
      tpu.vector_store %arg10[%swap3A_442], %broadcast_in_dim3A_17 {strides = array<i32>} : memref<25632xi32, #tpu.memory_space<vmem>>, vector<16xi32>,
      %swap3A_444 = arith.constant 944 : index
      %swap3A_445 = tpu.vector_load %arg8[%swap3A_444] {strides = array<i32>} : memref<25632xf32, #tpu.memory_space<vmem>>, vector<16xf32>,
      tpu.vector_store %arg8[%swap3A_444], %broadcast_in_dim3A {strides = array<i32>} : memref<25632xf32, #tpu.memory_space<vmem>>, vector<16xf32>,
      %swap3A_446 = arith.constant 944 : index
      %swap3A_447 = tpu.vector_load %arg9[%swap3A_446] {strides = array<i32>} : memref<25632xi32, #tpu.memory_space<vmem>>, vector<16xi32>,
      tpu.vector_store %arg9[%swap3A_446], %broadcast_in_dim3A_17 {strides = array<i32>} : memref<25632xi32, #tpu.memory_space<vmem>>, vector<16xi32>,
      %swap3A_448 = arith.constant 944 : index
      %swap3A_449 = tpu.vector_load %arg10[%swap3A_448] {strides = array<i32>} : memref<25632xi32, #tpu.memory_space<vmem>>, vector<16xi32>,
      tpu.vector_store %arg10[%swap3A_448], %broadcast_in_dim3A_17 {strides = array<i32>} : memref<25632xi32, #tpu.memory_space<vmem>>, vector<16xi32>,
      %swap3A_450 = arith.constant 960 : index
      %swap3A_451 = tpu.vector_load %arg8[%swap3A_450] {strides = array<i32>} : memref<25632xf32, #tpu.memory_space<vmem>>, vector<16xf32>,
      tpu.vector_store %arg8[%swap3A_450], %broadcast_in_dim3A {strides = array<i32>} : memref<25632xf32, #tpu.memory_space<vmem>>, vector<16xf32>,
      %swap3A_452 = arith.constant 960 : index
      %swap3A_453 = tpu.vector_load %arg9[%swap3A_452] {strides = array<i32>} : memref<25632xi32, #tpu.memory_space<vmem>>, vector<16xi32>,
      tpu.vector_store %arg9[%swap3A_452], %broadcast_in_dim3A_17 {strides = array<i32>} : memref<25632xi32, #tpu.memory_space<vmem>>, vector<16xi32>,
      %swap3A_454 = arith.constant 960 : index
      %swap3A_455 = tpu.vector_load %arg10[%swap3A_454] {strides = array<i32>} : memref<25632xi32, #tpu.memory_space<vmem>>, vector<16xi32>,
      tpu.vector_store %arg10[%swap3A_454], %broadcast_in_dim3A_17 {strides = array<i32>} : memref<25632xi32, #tpu.memory_space<vmem>>, vector<16xi32>,
      %swap3A_456 = arith.constant 976 : index
      %swap3A_457 = tpu.vector_load %arg8[%swap3A_456] {strides = array<i32>} : memref<25632xf32, #tpu.memory_space<vmem>>, vector<16xf32>,
      tpu.vector_store %arg8[%swap3A_456], %broadcast_in_dim3A {strides = array<i32>} : memref<25632xf32, #tpu.memory_space<vmem>>, vector<16xf32>,
      %swap3A_458 = arith.constant 976 : index
      %swap3A_459 = tpu.vector_load %arg9[%swap3A_458] {strides = array<i32>} : memref<25632xi32, #tpu.memory_space<vmem>>, vector<16xi32>,
      tpu.vector_store %arg9[%swap3A_458], %broadcast_in_dim3A_17 {strides = array<i32>} : memref<25632xi32, #tpu.memory_space<vmem>>, vector<16xi32>,
      %swap3A_460 = arith.constant 976 : index
      %swap3A_461 = tpu.vector_load %arg10[%swap3A_460] {strides = array<i32>} : memref<25632xi32, #tpu.memory_space<vmem>>, vector<16xi32>,
      tpu.vector_store %arg10[%swap3A_460], %broadcast_in_dim3A_17 {strides = array<i32>} : memref<25632xi32, #tpu.memory_space<vmem>>, vector<16xi32>,
      %swap3A_462 = arith.constant 992 : index
      %swap3A_463 = tpu.vector_load %arg8[%swap3A_462] {strides = array<i32>} : memref<25632xf32, #tpu.memory_space<vmem>>, vector<16xf32>,
      tpu.vector_store %arg8[%swap3A_462], %broadcast_in_dim3A {strides = array<i32>} : memref<25632xf32, #tpu.memory_space<vmem>>, vector<16xf32>,
      %swap3A_464 = arith.constant 992 : index
      %swap3A_465 = tpu.vector_load %arg9[%swap3A_464] {strides = array<i32>} : memref<25632xi32, #tpu.memory_space<vmem>>, vector<16xi32>,
      tpu.vector_store %arg9[%swap3A_464], %broadcast_in_dim3A_17 {strides = array<i32>} : memref<25632xi32, #tpu.memory_space<vmem>>, vector<16xi32>,
      %swap3A_466 = arith.constant 992 : index
      %swap3A_467 = tpu.vector_load %arg10[%swap3A_466] {strides = array<i32>} : memref<25632xi32, #tpu.memory_space<vmem>>, vector<16xi32>,
      tpu.vector_store %arg10[%swap3A_466], %broadcast_in_dim3A_17 {strides = array<i32>} : memref<25632xi32, #tpu.memory_space<vmem>>, vector<16xi32>,
      %swap3A_468 = arith.constant 1008 : index
      %swap3A_469 = tpu.vector_load %arg8[%swap3A_468] {strides = array<i32>} : memref<25632xf32, #tpu.memory_space<vmem>>, vector<16xf32>,
      tpu.vector_store %arg8[%swap3A_468], %broadcast_in_dim3A {strides = array<i32>} : memref<25632xf32, #tpu.memory_space<vmem>>, vector<16xf32>,
      %swap3A_470 = arith.constant 1008 : index
      %swap3A_471 = tpu.vector_load %arg9[%swap3A_470] {strides = array<i32>} : memref<25632xi32, #tpu.memory_space<vmem>>, vector<16xi32>,
      tpu.vector_store %arg9[%swap3A_470], %broadcast_in_dim3A_17 {strides = array<i32>} : memref<25632xi32, #tpu.memory_space<vmem>>, vector<16xi32>,
      %swap3A_472 = arith.constant 1008 : index
      %swap3A_473 = tpu.vector_load %arg10[%swap3A_472] {strides = array<i32>} : memref<25632xi32, #tpu.memory_space<vmem>>, vector<16xi32>,
      tpu.vector_store %arg10[%swap3A_472], %broadcast_in_dim3A_17 {strides = array<i32>} : memref<25632xi32, #tpu.memory_space<vmem>>, vector<16xi32>,
      %sub3A_474 = arith.constant 819200 : i32
      %sub3A_475 = arith.subi %sub3A_474, %add3A_89 : i32
      %shift_right_arithmetic3A_476 = arith.constant 10 : i32
      %shift_right_arithmetic3A_477 = arith.shrsi %sub3A_475, %shift_right_arithmetic3A_476 : i32
      %while3A_478 = arith.constant 0 : i32
      %while3A_479 = arith.constant 0 : i32
      %while3A_480 = arith.subi %shift_right_arithmetic3A_477, %while3A_478 : i32
      %while3A_481 = arith.addi %while3A_478, %while3A_480 : i32
      %while3A_482 = arith.constant 1 : i32
      %while3A_483 = arith.divsi %while3A_480, %while3A_482 : i32
      %while3A_484 = arith.muli %while3A_483, %while3A_482 : i32
      %while3A_485 = arith.addi %while3A_478, %while3A_484 : i32
      %while3A_486 = arith.constant 1 : i32
      %while3A_487 = scf.for %while3A_509 = %while3A_478 to %while3A_485 step %while3A_486 iter_args(%while3A_510 = %while3A_479) -> (i32)  : i32 {
        %mul3A_511 = arith.constant 1024 : i32
        %mul3A_512 = arith.muli %while3A_509, %mul3A_511 : i32
        %add3A_513 = arith.addi %add3A_89, %mul3A_512 : i32
        %multiple_of3A_514 = tpu.assume_multiple %add3A_513, 8 : i32
        "tpu.region"() ({
          %run_scoped3A = tpu.sem_alloc : memref<!tpu.dma_semaphore, #tpu.memory_space<semaphore_mem>>
          %dma_start3A = arith.constant 0 : i32
          %dma_start3A_516 = tpu.memref_slice %arg8[%dma_start3A] : memref<25632xf32, #tpu.memory_space<vmem>> -> memref<1024xf32, #tpu.memory_space<vmem>>
          %dma_start3A_517 = tpu.memref_slice %arg4[%multiple_of3A_514] : memref<819200xf32, #tpu.memory_space<hbm>> -> memref<1024xf32, #tpu.memory_space<hbm>>
          %dma_start3A_518 = tpu.memref_slice %arg4[%multiple_of3A_514] : memref<819200xf32, #tpu.memory_space<hbm>> -> memref<1024xf32, #tpu.memory_space<hbm>>
          %dma_start3A_519 = arith.constant 0 : i32
          %dma_start3A_520 = tpu.memref_slice %arg8[%dma_start3A_519] : memref<25632xf32, #tpu.memory_space<vmem>> -> memref<1024xf32, #tpu.memory_space<vmem>>
          tpu.enqueue_dma source(%dma_start3A_520 : memref<1024xf32, #tpu.memory_space<vmem>>) target(%dma_start3A_518 : memref<1024xf32, #tpu.memory_space<hbm>>) target_semaphore(%run_scoped3A : memref<!tpu.dma_semaphore, #tpu.memory_space<semaphore_mem>>)
          %dma_wait3A = arith.constant 0 : i32
          %dma_wait3A_521 = tpu.memref_slice %arg8[%dma_wait3A] : memref<25632xf32, #tpu.memory_space<vmem>> -> memref<1024xf32, #tpu.memory_space<vmem>>
          %dma_wait3A_522 = tpu.memref_slice %arg4[%multiple_of3A_514] : memref<819200xf32, #tpu.memory_space<hbm>> -> memref<1024xf32, #tpu.memory_space<hbm>>
          %dma_wait3A_523 = tpu.memref_slice %arg4[%multiple_of3A_514] : memref<819200xf32, #tpu.memory_space<hbm>> -> memref<1024xf32, #tpu.memory_space<hbm>>
          %dma_wait3A_524 = arith.constant 0 : i32
          %dma_wait3A_525 = tpu.memref_slice %arg8[%dma_wait3A_524] : memref<25632xf32, #tpu.memory_space<vmem>> -> memref<1024xf32, #tpu.memory_space<vmem>>
          tpu.wait_dma2 semaphore(%run_scoped3A : memref<!tpu.dma_semaphore, #tpu.memory_space<semaphore_mem>>) src(%dma_wait3A_525 : memref<1024xf32, #tpu.memory_space<vmem>>) dst(%dma_wait3A_523 : memref<1024xf32, #tpu.memory_space<hbm>>)
          tpu.yield
        }) : () -> ()
        "tpu.region"() ({
          %run_scoped3A = tpu.sem_alloc : memref<!tpu.dma_semaphore, #tpu.memory_space<semaphore_mem>>
          %dma_start3A = arith.constant 0 : i32
          %dma_start3A_516 = tpu.memref_slice %arg9[%dma_start3A] : memref<25632xi32, #tpu.memory_space<vmem>> -> memref<1024xi32, #tpu.memory_space<vmem>>
          %dma_start3A_517 = tpu.memref_slice %arg5[%multiple_of3A_514] : memref<819200xi32, #tpu.memory_space<hbm>> -> memref<1024xi32, #tpu.memory_space<hbm>>
          %dma_start3A_518 = tpu.memref_slice %arg5[%multiple_of3A_514] : memref<819200xi32, #tpu.memory_space<hbm>> -> memref<1024xi32, #tpu.memory_space<hbm>>
          %dma_start3A_519 = arith.constant 0 : i32
          %dma_start3A_520 = tpu.memref_slice %arg9[%dma_start3A_519] : memref<25632xi32, #tpu.memory_space<vmem>> -> memref<1024xi32, #tpu.memory_space<vmem>>
          tpu.enqueue_dma source(%dma_start3A_520 : memref<1024xi32, #tpu.memory_space<vmem>>) target(%dma_start3A_518 : memref<1024xi32, #tpu.memory_space<hbm>>) target_semaphore(%run_scoped3A : memref<!tpu.dma_semaphore, #tpu.memory_space<semaphore_mem>>)
          %dma_wait3A = arith.constant 0 : i32
          %dma_wait3A_521 = tpu.memref_slice %arg9[%dma_wait3A] : memref<25632xi32, #tpu.memory_space<vmem>> -> memref<1024xi32, #tpu.memory_space<vmem>>
          %dma_wait3A_522 = tpu.memref_slice %arg5[%multiple_of3A_514] : memref<819200xi32, #tpu.memory_space<hbm>> -> memref<1024xi32, #tpu.memory_space<hbm>>
          %dma_wait3A_523 = tpu.memref_slice %arg5[%multiple_of3A_514] : memref<819200xi32, #tpu.memory_space<hbm>> -> memref<1024xi32, #tpu.memory_space<hbm>>
          %dma_wait3A_524 = arith.constant 0 : i32
          %dma_wait3A_525 = tpu.memref_slice %arg9[%dma_wait3A_524] : memref<25632xi32, #tpu.memory_space<vmem>> -> memref<1024xi32, #tpu.memory_space<vmem>>
          tpu.wait_dma2 semaphore(%run_scoped3A : memref<!tpu.dma_semaphore, #tpu.memory_space<semaphore_mem>>) src(%dma_wait3A_525 : memref<1024xi32, #tpu.memory_space<vmem>>) dst(%dma_wait3A_523 : memref<1024xi32, #tpu.memory_space<hbm>>)
          tpu.yield
        }) : () -> ()
        "tpu.region"() ({
          %run_scoped3A = tpu.sem_alloc : memref<!tpu.dma_semaphore, #tpu.memory_space<semaphore_mem>>
          %dma_start3A = arith.constant 0 : i32
          %dma_start3A_516 = tpu.memref_slice %arg10[%dma_start3A] : memref<25632xi32, #tpu.memory_space<vmem>> -> memref<1024xi32, #tpu.memory_space<vmem>>
          %dma_start3A_517 = tpu.memref_slice %arg6[%multiple_of3A_514] : memref<819200xi32, #tpu.memory_space<hbm>> -> memref<1024xi32, #tpu.memory_space<hbm>>
          %dma_start3A_518 = tpu.memref_slice %arg6[%multiple_of3A_514] : memref<819200xi32, #tpu.memory_space<hbm>> -> memref<1024xi32, #tpu.memory_space<hbm>>
          %dma_start3A_519 = arith.constant 0 : i32
          %dma_start3A_520 = tpu.memref_slice %arg10[%dma_start3A_519] : memref<25632xi32, #tpu.memory_space<vmem>> -> memref<1024xi32, #tpu.memory_space<vmem>>
          tpu.enqueue_dma source(%dma_start3A_520 : memref<1024xi32, #tpu.memory_space<vmem>>) target(%dma_start3A_518 : memref<1024xi32, #tpu.memory_space<hbm>>) target_semaphore(%run_scoped3A : memref<!tpu.dma_semaphore, #tpu.memory_space<semaphore_mem>>)
          %dma_wait3A = arith.constant 0 : i32
          %dma_wait3A_521 = tpu.memref_slice %arg10[%dma_wait3A] : memref<25632xi32, #tpu.memory_space<vmem>> -> memref<1024xi32, #tpu.memory_space<vmem>>
          %dma_wait3A_522 = tpu.memref_slice %arg6[%multiple_of3A_514] : memref<819200xi32, #tpu.memory_space<hbm>> -> memref<1024xi32, #tpu.memory_space<hbm>>
          %dma_wait3A_523 = tpu.memref_slice %arg6[%multiple_of3A_514] : memref<819200xi32, #tpu.memory_space<hbm>> -> memref<1024xi32, #tpu.memory_space<hbm>>
          %dma_wait3A_524 = arith.constant 0 : i32
          %dma_wait3A_525 = tpu.memref_slice %arg10[%dma_wait3A_524] : memref<25632xi32, #tpu.memory_space<vmem>> -> memref<1024xi32, #tpu.memory_space<vmem>>
          tpu.wait_dma2 semaphore(%run_scoped3A : memref<!tpu.dma_semaphore, #tpu.memory_space<semaphore_mem>>) src(%dma_wait3A_525 : memref<1024xi32, #tpu.memory_space<vmem>>) dst(%dma_wait3A_523 : memref<1024xi32, #tpu.memory_space<hbm>>)
          tpu.yield
        }) : () -> ()
        %while3A_515 = arith.constant 0 : i32
        scf.yield %while3A_515 : i32
      }
      %while3A_488 = arith.constant 1 : i32
      %while3A_489 = scf.for %while3A_509 = %while3A_485 to %while3A_481 step %while3A_488 iter_args(%while3A_510 = %while3A_487) -> (i32)  : i32 {
        %mul3A_511 = arith.constant 1024 : i32
        %mul3A_512 = arith.muli %while3A_509, %mul3A_511 : i32
        %add3A_513 = arith.addi %add3A_89, %mul3A_512 : i32
        %multiple_of3A_514 = tpu.assume_multiple %add3A_513, 8 : i32
        "tpu.region"() ({
          %run_scoped3A = tpu.sem_alloc : memref<!tpu.dma_semaphore, #tpu.memory_space<semaphore_mem>>
          %dma_start3A = arith.constant 0 : i32
          %dma_start3A_516 = tpu.memref_slice %arg8[%dma_start3A] : memref<25632xf32, #tpu.memory_space<vmem>> -> memref<1024xf32, #tpu.memory_space<vmem>>
          %dma_start3A_517 = tpu.memref_slice %arg4[%multiple_of3A_514] : memref<819200xf32, #tpu.memory_space<hbm>> -> memref<1024xf32, #tpu.memory_space<hbm>>
          %dma_start3A_518 = tpu.memref_slice %arg4[%multiple_of3A_514] : memref<819200xf32, #tpu.memory_space<hbm>> -> memref<1024xf32, #tpu.memory_space<hbm>>
          %dma_start3A_519 = arith.constant 0 : i32
          %dma_start3A_520 = tpu.memref_slice %arg8[%dma_start3A_519] : memref<25632xf32, #tpu.memory_space<vmem>> -> memref<1024xf32, #tpu.memory_space<vmem>>
          tpu.enqueue_dma source(%dma_start3A_520 : memref<1024xf32, #tpu.memory_space<vmem>>) target(%dma_start3A_518 : memref<1024xf32, #tpu.memory_space<hbm>>) target_semaphore(%run_scoped3A : memref<!tpu.dma_semaphore, #tpu.memory_space<semaphore_mem>>)
          %dma_wait3A = arith.constant 0 : i32
          %dma_wait3A_521 = tpu.memref_slice %arg8[%dma_wait3A] : memref<25632xf32, #tpu.memory_space<vmem>> -> memref<1024xf32, #tpu.memory_space<vmem>>
          %dma_wait3A_522 = tpu.memref_slice %arg4[%multiple_of3A_514] : memref<819200xf32, #tpu.memory_space<hbm>> -> memref<1024xf32, #tpu.memory_space<hbm>>
          %dma_wait3A_523 = tpu.memref_slice %arg4[%multiple_of3A_514] : memref<819200xf32, #tpu.memory_space<hbm>> -> memref<1024xf32, #tpu.memory_space<hbm>>
          %dma_wait3A_524 = arith.constant 0 : i32
          %dma_wait3A_525 = tpu.memref_slice %arg8[%dma_wait3A_524] : memref<25632xf32, #tpu.memory_space<vmem>> -> memref<1024xf32, #tpu.memory_space<vmem>>
          tpu.wait_dma2 semaphore(%run_scoped3A : memref<!tpu.dma_semaphore, #tpu.memory_space<semaphore_mem>>) src(%dma_wait3A_525 : memref<1024xf32, #tpu.memory_space<vmem>>) dst(%dma_wait3A_523 : memref<1024xf32, #tpu.memory_space<hbm>>)
          tpu.yield
        }) : () -> ()
        "tpu.region"() ({
          %run_scoped3A = tpu.sem_alloc : memref<!tpu.dma_semaphore, #tpu.memory_space<semaphore_mem>>
          %dma_start3A = arith.constant 0 : i32
          %dma_start3A_516 = tpu.memref_slice %arg9[%dma_start3A] : memref<25632xi32, #tpu.memory_space<vmem>> -> memref<1024xi32, #tpu.memory_space<vmem>>
          %dma_start3A_517 = tpu.memref_slice %arg5[%multiple_of3A_514] : memref<819200xi32, #tpu.memory_space<hbm>> -> memref<1024xi32, #tpu.memory_space<hbm>>
          %dma_start3A_518 = tpu.memref_slice %arg5[%multiple_of3A_514] : memref<819200xi32, #tpu.memory_space<hbm>> -> memref<1024xi32, #tpu.memory_space<hbm>>
          %dma_start3A_519 = arith.constant 0 : i32
          %dma_start3A_520 = tpu.memref_slice %arg9[%dma_start3A_519] : memref<25632xi32, #tpu.memory_space<vmem>> -> memref<1024xi32, #tpu.memory_space<vmem>>
          tpu.enqueue_dma source(%dma_start3A_520 : memref<1024xi32, #tpu.memory_space<vmem>>) target(%dma_start3A_518 : memref<1024xi32, #tpu.memory_space<hbm>>) target_semaphore(%run_scoped3A : memref<!tpu.dma_semaphore, #tpu.memory_space<semaphore_mem>>)
          %dma_wait3A = arith.constant 0 : i32
          %dma_wait3A_521 = tpu.memref_slice %arg9[%dma_wait3A] : memref<25632xi32, #tpu.memory_space<vmem>> -> memref<1024xi32, #tpu.memory_space<vmem>>
          %dma_wait3A_522 = tpu.memref_slice %arg5[%multiple_of3A_514] : memref<819200xi32, #tpu.memory_space<hbm>> -> memref<1024xi32, #tpu.memory_space<hbm>>
          %dma_wait3A_523 = tpu.memref_slice %arg5[%multiple_of3A_514] : memref<819200xi32, #tpu.memory_space<hbm>> -> memref<1024xi32, #tpu.memory_space<hbm>>
          %dma_wait3A_524 = arith.constant 0 : i32
          %dma_wait3A_525 = tpu.memref_slice %arg9[%dma_wait3A_524] : memref<25632xi32, #tpu.memory_space<vmem>> -> memref<1024xi32, #tpu.memory_space<vmem>>
          tpu.wait_dma2 semaphore(%run_scoped3A : memref<!tpu.dma_semaphore, #tpu.memory_space<semaphore_mem>>) src(%dma_wait3A_525 : memref<1024xi32, #tpu.memory_space<vmem>>) dst(%dma_wait3A_523 : memref<1024xi32, #tpu.memory_space<hbm>>)
          tpu.yield
        }) : () -> ()
        "tpu.region"() ({
          %run_scoped3A = tpu.sem_alloc : memref<!tpu.dma_semaphore, #tpu.memory_space<semaphore_mem>>
          %dma_start3A = arith.constant 0 : i32
          %dma_start3A_516 = tpu.memref_slice %arg10[%dma_start3A] : memref<25632xi32, #tpu.memory_space<vmem>> -> memref<1024xi32, #tpu.memory_space<vmem>>
          %dma_start3A_517 = tpu.memref_slice %arg6[%multiple_of3A_514] : memref<819200xi32, #tpu.memory_space<hbm>> -> memref<1024xi32, #tpu.memory_space<hbm>>
          %dma_start3A_518 = tpu.memref_slice %arg6[%multiple_of3A_514] : memref<819200xi32, #tpu.memory_space<hbm>> -> memref<1024xi32, #tpu.memory_space<hbm>>
          %dma_start3A_519 = arith.constant 0 : i32
          %dma_start3A_520 = tpu.memref_slice %arg10[%dma_start3A_519] : memref<25632xi32, #tpu.memory_space<vmem>> -> memref<1024xi32, #tpu.memory_space<vmem>>
          tpu.enqueue_dma source(%dma_start3A_520 : memref<1024xi32, #tpu.memory_space<vmem>>) target(%dma_start3A_518 : memref<1024xi32, #tpu.memory_space<hbm>>) target_semaphore(%run_scoped3A : memref<!tpu.dma_semaphore, #tpu.memory_space<semaphore_mem>>)
          %dma_wait3A = arith.constant 0 : i32
          %dma_wait3A_521 = tpu.memref_slice %arg10[%dma_wait3A] : memref<25632xi32, #tpu.memory_space<vmem>> -> memref<1024xi32, #tpu.memory_space<vmem>>
          %dma_wait3A_522 = tpu.memref_slice %arg6[%multiple_of3A_514] : memref<819200xi32, #tpu.memory_space<hbm>> -> memref<1024xi32, #tpu.memory_space<hbm>>
          %dma_wait3A_523 = tpu.memref_slice %arg6[%multiple_of3A_514] : memref<819200xi32, #tpu.memory_space<hbm>> -> memref<1024xi32, #tpu.memory_space<hbm>>
          %dma_wait3A_524 = arith.constant 0 : i32
          %dma_wait3A_525 = tpu.memref_slice %arg10[%dma_wait3A_524] : memref<25632xi32, #tpu.memory_space<vmem>> -> memref<1024xi32, #tpu.memory_space<vmem>>
          tpu.wait_dma2 semaphore(%run_scoped3A : memref<!tpu.dma_semaphore, #tpu.memory_space<semaphore_mem>>) src(%dma_wait3A_525 : memref<1024xi32, #tpu.memory_space<vmem>>) dst(%dma_wait3A_523 : memref<1024xi32, #tpu.memory_space<hbm>>)
          tpu.yield
        }) : () -> ()
        %while3A_515 = arith.constant 0 : i32
        scf.yield %while3A_515 : i32
      }
      %shift_right_arithmetic3A_490 = arith.constant 10 : i32
      %shift_right_arithmetic3A_491 = arith.shrsi %sub3A_475, %shift_right_arithmetic3A_490 : i32
      %shift_left3A_492 = arith.constant 10 : i32
      %shift_left3A_493 = arith.shli %shift_right_arithmetic3A_491, %shift_left3A_492 : i32
      %sub3A_494 = arith.subi %sub3A_475, %shift_left3A_493 : i32
      %shift_right_arithmetic3A_495 = arith.constant 3 : i32
      %shift_right_arithmetic3A_496 = arith.shrsi %sub3A_494, %shift_right_arithmetic3A_495 : i32
      %while3A_497 = arith.constant 0 : i32
      %while3A_498 = arith.constant 0 : i32
      %while3A_499 = arith.subi %shift_right_arithmetic3A_496, %while3A_497 : i32
      %while3A_500 = arith.addi %while3A_497, %while3A_499 : i32
      %while3A_501 = arith.constant 1 : i32
      %while3A_502 = arith.divsi %while3A_499, %while3A_501 : i32
      %while3A_503 = arith.muli %while3A_502, %while3A_501 : i32
      %while3A_504 = arith.addi %while3A_497, %while3A_503 : i32
      %while3A_505 = arith.constant 1 : i32
      %while3A_506 = scf.for %while3A_509 = %while3A_497 to %while3A_504 step %while3A_505 iter_args(%while3A_510 = %while3A_498) -> (i32)  : i32 {
        %add3A_511 = arith.addi %add3A_89, %shift_left3A_493 : i32
        %mul3A_512 = arith.constant 8 : i32
        %mul3A_513 = arith.muli %while3A_509, %mul3A_512 : i32
        %add3A_514 = arith.addi %add3A_511, %mul3A_513 : i32
        %multiple_of3A_515 = tpu.assume_multiple %add3A_514, 8 : i32
        "tpu.region"() ({
          %run_scoped3A = tpu.sem_alloc : memref<!tpu.dma_semaphore, #tpu.memory_space<semaphore_mem>>
          %dma_start3A = arith.constant 0 : i32
          %dma_start3A_517 = tpu.memref_slice %arg8[%dma_start3A] : memref<25632xf32, #tpu.memory_space<vmem>> -> memref<8xf32, #tpu.memory_space<vmem>>
          %dma_start3A_518 = tpu.memref_slice %arg4[%multiple_of3A_515] : memref<819200xf32, #tpu.memory_space<hbm>> -> memref<8xf32, #tpu.memory_space<hbm>>
          %dma_start3A_519 = tpu.memref_slice %arg4[%multiple_of3A_515] : memref<819200xf32, #tpu.memory_space<hbm>> -> memref<8xf32, #tpu.memory_space<hbm>>
          %dma_start3A_520 = arith.constant 0 : i32
          %dma_start3A_521 = tpu.memref_slice %arg8[%dma_start3A_520] : memref<25632xf32, #tpu.memory_space<vmem>> -> memref<8xf32, #tpu.memory_space<vmem>>
          tpu.enqueue_dma source(%dma_start3A_521 : memref<8xf32, #tpu.memory_space<vmem>>) target(%dma_start3A_519 : memref<8xf32, #tpu.memory_space<hbm>>) target_semaphore(%run_scoped3A : memref<!tpu.dma_semaphore, #tpu.memory_space<semaphore_mem>>)
          %dma_wait3A = arith.constant 0 : i32
          %dma_wait3A_522 = tpu.memref_slice %arg8[%dma_wait3A] : memref<25632xf32, #tpu.memory_space<vmem>> -> memref<8xf32, #tpu.memory_space<vmem>>
          %dma_wait3A_523 = tpu.memref_slice %arg4[%multiple_of3A_515] : memref<819200xf32, #tpu.memory_space<hbm>> -> memref<8xf32, #tpu.memory_space<hbm>>
          %dma_wait3A_524 = tpu.memref_slice %arg4[%multiple_of3A_515] : memref<819200xf32, #tpu.memory_space<hbm>> -> memref<8xf32, #tpu.memory_space<hbm>>
          %dma_wait3A_525 = arith.constant 0 : i32
          %dma_wait3A_526 = tpu.memref_slice %arg8[%dma_wait3A_525] : memref<25632xf32, #tpu.memory_space<vmem>> -> memref<8xf32, #tpu.memory_space<vmem>>
          tpu.wait_dma2 semaphore(%run_scoped3A : memref<!tpu.dma_semaphore, #tpu.memory_space<semaphore_mem>>) src(%dma_wait3A_526 : memref<8xf32, #tpu.memory_space<vmem>>) dst(%dma_wait3A_524 : memref<8xf32, #tpu.memory_space<hbm>>)
          tpu.yield
        }) : () -> ()
        "tpu.region"() ({
          %run_scoped3A = tpu.sem_alloc : memref<!tpu.dma_semaphore, #tpu.memory_space<semaphore_mem>>
          %dma_start3A = arith.constant 0 : i32
          %dma_start3A_517 = tpu.memref_slice %arg9[%dma_start3A] : memref<25632xi32, #tpu.memory_space<vmem>> -> memref<8xi32, #tpu.memory_space<vmem>>
          %dma_start3A_518 = tpu.memref_slice %arg5[%multiple_of3A_515] : memref<819200xi32, #tpu.memory_space<hbm>> -> memref<8xi32, #tpu.memory_space<hbm>>
          %dma_start3A_519 = tpu.memref_slice %arg5[%multiple_of3A_515] : memref<819200xi32, #tpu.memory_space<hbm>> -> memref<8xi32, #tpu.memory_space<hbm>>
          %dma_start3A_520 = arith.constant 0 : i32
          %dma_start3A_521 = tpu.memref_slice %arg9[%dma_start3A_520] : memref<25632xi32, #tpu.memory_space<vmem>> -> memref<8xi32, #tpu.memory_space<vmem>>
          tpu.enqueue_dma source(%dma_start3A_521 : memref<8xi32, #tpu.memory_space<vmem>>) target(%dma_start3A_519 : memref<8xi32, #tpu.memory_space<hbm>>) target_semaphore(%run_scoped3A : memref<!tpu.dma_semaphore, #tpu.memory_space<semaphore_mem>>)
          %dma_wait3A = arith.constant 0 : i32
          %dma_wait3A_522 = tpu.memref_slice %arg9[%dma_wait3A] : memref<25632xi32, #tpu.memory_space<vmem>> -> memref<8xi32, #tpu.memory_space<vmem>>
          %dma_wait3A_523 = tpu.memref_slice %arg5[%multiple_of3A_515] : memref<819200xi32, #tpu.memory_space<hbm>> -> memref<8xi32, #tpu.memory_space<hbm>>
          %dma_wait3A_524 = tpu.memref_slice %arg5[%multiple_of3A_515] : memref<819200xi32, #tpu.memory_space<hbm>> -> memref<8xi32, #tpu.memory_space<hbm>>
          %dma_wait3A_525 = arith.constant 0 : i32
          %dma_wait3A_526 = tpu.memref_slice %arg9[%dma_wait3A_525] : memref<25632xi32, #tpu.memory_space<vmem>> -> memref<8xi32, #tpu.memory_space<vmem>>
          tpu.wait_dma2 semaphore(%run_scoped3A : memref<!tpu.dma_semaphore, #tpu.memory_space<semaphore_mem>>) src(%dma_wait3A_526 : memref<8xi32, #tpu.memory_space<vmem>>) dst(%dma_wait3A_524 : memref<8xi32, #tpu.memory_space<hbm>>)
          tpu.yield
        }) : () -> ()
        "tpu.region"() ({
          %run_scoped3A = tpu.sem_alloc : memref<!tpu.dma_semaphore, #tpu.memory_space<semaphore_mem>>
          %dma_start3A = arith.constant 0 : i32
          %dma_start3A_517 = tpu.memref_slice %arg10[%dma_start3A] : memref<25632xi32, #tpu.memory_space<vmem>> -> memref<8xi32, #tpu.memory_space<vmem>>
          %dma_start3A_518 = tpu.memref_slice %arg6[%multiple_of3A_515] : memref<819200xi32, #tpu.memory_space<hbm>> -> memref<8xi32, #tpu.memory_space<hbm>>
          %dma_start3A_519 = tpu.memref_slice %arg6[%multiple_of3A_515] : memref<819200xi32, #tpu.memory_space<hbm>> -> memref<8xi32, #tpu.memory_space<hbm>>
          %dma_start3A_520 = arith.constant 0 : i32
          %dma_start3A_521 = tpu.memref_slice %arg10[%dma_start3A_520] : memref<25632xi32, #tpu.memory_space<vmem>> -> memref<8xi32, #tpu.memory_space<vmem>>
          tpu.enqueue_dma source(%dma_start3A_521 : memref<8xi32, #tpu.memory_space<vmem>>) target(%dma_start3A_519 : memref<8xi32, #tpu.memory_space<hbm>>) target_semaphore(%run_scoped3A : memref<!tpu.dma_semaphore, #tpu.memory_space<semaphore_mem>>)
          %dma_wait3A = arith.constant 0 : i32
          %dma_wait3A_522 = tpu.memref_slice %arg10[%dma_wait3A] : memref<25632xi32, #tpu.memory_space<vmem>> -> memref<8xi32, #tpu.memory_space<vmem>>
          %dma_wait3A_523 = tpu.memref_slice %arg6[%multiple_of3A_515] : memref<819200xi32, #tpu.memory_space<hbm>> -> memref<8xi32, #tpu.memory_space<hbm>>
          %dma_wait3A_524 = tpu.memref_slice %arg6[%multiple_of3A_515] : memref<819200xi32, #tpu.memory_space<hbm>> -> memref<8xi32, #tpu.memory_space<hbm>>
          %dma_wait3A_525 = arith.constant 0 : i32
          %dma_wait3A_526 = tpu.memref_slice %arg10[%dma_wait3A_525] : memref<25632xi32, #tpu.memory_space<vmem>> -> memref<8xi32, #tpu.memory_space<vmem>>
          tpu.wait_dma2 semaphore(%run_scoped3A : memref<!tpu.dma_semaphore, #tpu.memory_space<semaphore_mem>>) src(%dma_wait3A_526 : memref<8xi32, #tpu.memory_space<vmem>>) dst(%dma_wait3A_524 : memref<8xi32, #tpu.memory_space<hbm>>)
          tpu.yield
        }) : () -> ()
        %while3A_516 = arith.constant 0 : i32
        scf.yield %while3A_516 : i32
      }
      %while3A_507 = arith.constant 1 : i32
      %while3A_508 = scf.for %while3A_509 = %while3A_504 to %while3A_500 step %while3A_507 iter_args(%while3A_510 = %while3A_506) -> (i32)  : i32 {
        %add3A_511 = arith.addi %add3A_89, %shift_left3A_493 : i32
        %mul3A_512 = arith.constant 8 : i32
        %mul3A_513 = arith.muli %while3A_509, %mul3A_512 : i32
        %add3A_514 = arith.addi %add3A_511, %mul3A_513 : i32
        %multiple_of3A_515 = tpu.assume_multiple %add3A_514, 8 : i32
        "tpu.region"() ({
          %run_scoped3A = tpu.sem_alloc : memref<!tpu.dma_semaphore, #tpu.memory_space<semaphore_mem>>
          %dma_start3A = arith.constant 0 : i32
          %dma_start3A_517 = tpu.memref_slice %arg8[%dma_start3A] : memref<25632xf32, #tpu.memory_space<vmem>> -> memref<8xf32, #tpu.memory_space<vmem>>
          %dma_start3A_518 = tpu.memref_slice %arg4[%multiple_of3A_515] : memref<819200xf32, #tpu.memory_space<hbm>> -> memref<8xf32, #tpu.memory_space<hbm>>
          %dma_start3A_519 = tpu.memref_slice %arg4[%multiple_of3A_515] : memref<819200xf32, #tpu.memory_space<hbm>> -> memref<8xf32, #tpu.memory_space<hbm>>
          %dma_start3A_520 = arith.constant 0 : i32
          %dma_start3A_521 = tpu.memref_slice %arg8[%dma_start3A_520] : memref<25632xf32, #tpu.memory_space<vmem>> -> memref<8xf32, #tpu.memory_space<vmem>>
          tpu.enqueue_dma source(%dma_start3A_521 : memref<8xf32, #tpu.memory_space<vmem>>) target(%dma_start3A_519 : memref<8xf32, #tpu.memory_space<hbm>>) target_semaphore(%run_scoped3A : memref<!tpu.dma_semaphore, #tpu.memory_space<semaphore_mem>>)
          %dma_wait3A = arith.constant 0 : i32
          %dma_wait3A_522 = tpu.memref_slice %arg8[%dma_wait3A] : memref<25632xf32, #tpu.memory_space<vmem>> -> memref<8xf32, #tpu.memory_space<vmem>>
          %dma_wait3A_523 = tpu.memref_slice %arg4[%multiple_of3A_515] : memref<819200xf32, #tpu.memory_space<hbm>> -> memref<8xf32, #tpu.memory_space<hbm>>
          %dma_wait3A_524 = tpu.memref_slice %arg4[%multiple_of3A_515] : memref<819200xf32, #tpu.memory_space<hbm>> -> memref<8xf32, #tpu.memory_space<hbm>>
          %dma_wait3A_525 = arith.constant 0 : i32
          %dma_wait3A_526 = tpu.memref_slice %arg8[%dma_wait3A_525] : memref<25632xf32, #tpu.memory_space<vmem>> -> memref<8xf32, #tpu.memory_space<vmem>>
          tpu.wait_dma2 semaphore(%run_scoped3A : memref<!tpu.dma_semaphore, #tpu.memory_space<semaphore_mem>>) src(%dma_wait3A_526 : memref<8xf32, #tpu.memory_space<vmem>>) dst(%dma_wait3A_524 : memref<8xf32, #tpu.memory_space<hbm>>)
          tpu.yield
        }) : () -> ()
        "tpu.region"() ({
          %run_scoped3A = tpu.sem_alloc : memref<!tpu.dma_semaphore, #tpu.memory_space<semaphore_mem>>
          %dma_start3A = arith.constant 0 : i32
          %dma_start3A_517 = tpu.memref_slice %arg9[%dma_start3A] : memref<25632xi32, #tpu.memory_space<vmem>> -> memref<8xi32, #tpu.memory_space<vmem>>
          %dma_start3A_518 = tpu.memref_slice %arg5[%multiple_of3A_515] : memref<819200xi32, #tpu.memory_space<hbm>> -> memref<8xi32, #tpu.memory_space<hbm>>
          %dma_start3A_519 = tpu.memref_slice %arg5[%multiple_of3A_515] : memref<819200xi32, #tpu.memory_space<hbm>> -> memref<8xi32, #tpu.memory_space<hbm>>
          %dma_start3A_520 = arith.constant 0 : i32
          %dma_start3A_521 = tpu.memref_slice %arg9[%dma_start3A_520] : memref<25632xi32, #tpu.memory_space<vmem>> -> memref<8xi32, #tpu.memory_space<vmem>>
          tpu.enqueue_dma source(%dma_start3A_521 : memref<8xi32, #tpu.memory_space<vmem>>) target(%dma_start3A_519 : memref<8xi32, #tpu.memory_space<hbm>>) target_semaphore(%run_scoped3A : memref<!tpu.dma_semaphore, #tpu.memory_space<semaphore_mem>>)
          %dma_wait3A = arith.constant 0 : i32
          %dma_wait3A_522 = tpu.memref_slice %arg9[%dma_wait3A] : memref<25632xi32, #tpu.memory_space<vmem>> -> memref<8xi32, #tpu.memory_space<vmem>>
          %dma_wait3A_523 = tpu.memref_slice %arg5[%multiple_of3A_515] : memref<819200xi32, #tpu.memory_space<hbm>> -> memref<8xi32, #tpu.memory_space<hbm>>
          %dma_wait3A_524 = tpu.memref_slice %arg5[%multiple_of3A_515] : memref<819200xi32, #tpu.memory_space<hbm>> -> memref<8xi32, #tpu.memory_space<hbm>>
          %dma_wait3A_525 = arith.constant 0 : i32
          %dma_wait3A_526 = tpu.memref_slice %arg9[%dma_wait3A_525] : memref<25632xi32, #tpu.memory_space<vmem>> -> memref<8xi32, #tpu.memory_space<vmem>>
          tpu.wait_dma2 semaphore(%run_scoped3A : memref<!tpu.dma_semaphore, #tpu.memory_space<semaphore_mem>>) src(%dma_wait3A_526 : memref<8xi32, #tpu.memory_space<vmem>>) dst(%dma_wait3A_524 : memref<8xi32, #tpu.memory_space<hbm>>)
          tpu.yield
        }) : () -> ()
        "tpu.region"() ({
          %run_scoped3A = tpu.sem_alloc : memref<!tpu.dma_semaphore, #tpu.memory_space<semaphore_mem>>
          %dma_start3A = arith.constant 0 : i32
          %dma_start3A_517 = tpu.memref_slice %arg10[%dma_start3A] : memref<25632xi32, #tpu.memory_space<vmem>> -> memref<8xi32, #tpu.memory_space<vmem>>
          %dma_start3A_518 = tpu.memref_slice %arg6[%multiple_of3A_515] : memref<819200xi32, #tpu.memory_space<hbm>> -> memref<8xi32, #tpu.memory_space<hbm>>
          %dma_start3A_519 = tpu.memref_slice %arg6[%multiple_of3A_515] : memref<819200xi32, #tpu.memory_space<hbm>> -> memref<8xi32, #tpu.memory_space<hbm>>
          %dma_start3A_520 = arith.constant 0 : i32
          %dma_start3A_521 = tpu.memref_slice %arg10[%dma_start3A_520] : memref<25632xi32, #tpu.memory_space<vmem>> -> memref<8xi32, #tpu.memory_space<vmem>>
          tpu.enqueue_dma source(%dma_start3A_521 : memref<8xi32, #tpu.memory_space<vmem>>) target(%dma_start3A_519 : memref<8xi32, #tpu.memory_space<hbm>>) target_semaphore(%run_scoped3A : memref<!tpu.dma_semaphore, #tpu.memory_space<semaphore_mem>>)
          %dma_wait3A = arith.constant 0 : i32
          %dma_wait3A_522 = tpu.memref_slice %arg10[%dma_wait3A] : memref<25632xi32, #tpu.memory_space<vmem>> -> memref<8xi32, #tpu.memory_space<vmem>>
          %dma_wait3A_523 = tpu.memref_slice %arg6[%multiple_of3A_515] : memref<819200xi32, #tpu.memory_space<hbm>> -> memref<8xi32, #tpu.memory_space<hbm>>
          %dma_wait3A_524 = tpu.memref_slice %arg6[%multiple_of3A_515] : memref<819200xi32, #tpu.memory_space<hbm>> -> memref<8xi32, #tpu.memory_space<hbm>>
          %dma_wait3A_525 = arith.constant 0 : i32
          %dma_wait3A_526 = tpu.memref_slice %arg10[%dma_wait3A_525] : memref<25632xi32, #tpu.memory_space<vmem>> -> memref<8xi32, #tpu.memory_space<vmem>>
          tpu.wait_dma2 semaphore(%run_scoped3A : memref<!tpu.dma_semaphore, #tpu.memory_space<semaphore_mem>>) src(%dma_wait3A_526 : memref<8xi32, #tpu.memory_space<vmem>>) dst(%dma_wait3A_524 : memref<8xi32, #tpu.memory_space<hbm>>)
          tpu.yield
        }) : () -> ()
        %while3A_516 = arith.constant 0 : i32
        scf.yield %while3A_516 : i32
      }
    } else {
    }
    return
  }
}

module attributes {stable_mosaic.version = 14 : i64} {
  func.func @_count_body(%arg0: memref<4096x200xf32, #tpu.memory_space<vmem>>, %arg1: memref<48xi32, #tpu.memory_space<smem>>) attributes {dimension_semantics = [], scalar_prefetch = 0 : i64, scratch_operands = 0 : i64, tpu.core_type = #tpu.core_type<tc>} {
    %swap3A = arith.constant 0 : i32
    %swap3A_0 = arith.constant 0 : index
    %swap3A_1 = memref.load %arg1[%swap3A_0] : memref<48xi32, #tpu.memory_space<smem>>
    memref.store %swap3A, %arg1[%swap3A_0] : memref<48xi32, #tpu.memory_space<smem>>
    %get3A = arith.constant 0 : index
    %get3A_2 = arith.constant 0 : index
    %get3A_3 = vector.load %arg0[%get3A, %get3A_2] : memref<4096x200xf32, #tpu.memory_space<vmem>>, vector<128x200xf32>
    %ne3A = arith.constant -1.000000e+00 : f32
    %ne3A_4 = vector.broadcast %ne3A : f32 to vector<128x200xf32>
    %ne3A_5 = arith.cmpf one, %get3A_3, %ne3A_4 : vector<128x200xf32>
    %convert_element_type3A = arith.extui %ne3A_5 : vector<128x200xi1> to vector<128x200xi32>
    %reduce_sum3A = vector.shape_cast %convert_element_type3A : vector<128x200xi32> to vector<1x128x200xi32>
    %reduce_sum3A_6 = arith.constant dense<0> : vector<1xi32>
    %reduce_sum3A_7 = vector.multi_reduction <add>, %reduce_sum3A, %reduce_sum3A_6 [1, 2] : vector<1x128x200xi32> to vector<1xi32>
    %reduce_sum3A_8 = vector.shape_cast %reduce_sum3A_7 : vector<1xi32> to vector<1x1x1xi32>
    %reduce_sum3A_9 = vector.extract %reduce_sum3A_8[0, 0, 0] : i32 from vector<1x1x1xi32>
    %add3A = arith.constant 0 : i32
    %add3A_10 = arith.addi %add3A, %reduce_sum3A_9 : i32
    %swap3A_11 = arith.constant 1 : index
    %swap3A_12 = memref.load %arg1[%swap3A_11] : memref<48xi32, #tpu.memory_space<smem>>
    memref.store %add3A_10, %arg1[%swap3A_11] : memref<48xi32, #tpu.memory_space<smem>>
    %get3A_13 = arith.constant 128 : index
    %get3A_14 = arith.constant 0 : index
    %get3A_15 = vector.load %arg0[%get3A_13, %get3A_14] : memref<4096x200xf32, #tpu.memory_space<vmem>>, vector<128x200xf32>
    %ne3A_16 = arith.constant -1.000000e+00 : f32
    %ne3A_17 = vector.broadcast %ne3A_16 : f32 to vector<128x200xf32>
    %ne3A_18 = arith.cmpf one, %get3A_15, %ne3A_17 : vector<128x200xf32>
    %convert_element_type3A_19 = arith.extui %ne3A_18 : vector<128x200xi1> to vector<128x200xi32>
    %reduce_sum3A_20 = vector.shape_cast %convert_element_type3A_19 : vector<128x200xi32> to vector<1x128x200xi32>
    %reduce_sum3A_21 = arith.constant dense<0> : vector<1xi32>
    %reduce_sum3A_22 = vector.multi_reduction <add>, %reduce_sum3A_20, %reduce_sum3A_21 [1, 2] : vector<1x128x200xi32> to vector<1xi32>
    %reduce_sum3A_23 = vector.shape_cast %reduce_sum3A_22 : vector<1xi32> to vector<1x1x1xi32>
    %reduce_sum3A_24 = vector.extract %reduce_sum3A_23[0, 0, 0] : i32 from vector<1x1x1xi32>
    %add3A_25 = arith.addi %add3A_10, %reduce_sum3A_24 : i32
    %swap3A_26 = arith.constant 2 : index
    %swap3A_27 = memref.load %arg1[%swap3A_26] : memref<48xi32, #tpu.memory_space<smem>>
    memref.store %add3A_25, %arg1[%swap3A_26] : memref<48xi32, #tpu.memory_space<smem>>
    %get3A_28 = arith.constant 256 : index
    %get3A_29 = arith.constant 0 : index
    %get3A_30 = vector.load %arg0[%get3A_28, %get3A_29] : memref<4096x200xf32, #tpu.memory_space<vmem>>, vector<128x200xf32>
    %ne3A_31 = arith.constant -1.000000e+00 : f32
    %ne3A_32 = vector.broadcast %ne3A_31 : f32 to vector<128x200xf32>
    %ne3A_33 = arith.cmpf one, %get3A_30, %ne3A_32 : vector<128x200xf32>
    %convert_element_type3A_34 = arith.extui %ne3A_33 : vector<128x200xi1> to vector<128x200xi32>
    %reduce_sum3A_35 = vector.shape_cast %convert_element_type3A_34 : vector<128x200xi32> to vector<1x128x200xi32>
    %reduce_sum3A_36 = arith.constant dense<0> : vector<1xi32>
    %reduce_sum3A_37 = vector.multi_reduction <add>, %reduce_sum3A_35, %reduce_sum3A_36 [1, 2] : vector<1x128x200xi32> to vector<1xi32>
    %reduce_sum3A_38 = vector.shape_cast %reduce_sum3A_37 : vector<1xi32> to vector<1x1x1xi32>
    %reduce_sum3A_39 = vector.extract %reduce_sum3A_38[0, 0, 0] : i32 from vector<1x1x1xi32>
    %add3A_40 = arith.addi %add3A_25, %reduce_sum3A_39 : i32
    %swap3A_41 = arith.constant 3 : index
    %swap3A_42 = memref.load %arg1[%swap3A_41] : memref<48xi32, #tpu.memory_space<smem>>
    memref.store %add3A_40, %arg1[%swap3A_41] : memref<48xi32, #tpu.memory_space<smem>>
    %get3A_43 = arith.constant 384 : index
    %get3A_44 = arith.constant 0 : index
    %get3A_45 = vector.load %arg0[%get3A_43, %get3A_44] : memref<4096x200xf32, #tpu.memory_space<vmem>>, vector<128x200xf32>
    %ne3A_46 = arith.constant -1.000000e+00 : f32
    %ne3A_47 = vector.broadcast %ne3A_46 : f32 to vector<128x200xf32>
    %ne3A_48 = arith.cmpf one, %get3A_45, %ne3A_47 : vector<128x200xf32>
    %convert_element_type3A_49 = arith.extui %ne3A_48 : vector<128x200xi1> to vector<128x200xi32>
    %reduce_sum3A_50 = vector.shape_cast %convert_element_type3A_49 : vector<128x200xi32> to vector<1x128x200xi32>
    %reduce_sum3A_51 = arith.constant dense<0> : vector<1xi32>
    %reduce_sum3A_52 = vector.multi_reduction <add>, %reduce_sum3A_50, %reduce_sum3A_51 [1, 2] : vector<1x128x200xi32> to vector<1xi32>
    %reduce_sum3A_53 = vector.shape_cast %reduce_sum3A_52 : vector<1xi32> to vector<1x1x1xi32>
    %reduce_sum3A_54 = vector.extract %reduce_sum3A_53[0, 0, 0] : i32 from vector<1x1x1xi32>
    %add3A_55 = arith.addi %add3A_40, %reduce_sum3A_54 : i32
    %swap3A_56 = arith.constant 4 : index
    %swap3A_57 = memref.load %arg1[%swap3A_56] : memref<48xi32, #tpu.memory_space<smem>>
    memref.store %add3A_55, %arg1[%swap3A_56] : memref<48xi32, #tpu.memory_space<smem>>
    %get3A_58 = arith.constant 512 : index
    %get3A_59 = arith.constant 0 : index
    %get3A_60 = vector.load %arg0[%get3A_58, %get3A_59] : memref<4096x200xf32, #tpu.memory_space<vmem>>, vector<128x200xf32>
    %ne3A_61 = arith.constant -1.000000e+00 : f32
    %ne3A_62 = vector.broadcast %ne3A_61 : f32 to vector<128x200xf32>
    %ne3A_63 = arith.cmpf one, %get3A_60, %ne3A_62 : vector<128x200xf32>
    %convert_element_type3A_64 = arith.extui %ne3A_63 : vector<128x200xi1> to vector<128x200xi32>
    %reduce_sum3A_65 = vector.shape_cast %convert_element_type3A_64 : vector<128x200xi32> to vector<1x128x200xi32>
    %reduce_sum3A_66 = arith.constant dense<0> : vector<1xi32>
    %reduce_sum3A_67 = vector.multi_reduction <add>, %reduce_sum3A_65, %reduce_sum3A_66 [1, 2] : vector<1x128x200xi32> to vector<1xi32>
    %reduce_sum3A_68 = vector.shape_cast %reduce_sum3A_67 : vector<1xi32> to vector<1x1x1xi32>
    %reduce_sum3A_69 = vector.extract %reduce_sum3A_68[0, 0, 0] : i32 from vector<1x1x1xi32>
    %add3A_70 = arith.addi %add3A_55, %reduce_sum3A_69 : i32
    %swap3A_71 = arith.constant 5 : index
    %swap3A_72 = memref.load %arg1[%swap3A_71] : memref<48xi32, #tpu.memory_space<smem>>
    memref.store %add3A_70, %arg1[%swap3A_71] : memref<48xi32, #tpu.memory_space<smem>>
    %get3A_73 = arith.constant 640 : index
    %get3A_74 = arith.constant 0 : index
    %get3A_75 = vector.load %arg0[%get3A_73, %get3A_74] : memref<4096x200xf32, #tpu.memory_space<vmem>>, vector<128x200xf32>
    %ne3A_76 = arith.constant -1.000000e+00 : f32
    %ne3A_77 = vector.broadcast %ne3A_76 : f32 to vector<128x200xf32>
    %ne3A_78 = arith.cmpf one, %get3A_75, %ne3A_77 : vector<128x200xf32>
    %convert_element_type3A_79 = arith.extui %ne3A_78 : vector<128x200xi1> to vector<128x200xi32>
    %reduce_sum3A_80 = vector.shape_cast %convert_element_type3A_79 : vector<128x200xi32> to vector<1x128x200xi32>
    %reduce_sum3A_81 = arith.constant dense<0> : vector<1xi32>
    %reduce_sum3A_82 = vector.multi_reduction <add>, %reduce_sum3A_80, %reduce_sum3A_81 [1, 2] : vector<1x128x200xi32> to vector<1xi32>
    %reduce_sum3A_83 = vector.shape_cast %reduce_sum3A_82 : vector<1xi32> to vector<1x1x1xi32>
    %reduce_sum3A_84 = vector.extract %reduce_sum3A_83[0, 0, 0] : i32 from vector<1x1x1xi32>
    %add3A_85 = arith.addi %add3A_70, %reduce_sum3A_84 : i32
    %swap3A_86 = arith.constant 6 : index
    %swap3A_87 = memref.load %arg1[%swap3A_86] : memref<48xi32, #tpu.memory_space<smem>>
    memref.store %add3A_85, %arg1[%swap3A_86] : memref<48xi32, #tpu.memory_space<smem>>
    %get3A_88 = arith.constant 768 : index
    %get3A_89 = arith.constant 0 : index
    %get3A_90 = vector.load %arg0[%get3A_88, %get3A_89] : memref<4096x200xf32, #tpu.memory_space<vmem>>, vector<128x200xf32>
    %ne3A_91 = arith.constant -1.000000e+00 : f32
    %ne3A_92 = vector.broadcast %ne3A_91 : f32 to vector<128x200xf32>
    %ne3A_93 = arith.cmpf one, %get3A_90, %ne3A_92 : vector<128x200xf32>
    %convert_element_type3A_94 = arith.extui %ne3A_93 : vector<128x200xi1> to vector<128x200xi32>
    %reduce_sum3A_95 = vector.shape_cast %convert_element_type3A_94 : vector<128x200xi32> to vector<1x128x200xi32>
    %reduce_sum3A_96 = arith.constant dense<0> : vector<1xi32>
    %reduce_sum3A_97 = vector.multi_reduction <add>, %reduce_sum3A_95, %reduce_sum3A_96 [1, 2] : vector<1x128x200xi32> to vector<1xi32>
    %reduce_sum3A_98 = vector.shape_cast %reduce_sum3A_97 : vector<1xi32> to vector<1x1x1xi32>
    %reduce_sum3A_99 = vector.extract %reduce_sum3A_98[0, 0, 0] : i32 from vector<1x1x1xi32>
    %add3A_100 = arith.addi %add3A_85, %reduce_sum3A_99 : i32
    %swap3A_101 = arith.constant 7 : index
    %swap3A_102 = memref.load %arg1[%swap3A_101] : memref<48xi32, #tpu.memory_space<smem>>
    memref.store %add3A_100, %arg1[%swap3A_101] : memref<48xi32, #tpu.memory_space<smem>>
    %get3A_103 = arith.constant 896 : index
    %get3A_104 = arith.constant 0 : index
    %get3A_105 = vector.load %arg0[%get3A_103, %get3A_104] : memref<4096x200xf32, #tpu.memory_space<vmem>>, vector<128x200xf32>
    %ne3A_106 = arith.constant -1.000000e+00 : f32
    %ne3A_107 = vector.broadcast %ne3A_106 : f32 to vector<128x200xf32>
    %ne3A_108 = arith.cmpf one, %get3A_105, %ne3A_107 : vector<128x200xf32>
    %convert_element_type3A_109 = arith.extui %ne3A_108 : vector<128x200xi1> to vector<128x200xi32>
    %reduce_sum3A_110 = vector.shape_cast %convert_element_type3A_109 : vector<128x200xi32> to vector<1x128x200xi32>
    %reduce_sum3A_111 = arith.constant dense<0> : vector<1xi32>
    %reduce_sum3A_112 = vector.multi_reduction <add>, %reduce_sum3A_110, %reduce_sum3A_111 [1, 2] : vector<1x128x200xi32> to vector<1xi32>
    %reduce_sum3A_113 = vector.shape_cast %reduce_sum3A_112 : vector<1xi32> to vector<1x1x1xi32>
    %reduce_sum3A_114 = vector.extract %reduce_sum3A_113[0, 0, 0] : i32 from vector<1x1x1xi32>
    %add3A_115 = arith.addi %add3A_100, %reduce_sum3A_114 : i32
    %swap3A_116 = arith.constant 8 : index
    %swap3A_117 = memref.load %arg1[%swap3A_116] : memref<48xi32, #tpu.memory_space<smem>>
    memref.store %add3A_115, %arg1[%swap3A_116] : memref<48xi32, #tpu.memory_space<smem>>
    %get3A_118 = arith.constant 1024 : index
    %get3A_119 = arith.constant 0 : index
    %get3A_120 = vector.load %arg0[%get3A_118, %get3A_119] : memref<4096x200xf32, #tpu.memory_space<vmem>>, vector<128x200xf32>
    %ne3A_121 = arith.constant -1.000000e+00 : f32
    %ne3A_122 = vector.broadcast %ne3A_121 : f32 to vector<128x200xf32>
    %ne3A_123 = arith.cmpf one, %get3A_120, %ne3A_122 : vector<128x200xf32>
    %convert_element_type3A_124 = arith.extui %ne3A_123 : vector<128x200xi1> to vector<128x200xi32>
    %reduce_sum3A_125 = vector.shape_cast %convert_element_type3A_124 : vector<128x200xi32> to vector<1x128x200xi32>
    %reduce_sum3A_126 = arith.constant dense<0> : vector<1xi32>
    %reduce_sum3A_127 = vector.multi_reduction <add>, %reduce_sum3A_125, %reduce_sum3A_126 [1, 2] : vector<1x128x200xi32> to vector<1xi32>
    %reduce_sum3A_128 = vector.shape_cast %reduce_sum3A_127 : vector<1xi32> to vector<1x1x1xi32>
    %reduce_sum3A_129 = vector.extract %reduce_sum3A_128[0, 0, 0] : i32 from vector<1x1x1xi32>
    %add3A_130 = arith.addi %add3A_115, %reduce_sum3A_129 : i32
    %swap3A_131 = arith.constant 9 : index
    %swap3A_132 = memref.load %arg1[%swap3A_131] : memref<48xi32, #tpu.memory_space<smem>>
    memref.store %add3A_130, %arg1[%swap3A_131] : memref<48xi32, #tpu.memory_space<smem>>
    %get3A_133 = arith.constant 1152 : index
    %get3A_134 = arith.constant 0 : index
    %get3A_135 = vector.load %arg0[%get3A_133, %get3A_134] : memref<4096x200xf32, #tpu.memory_space<vmem>>, vector<128x200xf32>
    %ne3A_136 = arith.constant -1.000000e+00 : f32
    %ne3A_137 = vector.broadcast %ne3A_136 : f32 to vector<128x200xf32>
    %ne3A_138 = arith.cmpf one, %get3A_135, %ne3A_137 : vector<128x200xf32>
    %convert_element_type3A_139 = arith.extui %ne3A_138 : vector<128x200xi1> to vector<128x200xi32>
    %reduce_sum3A_140 = vector.shape_cast %convert_element_type3A_139 : vector<128x200xi32> to vector<1x128x200xi32>
    %reduce_sum3A_141 = arith.constant dense<0> : vector<1xi32>
    %reduce_sum3A_142 = vector.multi_reduction <add>, %reduce_sum3A_140, %reduce_sum3A_141 [1, 2] : vector<1x128x200xi32> to vector<1xi32>
    %reduce_sum3A_143 = vector.shape_cast %reduce_sum3A_142 : vector<1xi32> to vector<1x1x1xi32>
    %reduce_sum3A_144 = vector.extract %reduce_sum3A_143[0, 0, 0] : i32 from vector<1x1x1xi32>
    %add3A_145 = arith.addi %add3A_130, %reduce_sum3A_144 : i32
    %swap3A_146 = arith.constant 10 : index
    %swap3A_147 = memref.load %arg1[%swap3A_146] : memref<48xi32, #tpu.memory_space<smem>>
    memref.store %add3A_145, %arg1[%swap3A_146] : memref<48xi32, #tpu.memory_space<smem>>
    %get3A_148 = arith.constant 1280 : index
    %get3A_149 = arith.constant 0 : index
    %get3A_150 = vector.load %arg0[%get3A_148, %get3A_149] : memref<4096x200xf32, #tpu.memory_space<vmem>>, vector<128x200xf32>
    %ne3A_151 = arith.constant -1.000000e+00 : f32
    %ne3A_152 = vector.broadcast %ne3A_151 : f32 to vector<128x200xf32>
    %ne3A_153 = arith.cmpf one, %get3A_150, %ne3A_152 : vector<128x200xf32>
    %convert_element_type3A_154 = arith.extui %ne3A_153 : vector<128x200xi1> to vector<128x200xi32>
    %reduce_sum3A_155 = vector.shape_cast %convert_element_type3A_154 : vector<128x200xi32> to vector<1x128x200xi32>
    %reduce_sum3A_156 = arith.constant dense<0> : vector<1xi32>
    %reduce_sum3A_157 = vector.multi_reduction <add>, %reduce_sum3A_155, %reduce_sum3A_156 [1, 2] : vector<1x128x200xi32> to vector<1xi32>
    %reduce_sum3A_158 = vector.shape_cast %reduce_sum3A_157 : vector<1xi32> to vector<1x1x1xi32>
    %reduce_sum3A_159 = vector.extract %reduce_sum3A_158[0, 0, 0] : i32 from vector<1x1x1xi32>
    %add3A_160 = arith.addi %add3A_145, %reduce_sum3A_159 : i32
    %swap3A_161 = arith.constant 11 : index
    %swap3A_162 = memref.load %arg1[%swap3A_161] : memref<48xi32, #tpu.memory_space<smem>>
    memref.store %add3A_160, %arg1[%swap3A_161] : memref<48xi32, #tpu.memory_space<smem>>
    %get3A_163 = arith.constant 1408 : index
    %get3A_164 = arith.constant 0 : index
    %get3A_165 = vector.load %arg0[%get3A_163, %get3A_164] : memref<4096x200xf32, #tpu.memory_space<vmem>>, vector<128x200xf32>
    %ne3A_166 = arith.constant -1.000000e+00 : f32
    %ne3A_167 = vector.broadcast %ne3A_166 : f32 to vector<128x200xf32>
    %ne3A_168 = arith.cmpf one, %get3A_165, %ne3A_167 : vector<128x200xf32>
    %convert_element_type3A_169 = arith.extui %ne3A_168 : vector<128x200xi1> to vector<128x200xi32>
    %reduce_sum3A_170 = vector.shape_cast %convert_element_type3A_169 : vector<128x200xi32> to vector<1x128x200xi32>
    %reduce_sum3A_171 = arith.constant dense<0> : vector<1xi32>
    %reduce_sum3A_172 = vector.multi_reduction <add>, %reduce_sum3A_170, %reduce_sum3A_171 [1, 2] : vector<1x128x200xi32> to vector<1xi32>
    %reduce_sum3A_173 = vector.shape_cast %reduce_sum3A_172 : vector<1xi32> to vector<1x1x1xi32>
    %reduce_sum3A_174 = vector.extract %reduce_sum3A_173[0, 0, 0] : i32 from vector<1x1x1xi32>
    %add3A_175 = arith.addi %add3A_160, %reduce_sum3A_174 : i32
    %swap3A_176 = arith.constant 12 : index
    %swap3A_177 = memref.load %arg1[%swap3A_176] : memref<48xi32, #tpu.memory_space<smem>>
    memref.store %add3A_175, %arg1[%swap3A_176] : memref<48xi32, #tpu.memory_space<smem>>
    %get3A_178 = arith.constant 1536 : index
    %get3A_179 = arith.constant 0 : index
    %get3A_180 = vector.load %arg0[%get3A_178, %get3A_179] : memref<4096x200xf32, #tpu.memory_space<vmem>>, vector<128x200xf32>
    %ne3A_181 = arith.constant -1.000000e+00 : f32
    %ne3A_182 = vector.broadcast %ne3A_181 : f32 to vector<128x200xf32>
    %ne3A_183 = arith.cmpf one, %get3A_180, %ne3A_182 : vector<128x200xf32>
    %convert_element_type3A_184 = arith.extui %ne3A_183 : vector<128x200xi1> to vector<128x200xi32>
    %reduce_sum3A_185 = vector.shape_cast %convert_element_type3A_184 : vector<128x200xi32> to vector<1x128x200xi32>
    %reduce_sum3A_186 = arith.constant dense<0> : vector<1xi32>
    %reduce_sum3A_187 = vector.multi_reduction <add>, %reduce_sum3A_185, %reduce_sum3A_186 [1, 2] : vector<1x128x200xi32> to vector<1xi32>
    %reduce_sum3A_188 = vector.shape_cast %reduce_sum3A_187 : vector<1xi32> to vector<1x1x1xi32>
    %reduce_sum3A_189 = vector.extract %reduce_sum3A_188[0, 0, 0] : i32 from vector<1x1x1xi32>
    %add3A_190 = arith.addi %add3A_175, %reduce_sum3A_189 : i32
    %swap3A_191 = arith.constant 13 : index
    %swap3A_192 = memref.load %arg1[%swap3A_191] : memref<48xi32, #tpu.memory_space<smem>>
    memref.store %add3A_190, %arg1[%swap3A_191] : memref<48xi32, #tpu.memory_space<smem>>
    %get3A_193 = arith.constant 1664 : index
    %get3A_194 = arith.constant 0 : index
    %get3A_195 = vector.load %arg0[%get3A_193, %get3A_194] : memref<4096x200xf32, #tpu.memory_space<vmem>>, vector<128x200xf32>
    %ne3A_196 = arith.constant -1.000000e+00 : f32
    %ne3A_197 = vector.broadcast %ne3A_196 : f32 to vector<128x200xf32>
    %ne3A_198 = arith.cmpf one, %get3A_195, %ne3A_197 : vector<128x200xf32>
    %convert_element_type3A_199 = arith.extui %ne3A_198 : vector<128x200xi1> to vector<128x200xi32>
    %reduce_sum3A_200 = vector.shape_cast %convert_element_type3A_199 : vector<128x200xi32> to vector<1x128x200xi32>
    %reduce_sum3A_201 = arith.constant dense<0> : vector<1xi32>
    %reduce_sum3A_202 = vector.multi_reduction <add>, %reduce_sum3A_200, %reduce_sum3A_201 [1, 2] : vector<1x128x200xi32> to vector<1xi32>
    %reduce_sum3A_203 = vector.shape_cast %reduce_sum3A_202 : vector<1xi32> to vector<1x1x1xi32>
    %reduce_sum3A_204 = vector.extract %reduce_sum3A_203[0, 0, 0] : i32 from vector<1x1x1xi32>
    %add3A_205 = arith.addi %add3A_190, %reduce_sum3A_204 : i32
    %swap3A_206 = arith.constant 14 : index
    %swap3A_207 = memref.load %arg1[%swap3A_206] : memref<48xi32, #tpu.memory_space<smem>>
    memref.store %add3A_205, %arg1[%swap3A_206] : memref<48xi32, #tpu.memory_space<smem>>
    %get3A_208 = arith.constant 1792 : index
    %get3A_209 = arith.constant 0 : index
    %get3A_210 = vector.load %arg0[%get3A_208, %get3A_209] : memref<4096x200xf32, #tpu.memory_space<vmem>>, vector<128x200xf32>
    %ne3A_211 = arith.constant -1.000000e+00 : f32
    %ne3A_212 = vector.broadcast %ne3A_211 : f32 to vector<128x200xf32>
    %ne3A_213 = arith.cmpf one, %get3A_210, %ne3A_212 : vector<128x200xf32>
    %convert_element_type3A_214 = arith.extui %ne3A_213 : vector<128x200xi1> to vector<128x200xi32>
    %reduce_sum3A_215 = vector.shape_cast %convert_element_type3A_214 : vector<128x200xi32> to vector<1x128x200xi32>
    %reduce_sum3A_216 = arith.constant dense<0> : vector<1xi32>
    %reduce_sum3A_217 = vector.multi_reduction <add>, %reduce_sum3A_215, %reduce_sum3A_216 [1, 2] : vector<1x128x200xi32> to vector<1xi32>
    %reduce_sum3A_218 = vector.shape_cast %reduce_sum3A_217 : vector<1xi32> to vector<1x1x1xi32>
    %reduce_sum3A_219 = vector.extract %reduce_sum3A_218[0, 0, 0] : i32 from vector<1x1x1xi32>
    %add3A_220 = arith.addi %add3A_205, %reduce_sum3A_219 : i32
    %swap3A_221 = arith.constant 15 : index
    %swap3A_222 = memref.load %arg1[%swap3A_221] : memref<48xi32, #tpu.memory_space<smem>>
    memref.store %add3A_220, %arg1[%swap3A_221] : memref<48xi32, #tpu.memory_space<smem>>
    %get3A_223 = arith.constant 1920 : index
    %get3A_224 = arith.constant 0 : index
    %get3A_225 = vector.load %arg0[%get3A_223, %get3A_224] : memref<4096x200xf32, #tpu.memory_space<vmem>>, vector<128x200xf32>
    %ne3A_226 = arith.constant -1.000000e+00 : f32
    %ne3A_227 = vector.broadcast %ne3A_226 : f32 to vector<128x200xf32>
    %ne3A_228 = arith.cmpf one, %get3A_225, %ne3A_227 : vector<128x200xf32>
    %convert_element_type3A_229 = arith.extui %ne3A_228 : vector<128x200xi1> to vector<128x200xi32>
    %reduce_sum3A_230 = vector.shape_cast %convert_element_type3A_229 : vector<128x200xi32> to vector<1x128x200xi32>
    %reduce_sum3A_231 = arith.constant dense<0> : vector<1xi32>
    %reduce_sum3A_232 = vector.multi_reduction <add>, %reduce_sum3A_230, %reduce_sum3A_231 [1, 2] : vector<1x128x200xi32> to vector<1xi32>
    %reduce_sum3A_233 = vector.shape_cast %reduce_sum3A_232 : vector<1xi32> to vector<1x1x1xi32>
    %reduce_sum3A_234 = vector.extract %reduce_sum3A_233[0, 0, 0] : i32 from vector<1x1x1xi32>
    %add3A_235 = arith.addi %add3A_220, %reduce_sum3A_234 : i32
    %swap3A_236 = arith.constant 16 : index
    %swap3A_237 = memref.load %arg1[%swap3A_236] : memref<48xi32, #tpu.memory_space<smem>>
    memref.store %add3A_235, %arg1[%swap3A_236] : memref<48xi32, #tpu.memory_space<smem>>
    %get3A_238 = arith.constant 2048 : index
    %get3A_239 = arith.constant 0 : index
    %get3A_240 = vector.load %arg0[%get3A_238, %get3A_239] : memref<4096x200xf32, #tpu.memory_space<vmem>>, vector<128x200xf32>
    %ne3A_241 = arith.constant -1.000000e+00 : f32
    %ne3A_242 = vector.broadcast %ne3A_241 : f32 to vector<128x200xf32>
    %ne3A_243 = arith.cmpf one, %get3A_240, %ne3A_242 : vector<128x200xf32>
    %convert_element_type3A_244 = arith.extui %ne3A_243 : vector<128x200xi1> to vector<128x200xi32>
    %reduce_sum3A_245 = vector.shape_cast %convert_element_type3A_244 : vector<128x200xi32> to vector<1x128x200xi32>
    %reduce_sum3A_246 = arith.constant dense<0> : vector<1xi32>
    %reduce_sum3A_247 = vector.multi_reduction <add>, %reduce_sum3A_245, %reduce_sum3A_246 [1, 2] : vector<1x128x200xi32> to vector<1xi32>
    %reduce_sum3A_248 = vector.shape_cast %reduce_sum3A_247 : vector<1xi32> to vector<1x1x1xi32>
    %reduce_sum3A_249 = vector.extract %reduce_sum3A_248[0, 0, 0] : i32 from vector<1x1x1xi32>
    %add3A_250 = arith.addi %add3A_235, %reduce_sum3A_249 : i32
    %swap3A_251 = arith.constant 17 : index
    %swap3A_252 = memref.load %arg1[%swap3A_251] : memref<48xi32, #tpu.memory_space<smem>>
    memref.store %add3A_250, %arg1[%swap3A_251] : memref<48xi32, #tpu.memory_space<smem>>
    %get3A_253 = arith.constant 2176 : index
    %get3A_254 = arith.constant 0 : index
    %get3A_255 = vector.load %arg0[%get3A_253, %get3A_254] : memref<4096x200xf32, #tpu.memory_space<vmem>>, vector<128x200xf32>
    %ne3A_256 = arith.constant -1.000000e+00 : f32
    %ne3A_257 = vector.broadcast %ne3A_256 : f32 to vector<128x200xf32>
    %ne3A_258 = arith.cmpf one, %get3A_255, %ne3A_257 : vector<128x200xf32>
    %convert_element_type3A_259 = arith.extui %ne3A_258 : vector<128x200xi1> to vector<128x200xi32>
    %reduce_sum3A_260 = vector.shape_cast %convert_element_type3A_259 : vector<128x200xi32> to vector<1x128x200xi32>
    %reduce_sum3A_261 = arith.constant dense<0> : vector<1xi32>
    %reduce_sum3A_262 = vector.multi_reduction <add>, %reduce_sum3A_260, %reduce_sum3A_261 [1, 2] : vector<1x128x200xi32> to vector<1xi32>
    %reduce_sum3A_263 = vector.shape_cast %reduce_sum3A_262 : vector<1xi32> to vector<1x1x1xi32>
    %reduce_sum3A_264 = vector.extract %reduce_sum3A_263[0, 0, 0] : i32 from vector<1x1x1xi32>
    %add3A_265 = arith.addi %add3A_250, %reduce_sum3A_264 : i32
    %swap3A_266 = arith.constant 18 : index
    %swap3A_267 = memref.load %arg1[%swap3A_266] : memref<48xi32, #tpu.memory_space<smem>>
    memref.store %add3A_265, %arg1[%swap3A_266] : memref<48xi32, #tpu.memory_space<smem>>
    %get3A_268 = arith.constant 2304 : index
    %get3A_269 = arith.constant 0 : index
    %get3A_270 = vector.load %arg0[%get3A_268, %get3A_269] : memref<4096x200xf32, #tpu.memory_space<vmem>>, vector<128x200xf32>
    %ne3A_271 = arith.constant -1.000000e+00 : f32
    %ne3A_272 = vector.broadcast %ne3A_271 : f32 to vector<128x200xf32>
    %ne3A_273 = arith.cmpf one, %get3A_270, %ne3A_272 : vector<128x200xf32>
    %convert_element_type3A_274 = arith.extui %ne3A_273 : vector<128x200xi1> to vector<128x200xi32>
    %reduce_sum3A_275 = vector.shape_cast %convert_element_type3A_274 : vector<128x200xi32> to vector<1x128x200xi32>
    %reduce_sum3A_276 = arith.constant dense<0> : vector<1xi32>
    %reduce_sum3A_277 = vector.multi_reduction <add>, %reduce_sum3A_275, %reduce_sum3A_276 [1, 2] : vector<1x128x200xi32> to vector<1xi32>
    %reduce_sum3A_278 = vector.shape_cast %reduce_sum3A_277 : vector<1xi32> to vector<1x1x1xi32>
    %reduce_sum3A_279 = vector.extract %reduce_sum3A_278[0, 0, 0] : i32 from vector<1x1x1xi32>
    %add3A_280 = arith.addi %add3A_265, %reduce_sum3A_279 : i32
    %swap3A_281 = arith.constant 19 : index
    %swap3A_282 = memref.load %arg1[%swap3A_281] : memref<48xi32, #tpu.memory_space<smem>>
    memref.store %add3A_280, %arg1[%swap3A_281] : memref<48xi32, #tpu.memory_space<smem>>
    %get3A_283 = arith.constant 2432 : index
    %get3A_284 = arith.constant 0 : index
    %get3A_285 = vector.load %arg0[%get3A_283, %get3A_284] : memref<4096x200xf32, #tpu.memory_space<vmem>>, vector<128x200xf32>
    %ne3A_286 = arith.constant -1.000000e+00 : f32
    %ne3A_287 = vector.broadcast %ne3A_286 : f32 to vector<128x200xf32>
    %ne3A_288 = arith.cmpf one, %get3A_285, %ne3A_287 : vector<128x200xf32>
    %convert_element_type3A_289 = arith.extui %ne3A_288 : vector<128x200xi1> to vector<128x200xi32>
    %reduce_sum3A_290 = vector.shape_cast %convert_element_type3A_289 : vector<128x200xi32> to vector<1x128x200xi32>
    %reduce_sum3A_291 = arith.constant dense<0> : vector<1xi32>
    %reduce_sum3A_292 = vector.multi_reduction <add>, %reduce_sum3A_290, %reduce_sum3A_291 [1, 2] : vector<1x128x200xi32> to vector<1xi32>
    %reduce_sum3A_293 = vector.shape_cast %reduce_sum3A_292 : vector<1xi32> to vector<1x1x1xi32>
    %reduce_sum3A_294 = vector.extract %reduce_sum3A_293[0, 0, 0] : i32 from vector<1x1x1xi32>
    %add3A_295 = arith.addi %add3A_280, %reduce_sum3A_294 : i32
    %swap3A_296 = arith.constant 20 : index
    %swap3A_297 = memref.load %arg1[%swap3A_296] : memref<48xi32, #tpu.memory_space<smem>>
    memref.store %add3A_295, %arg1[%swap3A_296] : memref<48xi32, #tpu.memory_space<smem>>
    %get3A_298 = arith.constant 2560 : index
    %get3A_299 = arith.constant 0 : index
    %get3A_300 = vector.load %arg0[%get3A_298, %get3A_299] : memref<4096x200xf32, #tpu.memory_space<vmem>>, vector<128x200xf32>
    %ne3A_301 = arith.constant -1.000000e+00 : f32
    %ne3A_302 = vector.broadcast %ne3A_301 : f32 to vector<128x200xf32>
    %ne3A_303 = arith.cmpf one, %get3A_300, %ne3A_302 : vector<128x200xf32>
    %convert_element_type3A_304 = arith.extui %ne3A_303 : vector<128x200xi1> to vector<128x200xi32>
    %reduce_sum3A_305 = vector.shape_cast %convert_element_type3A_304 : vector<128x200xi32> to vector<1x128x200xi32>
    %reduce_sum3A_306 = arith.constant dense<0> : vector<1xi32>
    %reduce_sum3A_307 = vector.multi_reduction <add>, %reduce_sum3A_305, %reduce_sum3A_306 [1, 2] : vector<1x128x200xi32> to vector<1xi32>
    %reduce_sum3A_308 = vector.shape_cast %reduce_sum3A_307 : vector<1xi32> to vector<1x1x1xi32>
    %reduce_sum3A_309 = vector.extract %reduce_sum3A_308[0, 0, 0] : i32 from vector<1x1x1xi32>
    %add3A_310 = arith.addi %add3A_295, %reduce_sum3A_309 : i32
    %swap3A_311 = arith.constant 21 : index
    %swap3A_312 = memref.load %arg1[%swap3A_311] : memref<48xi32, #tpu.memory_space<smem>>
    memref.store %add3A_310, %arg1[%swap3A_311] : memref<48xi32, #tpu.memory_space<smem>>
    %get3A_313 = arith.constant 2688 : index
    %get3A_314 = arith.constant 0 : index
    %get3A_315 = vector.load %arg0[%get3A_313, %get3A_314] : memref<4096x200xf32, #tpu.memory_space<vmem>>, vector<128x200xf32>
    %ne3A_316 = arith.constant -1.000000e+00 : f32
    %ne3A_317 = vector.broadcast %ne3A_316 : f32 to vector<128x200xf32>
    %ne3A_318 = arith.cmpf one, %get3A_315, %ne3A_317 : vector<128x200xf32>
    %convert_element_type3A_319 = arith.extui %ne3A_318 : vector<128x200xi1> to vector<128x200xi32>
    %reduce_sum3A_320 = vector.shape_cast %convert_element_type3A_319 : vector<128x200xi32> to vector<1x128x200xi32>
    %reduce_sum3A_321 = arith.constant dense<0> : vector<1xi32>
    %reduce_sum3A_322 = vector.multi_reduction <add>, %reduce_sum3A_320, %reduce_sum3A_321 [1, 2] : vector<1x128x200xi32> to vector<1xi32>
    %reduce_sum3A_323 = vector.shape_cast %reduce_sum3A_322 : vector<1xi32> to vector<1x1x1xi32>
    %reduce_sum3A_324 = vector.extract %reduce_sum3A_323[0, 0, 0] : i32 from vector<1x1x1xi32>
    %add3A_325 = arith.addi %add3A_310, %reduce_sum3A_324 : i32
    %swap3A_326 = arith.constant 22 : index
    %swap3A_327 = memref.load %arg1[%swap3A_326] : memref<48xi32, #tpu.memory_space<smem>>
    memref.store %add3A_325, %arg1[%swap3A_326] : memref<48xi32, #tpu.memory_space<smem>>
    %get3A_328 = arith.constant 2816 : index
    %get3A_329 = arith.constant 0 : index
    %get3A_330 = vector.load %arg0[%get3A_328, %get3A_329] : memref<4096x200xf32, #tpu.memory_space<vmem>>, vector<128x200xf32>
    %ne3A_331 = arith.constant -1.000000e+00 : f32
    %ne3A_332 = vector.broadcast %ne3A_331 : f32 to vector<128x200xf32>
    %ne3A_333 = arith.cmpf one, %get3A_330, %ne3A_332 : vector<128x200xf32>
    %convert_element_type3A_334 = arith.extui %ne3A_333 : vector<128x200xi1> to vector<128x200xi32>
    %reduce_sum3A_335 = vector.shape_cast %convert_element_type3A_334 : vector<128x200xi32> to vector<1x128x200xi32>
    %reduce_sum3A_336 = arith.constant dense<0> : vector<1xi32>
    %reduce_sum3A_337 = vector.multi_reduction <add>, %reduce_sum3A_335, %reduce_sum3A_336 [1, 2] : vector<1x128x200xi32> to vector<1xi32>
    %reduce_sum3A_338 = vector.shape_cast %reduce_sum3A_337 : vector<1xi32> to vector<1x1x1xi32>
    %reduce_sum3A_339 = vector.extract %reduce_sum3A_338[0, 0, 0] : i32 from vector<1x1x1xi32>
    %add3A_340 = arith.addi %add3A_325, %reduce_sum3A_339 : i32
    %swap3A_341 = arith.constant 23 : index
    %swap3A_342 = memref.load %arg1[%swap3A_341] : memref<48xi32, #tpu.memory_space<smem>>
    memref.store %add3A_340, %arg1[%swap3A_341] : memref<48xi32, #tpu.memory_space<smem>>
    %get3A_343 = arith.constant 2944 : index
    %get3A_344 = arith.constant 0 : index
    %get3A_345 = vector.load %arg0[%get3A_343, %get3A_344] : memref<4096x200xf32, #tpu.memory_space<vmem>>, vector<128x200xf32>
    %ne3A_346 = arith.constant -1.000000e+00 : f32
    %ne3A_347 = vector.broadcast %ne3A_346 : f32 to vector<128x200xf32>
    %ne3A_348 = arith.cmpf one, %get3A_345, %ne3A_347 : vector<128x200xf32>
    %convert_element_type3A_349 = arith.extui %ne3A_348 : vector<128x200xi1> to vector<128x200xi32>
    %reduce_sum3A_350 = vector.shape_cast %convert_element_type3A_349 : vector<128x200xi32> to vector<1x128x200xi32>
    %reduce_sum3A_351 = arith.constant dense<0> : vector<1xi32>
    %reduce_sum3A_352 = vector.multi_reduction <add>, %reduce_sum3A_350, %reduce_sum3A_351 [1, 2] : vector<1x128x200xi32> to vector<1xi32>
    %reduce_sum3A_353 = vector.shape_cast %reduce_sum3A_352 : vector<1xi32> to vector<1x1x1xi32>
    %reduce_sum3A_354 = vector.extract %reduce_sum3A_353[0, 0, 0] : i32 from vector<1x1x1xi32>
    %add3A_355 = arith.addi %add3A_340, %reduce_sum3A_354 : i32
    %swap3A_356 = arith.constant 24 : index
    %swap3A_357 = memref.load %arg1[%swap3A_356] : memref<48xi32, #tpu.memory_space<smem>>
    memref.store %add3A_355, %arg1[%swap3A_356] : memref<48xi32, #tpu.memory_space<smem>>
    %get3A_358 = arith.constant 3072 : index
    %get3A_359 = arith.constant 0 : index
    %get3A_360 = vector.load %arg0[%get3A_358, %get3A_359] : memref<4096x200xf32, #tpu.memory_space<vmem>>, vector<128x200xf32>
    %ne3A_361 = arith.constant -1.000000e+00 : f32
    %ne3A_362 = vector.broadcast %ne3A_361 : f32 to vector<128x200xf32>
    %ne3A_363 = arith.cmpf one, %get3A_360, %ne3A_362 : vector<128x200xf32>
    %convert_element_type3A_364 = arith.extui %ne3A_363 : vector<128x200xi1> to vector<128x200xi32>
    %reduce_sum3A_365 = vector.shape_cast %convert_element_type3A_364 : vector<128x200xi32> to vector<1x128x200xi32>
    %reduce_sum3A_366 = arith.constant dense<0> : vector<1xi32>
    %reduce_sum3A_367 = vector.multi_reduction <add>, %reduce_sum3A_365, %reduce_sum3A_366 [1, 2] : vector<1x128x200xi32> to vector<1xi32>
    %reduce_sum3A_368 = vector.shape_cast %reduce_sum3A_367 : vector<1xi32> to vector<1x1x1xi32>
    %reduce_sum3A_369 = vector.extract %reduce_sum3A_368[0, 0, 0] : i32 from vector<1x1x1xi32>
    %add3A_370 = arith.addi %add3A_355, %reduce_sum3A_369 : i32
    %swap3A_371 = arith.constant 25 : index
    %swap3A_372 = memref.load %arg1[%swap3A_371] : memref<48xi32, #tpu.memory_space<smem>>
    memref.store %add3A_370, %arg1[%swap3A_371] : memref<48xi32, #tpu.memory_space<smem>>
    %get3A_373 = arith.constant 3200 : index
    %get3A_374 = arith.constant 0 : index
    %get3A_375 = vector.load %arg0[%get3A_373, %get3A_374] : memref<4096x200xf32, #tpu.memory_space<vmem>>, vector<128x200xf32>
    %ne3A_376 = arith.constant -1.000000e+00 : f32
    %ne3A_377 = vector.broadcast %ne3A_376 : f32 to vector<128x200xf32>
    %ne3A_378 = arith.cmpf one, %get3A_375, %ne3A_377 : vector<128x200xf32>
    %convert_element_type3A_379 = arith.extui %ne3A_378 : vector<128x200xi1> to vector<128x200xi32>
    %reduce_sum3A_380 = vector.shape_cast %convert_element_type3A_379 : vector<128x200xi32> to vector<1x128x200xi32>
    %reduce_sum3A_381 = arith.constant dense<0> : vector<1xi32>
    %reduce_sum3A_382 = vector.multi_reduction <add>, %reduce_sum3A_380, %reduce_sum3A_381 [1, 2] : vector<1x128x200xi32> to vector<1xi32>
    %reduce_sum3A_383 = vector.shape_cast %reduce_sum3A_382 : vector<1xi32> to vector<1x1x1xi32>
    %reduce_sum3A_384 = vector.extract %reduce_sum3A_383[0, 0, 0] : i32 from vector<1x1x1xi32>
    %add3A_385 = arith.addi %add3A_370, %reduce_sum3A_384 : i32
    %swap3A_386 = arith.constant 26 : index
    %swap3A_387 = memref.load %arg1[%swap3A_386] : memref<48xi32, #tpu.memory_space<smem>>
    memref.store %add3A_385, %arg1[%swap3A_386] : memref<48xi32, #tpu.memory_space<smem>>
    %get3A_388 = arith.constant 3328 : index
    %get3A_389 = arith.constant 0 : index
    %get3A_390 = vector.load %arg0[%get3A_388, %get3A_389] : memref<4096x200xf32, #tpu.memory_space<vmem>>, vector<128x200xf32>
    %ne3A_391 = arith.constant -1.000000e+00 : f32
    %ne3A_392 = vector.broadcast %ne3A_391 : f32 to vector<128x200xf32>
    %ne3A_393 = arith.cmpf one, %get3A_390, %ne3A_392 : vector<128x200xf32>
    %convert_element_type3A_394 = arith.extui %ne3A_393 : vector<128x200xi1> to vector<128x200xi32>
    %reduce_sum3A_395 = vector.shape_cast %convert_element_type3A_394 : vector<128x200xi32> to vector<1x128x200xi32>
    %reduce_sum3A_396 = arith.constant dense<0> : vector<1xi32>
    %reduce_sum3A_397 = vector.multi_reduction <add>, %reduce_sum3A_395, %reduce_sum3A_396 [1, 2] : vector<1x128x200xi32> to vector<1xi32>
    %reduce_sum3A_398 = vector.shape_cast %reduce_sum3A_397 : vector<1xi32> to vector<1x1x1xi32>
    %reduce_sum3A_399 = vector.extract %reduce_sum3A_398[0, 0, 0] : i32 from vector<1x1x1xi32>
    %add3A_400 = arith.addi %add3A_385, %reduce_sum3A_399 : i32
    %swap3A_401 = arith.constant 27 : index
    %swap3A_402 = memref.load %arg1[%swap3A_401] : memref<48xi32, #tpu.memory_space<smem>>
    memref.store %add3A_400, %arg1[%swap3A_401] : memref<48xi32, #tpu.memory_space<smem>>
    %get3A_403 = arith.constant 3456 : index
    %get3A_404 = arith.constant 0 : index
    %get3A_405 = vector.load %arg0[%get3A_403, %get3A_404] : memref<4096x200xf32, #tpu.memory_space<vmem>>, vector<128x200xf32>
    %ne3A_406 = arith.constant -1.000000e+00 : f32
    %ne3A_407 = vector.broadcast %ne3A_406 : f32 to vector<128x200xf32>
    %ne3A_408 = arith.cmpf one, %get3A_405, %ne3A_407 : vector<128x200xf32>
    %convert_element_type3A_409 = arith.extui %ne3A_408 : vector<128x200xi1> to vector<128x200xi32>
    %reduce_sum3A_410 = vector.shape_cast %convert_element_type3A_409 : vector<128x200xi32> to vector<1x128x200xi32>
    %reduce_sum3A_411 = arith.constant dense<0> : vector<1xi32>
    %reduce_sum3A_412 = vector.multi_reduction <add>, %reduce_sum3A_410, %reduce_sum3A_411 [1, 2] : vector<1x128x200xi32> to vector<1xi32>
    %reduce_sum3A_413 = vector.shape_cast %reduce_sum3A_412 : vector<1xi32> to vector<1x1x1xi32>
    %reduce_sum3A_414 = vector.extract %reduce_sum3A_413[0, 0, 0] : i32 from vector<1x1x1xi32>
    %add3A_415 = arith.addi %add3A_400, %reduce_sum3A_414 : i32
    %swap3A_416 = arith.constant 28 : index
    %swap3A_417 = memref.load %arg1[%swap3A_416] : memref<48xi32, #tpu.memory_space<smem>>
    memref.store %add3A_415, %arg1[%swap3A_416] : memref<48xi32, #tpu.memory_space<smem>>
    %get3A_418 = arith.constant 3584 : index
    %get3A_419 = arith.constant 0 : index
    %get3A_420 = vector.load %arg0[%get3A_418, %get3A_419] : memref<4096x200xf32, #tpu.memory_space<vmem>>, vector<128x200xf32>
    %ne3A_421 = arith.constant -1.000000e+00 : f32
    %ne3A_422 = vector.broadcast %ne3A_421 : f32 to vector<128x200xf32>
    %ne3A_423 = arith.cmpf one, %get3A_420, %ne3A_422 : vector<128x200xf32>
    %convert_element_type3A_424 = arith.extui %ne3A_423 : vector<128x200xi1> to vector<128x200xi32>
    %reduce_sum3A_425 = vector.shape_cast %convert_element_type3A_424 : vector<128x200xi32> to vector<1x128x200xi32>
    %reduce_sum3A_426 = arith.constant dense<0> : vector<1xi32>
    %reduce_sum3A_427 = vector.multi_reduction <add>, %reduce_sum3A_425, %reduce_sum3A_426 [1, 2] : vector<1x128x200xi32> to vector<1xi32>
    %reduce_sum3A_428 = vector.shape_cast %reduce_sum3A_427 : vector<1xi32> to vector<1x1x1xi32>
    %reduce_sum3A_429 = vector.extract %reduce_sum3A_428[0, 0, 0] : i32 from vector<1x1x1xi32>
    %add3A_430 = arith.addi %add3A_415, %reduce_sum3A_429 : i32
    %swap3A_431 = arith.constant 29 : index
    %swap3A_432 = memref.load %arg1[%swap3A_431] : memref<48xi32, #tpu.memory_space<smem>>
    memref.store %add3A_430, %arg1[%swap3A_431] : memref<48xi32, #tpu.memory_space<smem>>
    %get3A_433 = arith.constant 3712 : index
    %get3A_434 = arith.constant 0 : index
    %get3A_435 = vector.load %arg0[%get3A_433, %get3A_434] : memref<4096x200xf32, #tpu.memory_space<vmem>>, vector<128x200xf32>
    %ne3A_436 = arith.constant -1.000000e+00 : f32
    %ne3A_437 = vector.broadcast %ne3A_436 : f32 to vector<128x200xf32>
    %ne3A_438 = arith.cmpf one, %get3A_435, %ne3A_437 : vector<128x200xf32>
    %convert_element_type3A_439 = arith.extui %ne3A_438 : vector<128x200xi1> to vector<128x200xi32>
    %reduce_sum3A_440 = vector.shape_cast %convert_element_type3A_439 : vector<128x200xi32> to vector<1x128x200xi32>
    %reduce_sum3A_441 = arith.constant dense<0> : vector<1xi32>
    %reduce_sum3A_442 = vector.multi_reduction <add>, %reduce_sum3A_440, %reduce_sum3A_441 [1, 2] : vector<1x128x200xi32> to vector<1xi32>
    %reduce_sum3A_443 = vector.shape_cast %reduce_sum3A_442 : vector<1xi32> to vector<1x1x1xi32>
    %reduce_sum3A_444 = vector.extract %reduce_sum3A_443[0, 0, 0] : i32 from vector<1x1x1xi32>
    %add3A_445 = arith.addi %add3A_430, %reduce_sum3A_444 : i32
    %swap3A_446 = arith.constant 30 : index
    %swap3A_447 = memref.load %arg1[%swap3A_446] : memref<48xi32, #tpu.memory_space<smem>>
    memref.store %add3A_445, %arg1[%swap3A_446] : memref<48xi32, #tpu.memory_space<smem>>
    %get3A_448 = arith.constant 3840 : index
    %get3A_449 = arith.constant 0 : index
    %get3A_450 = vector.load %arg0[%get3A_448, %get3A_449] : memref<4096x200xf32, #tpu.memory_space<vmem>>, vector<128x200xf32>
    %ne3A_451 = arith.constant -1.000000e+00 : f32
    %ne3A_452 = vector.broadcast %ne3A_451 : f32 to vector<128x200xf32>
    %ne3A_453 = arith.cmpf one, %get3A_450, %ne3A_452 : vector<128x200xf32>
    %convert_element_type3A_454 = arith.extui %ne3A_453 : vector<128x200xi1> to vector<128x200xi32>
    %reduce_sum3A_455 = vector.shape_cast %convert_element_type3A_454 : vector<128x200xi32> to vector<1x128x200xi32>
    %reduce_sum3A_456 = arith.constant dense<0> : vector<1xi32>
    %reduce_sum3A_457 = vector.multi_reduction <add>, %reduce_sum3A_455, %reduce_sum3A_456 [1, 2] : vector<1x128x200xi32> to vector<1xi32>
    %reduce_sum3A_458 = vector.shape_cast %reduce_sum3A_457 : vector<1xi32> to vector<1x1x1xi32>
    %reduce_sum3A_459 = vector.extract %reduce_sum3A_458[0, 0, 0] : i32 from vector<1x1x1xi32>
    %add3A_460 = arith.addi %add3A_445, %reduce_sum3A_459 : i32
    %swap3A_461 = arith.constant 31 : index
    %swap3A_462 = memref.load %arg1[%swap3A_461] : memref<48xi32, #tpu.memory_space<smem>>
    memref.store %add3A_460, %arg1[%swap3A_461] : memref<48xi32, #tpu.memory_space<smem>>
    %get3A_463 = arith.constant 3968 : index
    %get3A_464 = arith.constant 0 : index
    %get3A_465 = vector.load %arg0[%get3A_463, %get3A_464] : memref<4096x200xf32, #tpu.memory_space<vmem>>, vector<128x200xf32>
    %ne3A_466 = arith.constant -1.000000e+00 : f32
    %ne3A_467 = vector.broadcast %ne3A_466 : f32 to vector<128x200xf32>
    %ne3A_468 = arith.cmpf one, %get3A_465, %ne3A_467 : vector<128x200xf32>
    %convert_element_type3A_469 = arith.extui %ne3A_468 : vector<128x200xi1> to vector<128x200xi32>
    %reduce_sum3A_470 = vector.shape_cast %convert_element_type3A_469 : vector<128x200xi32> to vector<1x128x200xi32>
    %reduce_sum3A_471 = arith.constant dense<0> : vector<1xi32>
    %reduce_sum3A_472 = vector.multi_reduction <add>, %reduce_sum3A_470, %reduce_sum3A_471 [1, 2] : vector<1x128x200xi32> to vector<1xi32>
    %reduce_sum3A_473 = vector.shape_cast %reduce_sum3A_472 : vector<1xi32> to vector<1x1x1xi32>
    %reduce_sum3A_474 = vector.extract %reduce_sum3A_473[0, 0, 0] : i32 from vector<1x1x1xi32>
    %add3A_475 = arith.addi %add3A_460, %reduce_sum3A_474 : i32
    %swap3A_476 = arith.constant 32 : index
    %swap3A_477 = memref.load %arg1[%swap3A_476] : memref<48xi32, #tpu.memory_space<smem>>
    memref.store %add3A_475, %arg1[%swap3A_476] : memref<48xi32, #tpu.memory_space<smem>>
    return
  }
}

</mosaic_0001>

<sc_bundles>
// kernel: kernel.4.cloned.1.call-start
scs
__scs_entry_jumppad:
0x0: {  	(pc) =	sbr.rel $0x88, $3  }
0x1: {  	(tag) =	ssettag $0x0;
	lr =	simm.s32 $0x1  }
0x2: {  	[smem:$0x3FA0] =	sst lr;
	_ =	strace $0xD0000000  }
0x3: {  	_ = 	snop  }
0x4: {  	_ = 	snop  }
0x5: {  	_ = 	snop  }
0x6: {  	_ = 	snop  }
0x7: {  	_ = 	snop  }
__scs_overlays_trampoline_lowered:
0x8: {  	[smem:$0x3FAF] =	sst s0  }
0x9: {  	[smem:$0x3FB0] =	sst s1  }
0xa: {  	[smem:$0x3FB1] =	sst s2  }
0xb: {  	[smem:$0x3FB2] =	sst s3  }
0xc: {  	[smem:$0x3FB3] =	sst s4  }
0xd: {  	[smem:$0x3FB4] =	sst s5  }
0xe: {  	[smem:$0x3FB5] =	sst s6  }
0xf: {  	[smem:$0x3FB6] =	sst s7  }
0x10: {  	[smem:$0x3FB7] =	sst s8  }
0x11: {  	[smem:$0x3FB8] =	sst s9;
	s0 =	simm.s32 @!p0 $0x0  }
0x12: {  	s1 =	sld [smem:$0x3F9E];
	s0 =	simm.s32 @p0 $0x1  }
0x13: {  	[smem:$0x3FB9] =	sst s0;
	s0 =	simm.s32 @!p1 $0x0  }
0x14: {  	s2 =	sld [smem:$0x3F9D];
	s0 =	simm.s32 @p1 $0x1  }
0x15: {  	[smem:$0x3FBA] =	sst s0;
	s0 =	simm.s32 @!p2 $0x0  }
0x16: {  	s3 =	sld [smem:$0x3FDB];
	s0 =	simm.s32 @p2 $0x1  }
0x17: {  	s4 =	simm.s32 $0x1BF5;
	[smem:$0x3FBC] =	sst s0  }
0x18: {  	s0 =	sld [smem:$0x3F9F];
	_ =	swait.ge [sflag:s4], $0x0  }
0x19: {  	s7 =	sld [smem:$0x3FA0]  }
0x1a: {  	s8 =	sadd.s32 $0xFFFFE003, lr  }
0x1b: {  	s9 =	sadd.s32 $0xFFFFFEF7, lr;
	s5 =	simm.s32 $0xFFFFFFFF;
	p2 =	slt.u32 s8, $0xFFFFF086  }
0x1c: {  	p1 =	slt.u32 s9, $0xF7A;
	s5 =	simm.s32 @!p2 $0x0  }
0x1d: {  	s5 =	simm.s32 @p1 $0x1;
	p0 =	seq.s32 s7, s2  }
0x1e: {  	s7 =	smul.u32 @!p0 $0xF7A, s2;
	p2 =	seq.s32 @!p0 s5, $0x0  }
0x1f: {  	s9 =	smul.u32 $0xF7A, s1;
	s8 =	simm.s32 @!p0 $0x1BF5;
	p2 =	por !p2, p0  }
0x20: {  	[sflag:s8] =	ssyncset.s32 @!p0 $0xFFFFF086;
	s6 =	sadd.s32 @!p0 s3, s7;
	s7 =	simm.s32 @!p0 $0x108  }
0x21: {  	s3 =	sadd.s32 s3, s9;
	s6 =	sadd.s32 @!p0 $0x88, s6;
	s7 =	simm.s32 @p2 $0x1082  }
0x22: {  	[simem:s7], [sflag:s8] =	dma.local @!p0 [hbm:s6], $0xF7A  }
0x23: {  	s9 =	sor.u32 $0xD0000000, s2;
	s6 =	simm.s32 $0x108;
	_ =	swait.ge @!p0 [sflag:s8], $0x0  }
0x24: {  	s3 =	sadd.s32 $0x88, s3;
	s6 =	simm.s32 @!p1 $0x1082;
	[sflag:s4] =	ssyncset.s32 $0xFFFFF086  }
0x25: {  	[simem:s6], [sflag:s4] =	dma.local [hbm:s3], $0xF7A  }
0x26: {  	[smem:$0x3FA0] =	sst s1;
	(tag) =	ssettag s2;
	_ =	strace s9  }
0x27: {  	s1 =	sld [smem:$0x3FB0]  }
0x28: {  	s2 =	sld [smem:$0x3FB1]  }
0x29: {  	s4 =	sld [smem:$0x3FB3]  }
0x2a: {  	p0 =	seq.s32 s5, $0x0;
	s5 =	sld [smem:$0x3FB4]  }
0x2b: {  	s6 =	sld [smem:$0x3FB5]  }
0x2c: {  	s7 =	sld [smem:$0x3FB6]  }
0x2d: {  	s3 =	simm.s32 $0x108;
	s8 =	sld [smem:$0x3FB7]  }
0x2e: {  	s3 =	simm.s32 @!p0 $0x1082;
	s9 =	sld [smem:$0x3FB8]  }
0x2f: {  	lr =	sadd.s32 s0, s3;
	s0 =	sld [smem:$0x3FAF]  }
0x30: {  	s3 =	sld [smem:$0x3FB2]  }
0x31: {  	[smem:$0x3FBB] =	sst s10  }
0x32: {  	s10 =	sld [smem:$0x3FB9];
	_ =	sdelay $0x3  }
0x33: {  	p0 =	seq.s32 s10, $0x1;
	s10 =	sld [smem:$0x3FBB];
	_ =	sdelay $0x3  }
0x34: {  	[smem:$0x3FBB] =	sst s10  }
0x35: {  	s10 =	sld [smem:$0x3FBA];
	_ =	sdelay $0x3  }
0x36: {  	p1 =	seq.s32 s10, $0x1;
	s10 =	sld [smem:$0x3FBB];
	_ =	sdelay $0x3  }
0x37: {  	[smem:$0x3FBB] =	sst s10  }
0x38: {  	s10 =	sld [smem:$0x3FBC]  }
0x39: {  	_ = 	snop;
	(pc) =	sbr.ind lr, $3  }
0x3a: {  	_ = 	snop  }
0x3b: {  	_ = 	snop  }
0x3c: {  	p2 =	seq.s32 s10, $0x1;
	s10 =	sld [smem:$0x3FBB]  }
0x3d: {  	_ =	shalt  }
0x3e: {  	_ =	shalt  }
0x3f: {  	_ =	shalt  }
0x40: {  	_ =	shalt  }
0x41: {  	_ =	shalt  }
0x42: {  	_ =	shalt  }
0x43: {  	_ =	shalt  }
0x44: {  	_ =	shalt  }
0x45: {  	_ =	shalt  }
0x46: {  	_ =	shalt  }
0x47: {  	_ =	shalt  }
0x48: {  	_ =	shalt  }
0x49: {  	_ =	shalt  }
0x4a: {  	_ =	shalt  }
0x4b: {  	_ =	shalt  }
0x4c: {  	_ =	shalt  }
0x4d: {  	_ =	shalt  }
0x4e: {  	_ =	shalt  }
0x4f: {  	_ =	shalt  }
0x50: {  	_ =	shalt  }
0x51: {  	_ =	shalt  }
0x52: {  	_ =	shalt  }
0x53: {  	_ =	shalt  }
0x54: {  	_ =	shalt  }
0x55: {  	_ =	shalt  }
0x56: {  	_ =	shalt  }
0x57: {  	_ =	shalt  }
0x58: {  	_ =	shalt  }
0x59: {  	_ =	shalt  }
0x5a: {  	_ =	shalt  }
0x5b: {  	_ =	shalt  }
0x5c: {  	_ =	shalt  }
0x5d: {  	_ =	shalt  }
0x5e: {  	_ =	shalt  }
0x5f: {  	_ =	shalt  }
0x60: {  	_ =	shalt  }
0x61: {  	_ =	shalt  }
0x62: {  	_ =	shalt  }
0x63: {  	_ =	shalt  }
0x64: {  	_ =	shalt  }
0x65: {  	_ =	shalt  }
0x66: {  	_ =	shalt  }
0x67: {  	_ =	shalt  }
0x68: {  	_ =	shalt  }
0x69: {  	_ =	shalt  }
0x6a: {  	_ =	shalt  }
0x6b: {  	_ =	shalt  }
0x6c: {  	_ =	shalt  }
0x6d: {  	_ =	shalt  }
0x6e: {  	_ =	shalt  }
0x6f: {  	_ =	shalt  }
0x70: {  	_ =	shalt  }
0x71: {  	_ =	shalt  }
0x72: {  	_ =	shalt  }
0x73: {  	_ =	shalt  }
0x74: {  	_ =	shalt  }
0x75: {  	_ =	shalt  }
0x76: {  	_ =	shalt  }
0x77: {  	_ =	shalt  }
0x78: {  	_ =	shalt  }
0x79: {  	_ =	shalt  }
0x7a: {  	_ =	shalt  }
0x7b: {  	_ =	shalt  }
0x7c: {  	_ =	shalt  }
0x7d: {  	_ =	shalt  }
0x7e: {  	_ =	shalt  }
0x7f: {  	_ =	shalt  }
0x80: {  	_ =	shalt  }
0x81: {  	_ =	shalt  }
0x82: {  	_ =	shalt  }
0x83: {  	_ =	shalt  }
0x84: {  	_ =	shalt  }
0x85: {  	_ =	shalt  }
0x86: {  	_ =	shalt  }
0x87: {  	_ =	shalt  }
.Lfunc_end0:
.L_simem_size_0:
called_computation_lowered:
.L_overlay_start_0:
0x88: {  	s2 =	sld [smem:$0x3FD9]  }
0x89: {  	s3 =	sld [smem:$0x3FFE];
	_ =	sdelay $0x1  }
0x8a: {  	s1 =	srdreg.scid  }
0x8b: {  	s0 =	sand.u32 $0x1, s1  }
0x8c: {  	s14 =	sshll.u32 s0, $0xA;
	s2 =	sadd.s32 s3, s2  }
0x8d: {  	s2 =	sadd.s32 s2, s14  }
0x8e: {  	[smem:$0x3FC7] =	sst s2  }
0x8f: {  	_ = 	snop  }
0x90: {  	s2 =	sld [smem:$0x3FD0];
	_ =	sdelay $0x2  }
0x91: {  	s15 =	simm.s32 $0xA;
	s4 =	simm.s32 $0x10  }
0x92: {  	[smem:s4], [sflag:s15] =	dma.local [hbm:s2], $0x1  }
0x93: {  	_ =	swait.eq [sflag:s15], $0x1  }
0x94: {  	s16 =	sld [smem:$0x10];
	[sflag:s15] =	ssyncset.done $0x0  }
0x95: {  	s17 =	sld [smem:$0x11];
	[sflag:s15] =	ssyncadd.s32 $0xFFFFFFFF  }
0x96: {  	s18 =	sld [smem:$0x12];
	(tm) =	ssettm $0x1  }
0x97: {  	s5 =	sld [smem:$0x3FFB];
	_ =	sdelay $0x3  }
0x98: {  	_ =	strace s5  }
0x99: {  	s5 =	sld [smem:$0x3FFC];
	_ =	sdelay $0x3  }
0x9a: {  	_ =	strace s5  }
0x9b: {  	s5 =	sld [smem:$0x3FFD];
	_ =	sdelay $0x3  }
0x9c: {  	_ =	strace s5  }
0x9d: {  	_ =	strace $0x8FFFFFFF  }
0x9e: {  	s19 =	sld [smem:$0x3FDB];
	_ =	sdelay $0x1  }
0x9f: {  	s6 =	simm.s32 $_scs_section_size  }
0xa0: {  	s7 =	simm.s32 $_size__tile_overlayer_lowered;
	s8 =	simm.s32 $_tile_overlayer_lowered  }
0xa1: {  	s22 =	simm.s32 $0x1BFF;
	s21 =	sshll.u32 s8, $0x1;
	s5 =	sadd.s32 s6, s19  }
0xa2: {  	s9 =	simm.s32 $0x0;
	s20 =	sshll.u32 s7, $0x1;
	s7 =	sadd.s32 s21, s5  }
0xa3: {  	[timem:s9], [sflag:s22] =	dma.local [hbm:s7], s20  }
0xa4: {  	_ =	swait.ge [sflag:s22], s20  }
0xa5: {  	s6 =	ssub.s32 $0x0, s20;
	[sflag:s22] =	ssyncset.done $0x0  }
0xa6: {  	[sflag:s22] =	ssyncadd.s32 s6;
	_ =	sdelay $0x1  }
0xa7: {  	s23 =	simm.s32 $0x1B8B  }
0xa8: {  	_ =	swait.ge [sflag:s23], $0x1  }
0xa9: {  	[sflag:s23] =	ssyncset.done $0x0  }
0xaa: {  	s25 =	simm.s32 $0x1B8E;
	s24 =	sld [smem:$0x3FFE];
	[sflag:s23] =	ssyncadd.s32 $0xFFFFFFFF  }
0xab: {  	s26 =	simm.s32 $execute0_lowered;
	[smem:$0x3FD2] =	sst s25  }
0xac: {  	s7 =	sshll.u32 s26, $0x1;
	_ =	strace $0x80000046;
	[dreg:$0x1] =	wrdreg $0xFFFFFFFF  }
0xad: {  	s28 =	simm.s32 $_size_execute0_lowered;
	s5 =	sadd.s32 s5, s7;
	[dreg:$0x0] =	wrdreg $0x0  }
0xae: {  	s7 =	sshll.u32 s28, $0x1;
	[dreg:$0x2] =	wrdreg s5  }
0xaf: {  	[dreg:$0x3] =	wrdreg s7  }
0xb0: {  	[dreg:$0x4] =	wrdreg $0xC0  }
0xb1: {  	_ =	task [dreg:s9], $0x5FFFF  }
0xb2: {  	[dreg:$0x1] =	wrdreg $0xFFFFFFFF  }
0xb3: {  	[dreg:$0x0] =	wrdreg $0x60  }
0xb4: {  	[dreg:$0x2] =	wrdreg s16  }
0xb5: {  	[dreg:$0x3] =	wrdreg s18  }
0xb6: {  	[dreg:$0x4] =	wrdreg s17  }
0xb7: {  	[dreg:$0x5] =	wrdreg s24  }
0xb8: {  	[dreg:$0x6] =	wrdreg $0x9  }
0xb9: {  	_ =	task.clear_ibuf [dreg:s9], $0x7FFFF;
	_ =	strace $0x90000046  }
0xba: {  	s29 =	simm.s32 $0x9;
	_ =	strace $0x80000048  }
0xbb: {  	_ =	swait.ge [sflag:s29], $0x1  }
0xbc: {  	[sflag:s29] =	ssyncadd.s32 $0xFFFFFFFF  }
0xbd: {  	_ =	strace $0x90000048  }
0xbe: {  	_ =	sfence  }
0xbf: {  	s30 =	sld [smem:$0x0];
	_ =	sdelay $0x2  }
0xc0: {  	s31 =	sshll.u32 s1, $0xD;
	s1 =	sshrl.u32 s1, $0x2  }
0xc1: {  	s3 =	sand.u32 $0x4000, s31;
	s1 =	sadd.s32 s1, s30  }
0xc2: {  	s0 =	sor.u32 s3, s0;
	s1 =	sshll.u32 s1, $0x11  }
0xc3: {  	s0 =	sor.u32 s1, s0  }
0xc4: {  	s0 =	sadd.s32 $0x8F2B, s0  }
0xc5: {  	[sflag:s0] =	ssyncadd.remote.s32 $0x1  }
0xc6: {  	_ =	sfence.sel $0xFFFF  }
0xc7: {  	[dreg:$0x0] =	wrdreg $0xFFFFFFFF;
	(pc) =	sbr.abs _section_cstart, $3  }
0xc8: {  	[dreg:$0x1] =	wrdreg $0xFFFFFFFF  }
0xc9: {  	_ =	task.clear_ibuf [dreg:s9], $0x2FFFF;
	_ =	strace $0x9FFFFFFF  }
0xca: {  	(tm) =	ssettm $0x7FFFFFFF  }
0xcb: {  	_ =	shalt  }
tec
execute0_lowered:
.L_overlay_start_1:
0x0: {  	(tag) =	ssettag $0x1  }
0x1: {  	v0 =	vimm.s32 $0xEDCBA987;
	v1 =	vimm.s32 $0x65432100;
	v3 =	vimm.s32 $0xDCBA9876  }
0x2: {  	s0 =	srdreg.scid;
	v4 =	vimm.s32 $0x54321000;
	v5 =	vimm.s32 $0xBA987654;
	v6 =	vimm.s32 $0xE40000  }
0x3: {  	s1 =	stileid.u32;
	s13 =	rddreg [dreg:$0x1];
	v7 =	vimm.s32 $0x32100000;
	vm0 =	vmmov $0x3;
	vm2 =	vcmask $0x3F30  }
0x4: {  	s4 =	rddreg [dreg:$0x3];
	s5 =	simm.s32 $0x0;
	s22 =	simm.s32 $0x19180;
	vm1 =	vmmov $0xf;
	v0 =	vunpack.c.l.s4.s8 v0;
	v1 =	vunpack.c.l.s4.s8 v1  }
0x5: {  	s14 =	simm.s32 $0x2;
	s0 =	sand.u32 $0x1, s0;
	s1 =	sshll.u32 s1, $0x1;
	v3 =	vunpack.c.l.s4.s8 v3;
	v4 =	vunpack.c.l.s4.s8 v4;
	v6 =	vunpack.c.l.s2.s4 v6  }
0x6: {  	s15 =	simm.s32 $0x1;
	s16 =	simm.s32 $0xC880;
	v5 =	vunpack.c.l.s4.s8 v5;
	v7 =	vunpack.c.l.s4.s8 v7;
	s2 =	sor.u32 s0, s1;
	v2 =	vunpack.c.0.s8.s32 v0  }
0x7: {  	s17 =	simm.s32 $0x12D00;
	s18 =	simm.s32 $0x6400;
	s3 =	sshll.u32 s2, $0x7;
	v1 =	vunpack.c.0.s8.s32 v1;
	v3 =	vunpack.c.0.s8.s32 v3;
	v6 =	vunpack.c.l.s4.s8 v6  }
0x8: {  	s19 =	simm.s32 $0x0;
	[smem:$0x7FF] =	sst s5;
	s6 =	sadd.s32 $0xC00, s4;
	v4 =	vunpack.c.0.s8.s32 v4;
	v5 =	vunpack.c.0.s8.s32 v5;
	v0 =	vmov s3  }
.Ltmp0:
0x9: {  	s7 =	sadd.s32 $0x19C00, s4;
	s0 =	ssub.s32 $0x2, s0;
	v2 =	vand.u32 $0xF, v2;
	v3 =	vand.u32 $0xF, v3;
	v6 =	vunpack.c.0.s8.s32 v6;
	(pc) =	sbr.rel .LBB2_1-.Ltmp0, $4  }
0xa: {  	s1 =	rddreg [dreg:$0x0];
	s11 =	smul.u32 $0xC80, s2;
	s8 =	sshrl.u32 s0, $0x1;
	v3 =	vcombine.low v4, v3;
	v4 =	vunpack.c.0.s8.s32 v7;
	v7 =	vimm.s32 $0x7060504  }
0xb: {  	p0 =	sne.s32 s2, $0x0;
	s3 =	rddreg [dreg:$0x2];
	_ =	strace $0x80000047;
	v5 =	vand.u32 $0xF, v5;
	v1 =	vcombine.low v1, v2;
	v7 =	vunpack.c.0.s8.s32 v7  }
0xc: {  	s0 =	ssub.s32 s0, s8;
	s8 =	sadd.s32 s1, s11;
	s9 =	sadd.s32 s3, s11;
	v2 =	vimm.s32 $0x0;
	v6 =	vand.u32 $0x3, v6;
	v4 =	vcombine.low v4, v5  }
0xd: {  	s10 =	sadd.s32 s6, s11;
	s11 =	sadd.s32 s7, s11;
	s12 =	smax.u32 s0, $0x1;
	v5 =	vlaneseq.u32;
	v6 =	vsel vm2, v7, v6;
	vm2 =	vmmov $0xff  }
.LBB2_5:
.Ltmp1:
0xe: {  	(pc) =	sbr.rel @!p0 .LBB2_6-.Ltmp1, $1  }
0xf: {  	_ =	sdelay $0x3  }
.LBB2_41:
0x10: {  	s19 =	sadd.s32 $0x1, s19  }
0x11: {  	p1 =	sne.s32 s19, s12  }
.Ltmp2:
0x12: {  	_ = 	snop;
	(pc) =	sbr.rel @!p1 .LBB2_42-.Ltmp2, $1  }
0x13: {  	_ =	sdelay $0x3  }
.LBB2_1:
0x14: {  	[tilespmem:s22], [sflag:$0x2] =	stream.linear.gather [hbm4b:s13+s5], $0x80, $0x38;
	[tilespmem:$0x19200] =	vst v63  }
0x15: {  	_ =	swait.ge [sflag:s14], $0x80  }
0x16: {  	[sflag:s14] =	ssyncset.done $0x0  }
0x17: {  	[sflag:s14] =	ssyncadd.s32 $0xFFFFFF80  }
0x18: {  	v7 =	vld [tilespmem:$0x191A0];
	_ =	sdelay $0x4  }
0x19: {  	(v2sf) =	vpush v7, $0x0;
	_ =	sdelay $0xe  }
0x1a: {  	s20 =	spop (v2sf)  }
0x1b: {  	p1 =	sne.s32 s20, $0xC8000  }
.Ltmp3:
0x1c: {  	_ = 	snop;
	(pc) =	sbr.rel @p1 .LBB2_5-.Ltmp3, $1  }
0x1d: {  	_ =	sdelay $0x3  }
0x1e: {  	s0 =	simm.s32 $0x0;
	v7 =	vlaneseq.u32;
	s31 =	simm.s32 $0x0  }
0x1f: {  	[tilespmem:s0], [sflag:$0x1] =	stream.linear.gather [hbm4b:s8+s0], $0x6400, $0x38;
	[tilespmem:$0x19200] =	vst v63  }
0x20: {  	v8 =	vadd.s32 $0x10, v7;
	[tilespmem:s31+$0x12D00] =	vst v7  }
0x21: {  	s0 =	simm.s32 $0x40;
	v9 =	vadd.s32 $0xFFFFFF48, v7;
	[tilespmem:s31+$0xC880] =	vst v0;
	vm3 =	vgt.s32 v8, $0xC7;
	v7 =	vmov v0  }
.LBB2_3:
0x22: {  	s2 =	sshra.s32 s0, $0x2;
	v10 =	vsel vm3, $0x1, v2;
	v9 =	vsel vm3, v9, v8;
	p1 =	sne.s32 s0, $0x18FC0  }
.Ltmp4:
0x23: {  	[tilespmem:s2+$0x12D00] =	vst v9;
	v7 =	vadd.s32 v10, v7;
	(pc) =	sbr.rel @p1 .LBB2_3-.Ltmp4, $4  }
0x24: {  	[tilespmem:s2+$0xC880] =	vst v7  }
0x25: {  	s0 =	sadd.s32 $0x40, s0  }
0x26: {  	v8 =	vadd.s32 $0x10, v9  }
0x27: {  	v9 =	vadd.s32 $0xFFFFFF48, v9;
	vm3 =	vgt.s32 v8, $0xC7  }
0x28: {  	_ =	swait.ge [sflag:s15], $0x6400  }
0x29: {  	[sflag:s15] =	ssyncset.done $0x0  }
0x2a: {  	[sflag:s15] =	ssyncadd.s32 $0xFFFF9C00  }
0x2b: {  	[hbm4b:s9+s5] =	stream.linear.scatter [tilespmem:s5], [sflag:$0x1], $0x6400, $0x38;
	[tilespmem:$0x19200] =	vst v63  }
0x2c: {  	_ = 	snop  }
0x2d: {  	[hbm4b:s10+s5] =	stream.linear.scatter [tilespmem:s16], [sflag:$0x1], $0x6400, $0x38;
	[tilespmem:$0x19200] =	vst v63  }
0x2e: {  	_ = 	snop  }
0x2f: {  	[hbm4b:s11+s5] =	stream.linear.scatter [tilespmem:s17], [sflag:$0x1], $0x6400, $0x38;
	[tilespmem:$0x19200] =	vst v63  }
0x30: {  	_ =	swait.ge [sflag:s15], $0x6400  }
0x31: {  	[sflag:s15] =	ssyncset.done $0x0  }
0x32: {  	[sflag:s15] =	ssyncadd.s32 $0xFFFF9C00  }
0x33: {  	_ =	swait.ge [sflag:s15], $0x6400  }
.Ltmp5:
0x34: {  	[sflag:s15] =	ssyncset.done $0x0;
	(pc) =	sbr.rel .LBB2_41-.Ltmp5, $4  }
0x35: {  	[sflag:s15] =	ssyncadd.s32 $0xFFFF9C00  }
0x36: {  	_ =	swait.ge [sflag:s15], $0x6400  }
0x37: {  	[sflag:s15] =	ssyncset.done $0x0  }
0x38: {  	[sflag:s15] =	ssyncadd.s32 $0xFFFF9C00  }
.LBB2_6:
0x39: {  	s21 =	simm.s32 $0x0  }
0x3a: {  	[tilespmem:s21], [sflag:$0x2] =	stream.linear.gather [hbm4b:s1+s21], $0x10, $0x38;
	[tilespmem:$0x19200] =	vst v63  }
.Ltmp6:
0x3b: {  	_ = 	snop;
	(pc) =	sbr.rel .LBB2_7-.Ltmp6, $4  }
0x3c: {  	_ =	swait.ge [sflag:s14], $0x10  }
0x3d: {  	[sflag:s14] =	ssyncset.done $0x0  }
0x3e: {  	[sflag:s14] =	ssyncadd.s32 $0xFFFFFFF0  }
0x3f: {  	s23 =	simm.s32 $0x0;
	s29 =	simm.s32 $0x0;
	s22 =	simm.s32 $0x0;
	v7 =	vld [tilespmem:$0x0]  }
.LBB2_18:
0x40: {  	s23 =	smov.u32 s4  }
.LBB2_22:
0x41: {  	s0 =	sadd.s32 s3, s31;
	[sflag:s14] =	ssyncadd.s32 @p1 $0xFFFFFFF8  }
0x42: {  	[hbm4b:s0+s5] =	stream.linear.scatter [tilespmem:s30], [sflag:$0x2], $0x8, $0x38;
	[tilespmem:$0x19200] =	vst v63  }
0x43: {  	_ =	swait.ge [sflag:s14], $0x8  }
0x44: {  	[sflag:s14] =	ssyncset.done $0x0  }
0x45: {  	s30 =	sadd.s32 s6, s31;
	[sflag:s14] =	ssyncadd.s32 $0xFFFFFFF8  }
0x46: {  	[hbm4b:s30+s5] =	stream.linear.scatter [tilespmem:s29], [sflag:$0x2], $0x8, $0x38;
	[tilespmem:$0x19200] =	vst v63  }
0x47: {  	_ =	swait.ge [sflag:s14], $0x8  }
0x48: {  	s0 =	sadd.s32 @p1 $0x8, s23;
	[sflag:s14] =	ssyncset.done $0x0  }
0x49: {  	s2 =	sadd.s32 s7, s31;
	s4 =	smov.u32 @p1 s0;
	[sflag:s14] =	ssyncadd.s32 $0xFFFFFFF8  }
0x4a: {  	[hbm4b:s2+s5] =	stream.linear.scatter [tilespmem:s4], [sflag:$0x2], $0x8, $0x38;
	[tilespmem:$0x19200] =	vst v63  }
0x4b: {  	_ =	swait.ge [sflag:s14], $0x8  }
0x4c: {  	[sflag:s14] =	ssyncset.done $0x0  }
0x4d: {  	[sflag:s14] =	ssyncadd.s32 $0xFFFFFFF8  }
.LBB2_23:
0x4e: {  	s0 =	sand.u32 $0xFFFFFFF8, s28  }
0x4f: {  	v8 =	vld [tilespmem:s0+$0x6400]  }
0x50: {  	s22 =	sadd.s32 $0x1, s22;
	v9 =	vld [tilespmem:s0+$0xC880]  }
0x51: {  	v10 =	vld [tilespmem:s0+$0x12D00];
	p1 =	sne.s32 s22, $0x20  }
.Ltmp7:
0x52: {  	_ = 	snop;
	(pc) =	sbr.rel @!p1 .LBB2_24-.Ltmp7, $4  }
0x53: {  	_ = 	snop  }
0x54: {  	[tilespmem:$0x6400] =	vst v8  }
0x55: {  	[tilespmem:$0xC880] =	vst v9  }
0x56: {  	s29 =	sand.u32 $0x7, s28;
	s23 =	sadd.s32 s24, s0;
	[tilespmem:$0x12D00] =	vst v10  }
.LBB2_7:
0x57: {  	s0 =	smul.u32 $0xC80, s22;
	_ =	sdelay $0x1  }
0x58: {  	s0 =	sadd.s32 s1, s0  }
0x59: {  	[tilespmem:s21], [sflag:$0x2] =	stream.linear.gather [hbm4b:s0+s21], $0x6400, $0x38;
	[tilespmem:$0x19200] =	vst v63  }
0x5a: {  	_ =	swait.ge [sflag:s14], $0x6400  }
0x5b: {  	[sflag:s14] =	ssyncset.done $0x0  }
0x5c: {  	s28 =	simm.s32 $0x0;
	[sflag:s14] =	ssyncadd.s32 $0xFFFF9C00  }
0x5d: {  	v9 =	vld [tilespmem:s28+$0x0];
	_ =	sdelay $0x4  }
0x5e: {  	vm3 =	vlt.f32 v9, $-1.000000000e+00;
	vm4 =	vgt.f32 v9, $-1.000000000e+00  }
0x5f: {  	vm4 =	vmor vm4, vm3  }
0x60: {  	v8 =	vsel vm4, $0x1, v2  }
0x61: {  	v10 =	vperm.xlane v8, v1  }
0x62: {  	vm3 =	veq.s32 v5, $0x0  }
0x63: {  	v10 =	vsel vm3, $0x0, v10  }
0x64: {  	v10 =	vadd.s32 v8, v10  }
0x65: {  	v11 =	vperm.xlane v10, v3;
	_ =	sdelay $0x1  }
0x66: {  	v11 =	vsel vm0, $0x0, v11  }
0x67: {  	v10 =	vadd.s32 v11, v10  }
0x68: {  	v11 =	vperm.xlane v10, v4;
	_ =	sdelay $0x1  }
0x69: {  	v11 =	vsel vm1, $0x0, v11  }
0x6a: {  	v10 =	vadd.s32 v11, v10  }
0x6b: {  	v11 =	vperm.xlane v10, v6;
	_ =	sdelay $0x1  }
0x6c: {  	v11 =	vsel vm2, $0x0, v11  }
0x6d: {  	v10 =	vadd.s32 v11, v10  }
0x6e: {  	v8 =	vsub.s32 v10, v8;
	(v2sf) =	vpush v10, $0xF  }
0x6f: {  	v10 =	vadd.s32 s29, v8;
	_ =	sdelay $0x3  }
0x70: {  	s30 =	sshll.u32 s22, $0x7  }
0x71: {  	v8 =	vmov s30;
	[tilespmem:v10+s18+$0x0] =	vst.idx.msk vm4, v9  }
0x72: {  	v11 =	vlaneseq.u32;
	[tilespmem:v10+s16+$0x0] =	vst.idx.msk vm4, v8  }
0x73: {  	s31 =	simm.s32 $0x10;
	[tilespmem:v10+s17+$0x0] =	vst.idx.msk vm4, v11  }
0x74: {  	v9 =	vld [tilespmem:s31+$0x0];
	_ =	sdelay $0x3  }
0x75: {  	v12 =	vadd.s32 $0xFFFFFF48, v11;
	v10 =	vadd.s32 $0x10, v11  }
0x76: {  	vm6 =	vgt.s32 v10, $0xC7;
	vm4 =	vlt.f32 v9, $-1.000000000e+00;
	vm5 =	vgt.f32 v9, $-1.000000000e+00  }
0x77: {  	s24 =	smov.u32 s23;
	s23 =	simm.s32 $0x80;
	v11 =	vsel vm6, $0x1, v2;
	v10 =	vsel vm6, v12, v10;
	vm4 =	vmor vm5, vm4;
	s0 =	spop (v2sf)  }
.LBB2_8:
0x78: {  	p1 =	sne.s32 s23, $0x18FC0  }
0x79: {  	v12 =	vsel vm4, $0x1, v2;
	s29 =	sadd.s32 s29, s0;
	v8 =	vadd.s32 v11, v8;
	s0 =	smov.u32 s23;
	s23 =	sadd.s32 $0x40, s23  }
0x7a: {  	v11 =	vperm.xlane v12, v1;
	_ =	sdelay $0x1  }
0x7b: {  	v11 =	vsel vm3, $0x0, v11  }
0x7c: {  	v11 =	vadd.s32 v12, v11  }
0x7d: {  	v13 =	vperm.xlane v11, v3;
	_ =	sdelay $0x1  }
0x7e: {  	v13 =	vsel vm0, $0x0, v13  }
0x7f: {  	v11 =	vadd.s32 v13, v11  }
0x80: {  	v13 =	vperm.xlane v11, v4;
	_ =	sdelay $0x1  }
0x81: {  	v13 =	vsel vm1, $0x0, v13  }
0x82: {  	v11 =	vadd.s32 v13, v11  }
0x83: {  	v13 =	vperm.xlane v11, v6;
	_ =	sdelay $0x1  }
0x84: {  	v13 =	vsel vm2, $0x0, v13  }
0x85: {  	v11 =	vadd.s32 v13, v11  }
0x86: {  	v12 =	vsub.s32 v11, v12;
	(v2sf) =	vpush v11, $0xF  }
0x87: {  	v11 =	vadd.s32 s29, v12;
	_ =	sdelay $0x4  }
0x88: {  	[tilespmem:v11+s18+$0x0] =	vst.idx.msk vm4, v9  }
0x89: {  	[tilespmem:v11+s16+$0x0] =	vst.idx.msk vm4, v8  }
0x8a: {  	s0 =	sshra.s32 s0, $0x2;
	[tilespmem:v11+s17+$0x0] =	vst.idx.msk vm4, v10  }
0x8b: {  	v9 =	vld [tilespmem:s0+$0x0];
	_ =	sdelay $0x1  }
.Ltmp8:
0x8c: {  	(pc) =	sbr.rel @p1 .LBB2_8-.Ltmp8, $4  }
0x8d: {  	_ = 	snop  }
0x8e: {  	v12 =	vadd.s32 $0x10, v10;
	v10 =	vadd.s32 $0xFFFFFF48, v10  }
0x8f: {  	vm6 =	vgt.s32 v12, $0xC7;
	vm4 =	vlt.f32 v9, $-1.000000000e+00;
	vm5 =	vgt.f32 v9, $-1.000000000e+00  }
0x90: {  	v11 =	vsel vm6, $0x1, v2;
	v10 =	vsel vm6, v10, v12;
	vm4 =	vmor vm5, vm4;
	s0 =	spop (v2sf)  }
0x91: {  	v12 =	vsel vm4, $0x1, v2  }
0x92: {  	v13 =	vperm.xlane v12, v1  }
0x93: {  	vm3 =	veq.s32 v5, $0x0  }
0x94: {  	v13 =	vsel vm3, $0x0, v13  }
0x95: {  	v13 =	vadd.s32 v12, v13  }
0x96: {  	v14 =	vperm.xlane v13, v3;
	_ =	sdelay $0x1  }
0x97: {  	v14 =	vsel vm0, $0x0, v14  }
0x98: {  	v13 =	vadd.s32 v14, v13  }
0x99: {  	v14 =	vperm.xlane v13, v4;
	_ =	sdelay $0x1  }
0x9a: {  	v14 =	vsel vm1, $0x0, v14  }
0x9b: {  	v13 =	vadd.s32 v14, v13  }
0x9c: {  	v14 =	vperm.xlane v13, v6;
	_ =	sdelay $0x1  }
0x9d: {  	v14 =	vsel vm2, $0x0, v14  }
0x9e: {  	v13 =	vadd.s32 v14, v13  }
0x9f: {  	(v2sf) =	vpush v13, $0xF;
	_ =	sdelay $0xe  }
0xa0: {  	s25 =	sadd.s32 s29, s0;
	v12 =	vsub.s32 v13, v12;
	s26 =	spop (v2sf)  }
0xa1: {  	v12 =	vadd.s32 s25, v12;
	s28 =	sadd.s32 s25, s26  }
0xa2: {  	s0 =	sshra.s32 s28, $0xA  }
0xa3: {  	p1 =	slt.s32 s0, $0x1  }
.Ltmp9:
0xa4: {  	_ = 	snop;
	(pc) =	sbr.rel @p1 .LBB2_16-.Ltmp9, $4  }
0xa5: {  	_ = 	snop  }
0xa6: {  	v8 =	vadd.s32 v11, v8;
	[tilespmem:v12+s18+$0x0] =	vst.idx.msk vm4, v9  }
0xa7: {  	[tilespmem:v12+s16+$0x0] =	vst.idx.msk vm4, v8  }
0xa8: {  	[tilespmem:v12+s17+$0x0] =	vst.idx.msk vm4, v10  }
0xa9: {  	p2 =	sne.s32 s0, $0x1  }
.Ltmp10:
0xaa: {  	_ = 	snop;
	(pc) =	sbr.rel @!p2 .LBB2_11-.Ltmp10, $3  }
0xab: {  	_ =	sdelay $0x1  }
0xac: {  	s29 =	simm.s32 $0x6400;
	s30 =	simm.s32 $0xC880;
	s23 =	simm.s32 $0x12D00  }
0xad: {  	s0 =	sadd.s32 $0xFFFFFFFF, s0;
	s31 =	sshrl.u32 s24, $0x3;
	p1 =	por $0x0, $0x0  }
0xae: {  	s2 =	sadd.s32 s3, s31  }
0xaf: {  	[hbm4b:s2+s5] =	stream.linear.scatter [tilespmem:s29], [sflag:$0x2], $0x400, $0x38;
	[tilespmem:$0x19200] =	vst v63  }
0xb0: {  	_ =	swait.ge [sflag:s14], $0x400  }
0xb1: {  	[sflag:s14] =	ssyncset.done $0x0  }
0xb2: {  	s4 =	sadd.s32 s6, s31;
	[sflag:s14] =	ssyncadd.s32 $0xFFFFFC00  }
0xb3: {  	[hbm4b:s4+s5] =	stream.linear.scatter [tilespmem:s30], [sflag:$0x2], $0x400, $0x38;
	[tilespmem:$0x19200] =	vst v63  }
0xb4: {  	p2 =	sne.s32 s0, $0x1;
	s13 =	sadd.s32 s7, s31;
	_ =	swait.ge [sflag:s14], $0x400  }
.Ltmp11:
0xb5: {  	p1 =	por $0x1, $0x1;
	[sflag:s14] =	ssyncset.done $0x0;
	(pc) =	sbr.rel @!p2 .LBB2_13-.Ltmp11, $4  }
0xb6: {  	s2 =	simm.s32 $0x6400;
	s4 =	sadd.s32 $0xFFFFFFFF, s0;
	[sflag:s14] =	ssyncadd.s32 $0xFFFFFC00  }
0xb7: {  	[hbm4b:s13+s5] =	stream.linear.scatter [tilespmem:s23], [sflag:$0x2], $0x400, $0x38;
	[tilespmem:$0x19200] =	vst v63  }
0xb8: {  	s0 =	sadd.s32 $0x400, s24;
	s30 =	simm.s32 $0xCC80;
	_ =	swait.ge [sflag:s14], $0x400  }
0xb9: {  	s31 =	sshrl.u32 s0, $0x3;
	s23 =	simm.s32 $0x13100;
	[sflag:s14] =	ssyncset.done $0x0  }
.LBB2_14:
0xba: {  	s13 =	sadd.s32 s3, s31;
	[sflag:s14] =	ssyncadd.s32 $0xFFFFFC00;
	s2 =	sadd.s32 $0x400, s2  }
0xbb: {  	[hbm4b:s13+s5] =	stream.linear.scatter [tilespmem:s2], [sflag:$0x2], $0x400, $0x38;
	[tilespmem:$0x19200] =	vst v63  }
0xbc: {  	p2 =	sne.s32 s4, $0x1;
	s4 =	sadd.s32 $0xFFFFFFFF, s4;
	_ =	swait.ge [sflag:s14], $0x400  }
0xbd: {  	[sflag:s14] =	ssyncset.done $0x0  }
0xbe: {  	s13 =	sadd.s32 s6, s31;
	[sflag:s14] =	ssyncadd.s32 $0xFFFFFC00  }
0xbf: {  	[hbm4b:s13+s5] =	stream.linear.scatter [tilespmem:s30], [sflag:$0x2], $0x400, $0x38;
	[tilespmem:$0x19200] =	vst v63  }
0xc0: {  	_ =	swait.ge [sflag:s14], $0x400  }
.Ltmp12:
0xc1: {  	[sflag:s14] =	ssyncset.done $0x0;
	(pc) =	sbr.rel @p2 .LBB2_14-.Ltmp12, $4  }
0xc2: {  	s13 =	sadd.s32 s7, s31;
	[sflag:s14] =	ssyncadd.s32 $0xFFFFFC00  }
0xc3: {  	[hbm4b:s13+s5] =	stream.linear.scatter [tilespmem:s23], [sflag:$0x2], $0x400, $0x38;
	[tilespmem:$0x19200] =	vst v63  }
0xc4: {  	s0 =	sadd.s32 $0x400, s0;
	s23 =	sadd.s32 $0x400, s23;
	_ =	swait.ge [sflag:s14], $0x400  }
0xc5: {  	s31 =	sshrl.u32 s0, $0x3;
	s30 =	sadd.s32 $0x400, s30;
	[sflag:s14] =	ssyncset.done $0x0  }
.LBB2_15:
0xc6: {  	s0 =	sadd.s32 @p1 $0x400, s2  }
0xc7: {  	s13 =	sadd.s32 s3, s31;
	[sflag:s14] =	ssyncadd.s32 @p1 $0xFFFFFC00;
	s29 =	smov.u32 @p1 s0  }
0xc8: {  	[hbm4b:s13+s5] =	stream.linear.scatter [tilespmem:s29], [sflag:$0x2], $0x400, $0x38;
	[tilespmem:$0x19200] =	vst v63  }
0xc9: {  	_ =	swait.ge [sflag:s14], $0x400  }
0xca: {  	[sflag:s14] =	ssyncset.done $0x0  }
0xcb: {  	s29 =	sadd.s32 s6, s31;
	[sflag:s14] =	ssyncadd.s32 $0xFFFFFC00  }
0xcc: {  	[hbm4b:s29+s5] =	stream.linear.scatter [tilespmem:s30], [sflag:$0x2], $0x400, $0x38;
	[tilespmem:$0x19200] =	vst v63  }
0xcd: {  	_ =	swait.ge [sflag:s14], $0x400  }
0xce: {  	[sflag:s14] =	ssyncset.done $0x0  }
0xcf: {  	s31 =	sadd.s32 s7, s31;
	[sflag:s14] =	ssyncadd.s32 $0xFFFFFC00  }
0xd0: {  	[hbm4b:s31+s5] =	stream.linear.scatter [tilespmem:s23], [sflag:$0x2], $0x400, $0x38;
	[tilespmem:$0x19200] =	vst v63  }
0xd1: {  	_ =	swait.ge [sflag:s14], $0x400  }
0xd2: {  	[sflag:s14] =	ssyncset.done $0x0  }
0xd3: {  	[sflag:s14] =	ssyncadd.s32 $0xFFFFFC00  }
.LBB2_16:
0xd4: {  	s0 =	sshrl.u32 s28, $0x3  }
0xd5: {  	s0 =	sand.u32 $0x7F, s0  }
0xd6: {  	p1 =	seq.s32 s0, $0x0  }
.Ltmp13:
0xd7: {  	_ = 	snop;
	(pc) =	sbr.rel @p1 .LBB2_23-.Ltmp13, $1  }
0xd8: {  	_ =	sdelay $0x3  }
0xd9: {  	s2 =	sadd.s32 s25, s26  }
0xda: {  	p2 =	sne.s32 s0, $0x1;
	s2 =	sshll.u32 s2, $0x2  }
.Ltmp14:
0xdb: {  	s2 =	sshra.s32 s2, $0x2;
	(pc) =	sbr.rel @!p2 .LBB2_18-.Ltmp14, $4  }
0xdc: {  	s2 =	sand.u32 $0xFFFFFC00, s2  }
0xdd: {  	s13 =	sand.u32 $0xFFFFFC00, s28;
	s4 =	sadd.s32 $0x12D00, s2  }
0xde: {  	s29 =	sadd.s32 $0xC880, s2;
	s30 =	sadd.s32 $0x6400, s2;
	s2 =	sadd.s32 s13, s24  }
0xdf: {  	s0 =	sadd.s32 $0xFFFFFFFF, s0;
	p1 =	por $0x0, $0x0;
	s31 =	sshrl.u32 s2, $0x3  }
0xe0: {  	s13 =	sadd.s32 s3, s31  }
0xe1: {  	[hbm4b:s13+s5] =	stream.linear.scatter [tilespmem:s30], [sflag:$0x2], $0x8, $0x38;
	[tilespmem:$0x19200] =	vst v63  }
0xe2: {  	_ =	swait.ge [sflag:s14], $0x8  }
0xe3: {  	[sflag:s14] =	ssyncset.done $0x0  }
0xe4: {  	s23 =	sadd.s32 s6, s31;
	[sflag:s14] =	ssyncadd.s32 $0xFFFFFFF8  }
0xe5: {  	[hbm4b:s23+s5] =	stream.linear.scatter [tilespmem:s29], [sflag:$0x2], $0x8, $0x38;
	[tilespmem:$0x19200] =	vst v63  }
0xe6: {  	p2 =	sne.s32 s0, $0x1;
	s0 =	sadd.s32 $0xFFFFFFFF, s0;
	_ =	swait.ge [sflag:s14], $0x8  }
.Ltmp15:
0xe7: {  	s2 =	sadd.s32 $0x8, s2;
	[sflag:s14] =	ssyncset.done $0x0;
	(pc) =	sbr.rel @!p2 .LBB2_20-.Ltmp15, $4  }
0xe8: {  	p1 =	por $0x1, $0x1;
	s23 =	sadd.s32 s7, s31;
	[sflag:s14] =	ssyncadd.s32 $0xFFFFFFF8  }
0xe9: {  	[hbm4b:s23+s5] =	stream.linear.scatter [tilespmem:s4], [sflag:$0x2], $0x8, $0x38;
	[tilespmem:$0x19200] =	vst v63  }
0xea: {  	s30 =	sadd.s32 $0x8, s30;
	s31 =	sshrl.u32 s2, $0x3;
	_ =	swait.ge [sflag:s14], $0x8  }
0xeb: {  	s29 =	sadd.s32 $0x8, s29;
	s23 =	smov.u32 s4;
	[sflag:s14] =	ssyncset.done $0x0  }
.LBB2_21:
0xec: {  	s13 =	sadd.s32 s3, s31;
	[sflag:s14] =	ssyncadd.s32 $0xFFFFFFF8;
	s23 =	sadd.s32 $0x8, s23  }
0xed: {  	[hbm4b:s13+s5] =	stream.linear.scatter [tilespmem:s30], [sflag:$0x2], $0x8, $0x38;
	[tilespmem:$0x19200] =	vst v63  }
0xee: {  	p2 =	sne.s32 s0, $0x1;
	s0 =	sadd.s32 $0xFFFFFFFF, s0;
	_ =	swait.ge [sflag:s14], $0x8  }
0xef: {  	[sflag:s14] =	ssyncset.done $0x0  }
0xf0: {  	s13 =	sadd.s32 s6, s31;
	[sflag:s14] =	ssyncadd.s32 $0xFFFFFFF8  }
0xf1: {  	[hbm4b:s13+s5] =	stream.linear.scatter [tilespmem:s29], [sflag:$0x2], $0x8, $0x38;
	[tilespmem:$0x19200] =	vst v63  }
0xf2: {  	_ =	swait.ge [sflag:s14], $0x8  }
.Ltmp16:
0xf3: {  	[sflag:s14] =	ssyncset.done $0x0;
	(pc) =	sbr.rel @p2 .LBB2_21-.Ltmp16, $4  }
0xf4: {  	s13 =	sadd.s32 s7, s31;
	[sflag:s14] =	ssyncadd.s32 $0xFFFFFFF8  }
0xf5: {  	[hbm4b:s13+s5] =	stream.linear.scatter [tilespmem:s23], [sflag:$0x2], $0x8, $0x38;
	[tilespmem:$0x19200] =	vst v63  }
0xf6: {  	s2 =	sadd.s32 $0x8, s2;
	s30 =	sadd.s32 $0x8, s30;
	_ =	swait.ge [sflag:s14], $0x8  }
0xf7: {  	s31 =	sshrl.u32 s2, $0x3;
	s29 =	sadd.s32 $0x8, s29;
	[sflag:s14] =	ssyncset.done $0x0  }
.Ltmp17:
0xf8: {  	_ = 	snop;
	(pc) =	sbr.rel .LBB2_22-.Ltmp17, $1  }
0xf9: {  	_ =	sdelay $0x3  }
.LBB2_11:
.Ltmp18:
0xfa: {  	(pc) =	sbr.rel .LBB2_15-.Ltmp18, $2  }
0xfb: {  	_ =	sdelay $0x2  }
0xfc: {  	s2 =	simm.s32 $0x6400  }
.LBB2_13:
.Ltmp19:
0xfd: {  	(pc) =	sbr.rel .LBB2_15-.Ltmp19, $2  }
0xfe: {  	_ =	sdelay $0x2  }
0xff: {  	s2 =	simm.s32 $0x6400  }
.LBB2_20:
.Ltmp20:
0x100: {  	(pc) =	sbr.rel .LBB2_22-.Ltmp20, $2  }
0x101: {  	_ =	sdelay $0x2  }
0x102: {  	s23 =	smov.u32 s4  }
.LBB2_24:
0x103: {  	s0 =	ssub.s32 $0x0, s28  }
0x104: {  	s2 =	ssub.s32 $0xC8000, s20;
	s0 =	sand.u32 $0x7, s0  }
0x105: {  	p1 =	slt.s32 s2, s0  }
0x106: {  	s0 =	smov.u32 @p1 s2  }
0x107: {  	v8 =	vmov s0  }
0x108: {  	s20 =	sadd.s32 s29, s0;
	vm3 =	vgt.s32 v8, v5  }
0x109: {  	v8 =	vadd.s32 s29, v5;
	s0 =	sshrl.u32 s20, $0x3  }
0x10a: {  	s0 =	sand.u32 $0x7F, s0  }
0x10b: {  	p1 =	seq.s32 s0, $0x0  }
.Ltmp21:
0x10c: {  	v7 =	vbroadcast v7, $0x0;
	(pc) =	sbr.rel @p1 .LBB2_31-.Ltmp21, $4  }
0x10d: {  	_ = 	snop  }
0x10e: {  	[tilespmem:v8+s18+$0x0] =	vst.idx.msk vm3, v7  }
0x10f: {  	[tilespmem:v8+s16+$0x0] =	vst.idx.msk vm3, v2  }
0x110: {  	[tilespmem:v8+s17+$0x0] =	vst.idx.msk vm3, v2  }
0x111: {  	s2 =	sshll.u32 s20, $0x2;
	p2 =	sne.s32 s0, $0x1  }
.Ltmp22:
0x112: {  	s2 =	sshra.s32 s2, $0x2;
	(pc) =	sbr.rel @!p2 .LBB2_26-.Ltmp22, $4  }
0x113: {  	s4 =	sand.u32 $0xFFFFFC00, s20;
	s13 =	sadd.s32 s25, s26;
	s2 =	sand.u32 $0xFFFFFC00, s2  }
0x114: {  	s4 =	sadd.s32 s4, s24;
	s13 =	sand.u32 $0xFFFFFFF8, s13;
	s21 =	sadd.s32 $0x12D00, s2  }
0x115: {  	s22 =	sadd.s32 $0xC880, s2;
	s24 =	sadd.s32 $0x6400, s2;
	s2 =	sadd.s32 s13, s4  }
0x116: {  	s0 =	sadd.s32 $0xFFFFFFFF, s0;
	p1 =	por $0x0, $0x0;
	s25 =	sshrl.u32 s2, $0x3  }
0x117: {  	s4 =	sadd.s32 s3, s25  }
0x118: {  	[hbm4b:s4+s5] =	stream.linear.scatter [tilespmem:s24], [sflag:$0x2], $0x8, $0x38;
	[tilespmem:$0x19200] =	vst v63  }
0x119: {  	_ =	swait.ge [sflag:s14], $0x8  }
0x11a: {  	[sflag:s14] =	ssyncset.done $0x0  }
0x11b: {  	s30 =	sadd.s32 s6, s25;
	[sflag:s14] =	ssyncadd.s32 $0xFFFFFFF8  }
0x11c: {  	[hbm4b:s30+s5] =	stream.linear.scatter [tilespmem:s22], [sflag:$0x2], $0x8, $0x38;
	[tilespmem:$0x19200] =	vst v63  }
0x11d: {  	s31 =	sadd.s32 s7, s25;
	p2 =	sne.s32 s0, $0x1;
	_ =	swait.ge [sflag:s14], $0x8  }
.Ltmp23:
0x11e: {  	s0 =	sadd.s32 $0xFFFFFFFF, s0;
	[sflag:s14] =	ssyncset.done $0x0;
	(pc) =	sbr.rel @!p2 .LBB2_28-.Ltmp23, $4  }
0x11f: {  	s2 =	sadd.s32 $0x8, s2;
	p1 =	por $0x1, $0x1;
	[sflag:s14] =	ssyncadd.s32 $0xFFFFFFF8  }
0x120: {  	[hbm4b:s31+s5] =	stream.linear.scatter [tilespmem:s21], [sflag:$0x2], $0x8, $0x38;
	[tilespmem:$0x19200] =	vst v63  }
0x121: {  	s24 =	sadd.s32 $0x8, s24;
	s25 =	sshrl.u32 s2, $0x3;
	_ =	swait.ge [sflag:s14], $0x8  }
0x122: {  	s4 =	smov.u32 s21;
	s22 =	sadd.s32 $0x8, s22;
	[sflag:s14] =	ssyncset.done $0x0  }
.LBB2_29:
0x123: {  	s13 =	sadd.s32 s3, s25;
	[sflag:s14] =	ssyncadd.s32 $0xFFFFFFF8;
	s4 =	sadd.s32 $0x8, s4  }
0x124: {  	[hbm4b:s13+s5] =	stream.linear.scatter [tilespmem:s24], [sflag:$0x2], $0x8, $0x38;
	[tilespmem:$0x19200] =	vst v63  }
0x125: {  	p2 =	sne.s32 s0, $0x1;
	s0 =	sadd.s32 $0xFFFFFFFF, s0;
	_ =	swait.ge [sflag:s14], $0x8  }
0x126: {  	[sflag:s14] =	ssyncset.done $0x0  }
0x127: {  	s13 =	sadd.s32 s6, s25;
	[sflag:s14] =	ssyncadd.s32 $0xFFFFFFF8  }
0x128: {  	[hbm4b:s13+s5] =	stream.linear.scatter [tilespmem:s22], [sflag:$0x2], $0x8, $0x38;
	[tilespmem:$0x19200] =	vst v63  }
0x129: {  	_ =	swait.ge [sflag:s14], $0x8  }
.Ltmp24:
0x12a: {  	[sflag:s14] =	ssyncset.done $0x0;
	(pc) =	sbr.rel @p2 .LBB2_29-.Ltmp24, $4  }
0x12b: {  	s13 =	sadd.s32 s7, s25;
	[sflag:s14] =	ssyncadd.s32 $0xFFFFFFF8  }
0x12c: {  	[hbm4b:s13+s5] =	stream.linear.scatter [tilespmem:s4], [sflag:$0x2], $0x8, $0x38;
	[tilespmem:$0x19200] =	vst v63  }
0x12d: {  	s2 =	sadd.s32 $0x8, s2;
	s24 =	sadd.s32 $0x8, s24;
	_ =	swait.ge [sflag:s14], $0x8  }
0x12e: {  	s25 =	sshrl.u32 s2, $0x3;
	s22 =	sadd.s32 $0x8, s22;
	[sflag:s14] =	ssyncset.done $0x0  }
.LBB2_30:
0x12f: {  	s0 =	sadd.s32 s3, s25;
	[sflag:s14] =	ssyncadd.s32 @p1 $0xFFFFFFF8  }
0x130: {  	[hbm4b:s0+s5] =	stream.linear.scatter [tilespmem:s24], [sflag:$0x2], $0x8, $0x38;
	[tilespmem:$0x19200] =	vst v63  }
0x131: {  	_ =	swait.ge [sflag:s14], $0x8  }
0x132: {  	[sflag:s14] =	ssyncset.done $0x0  }
0x133: {  	s31 =	sadd.s32 s6, s25;
	[sflag:s14] =	ssyncadd.s32 $0xFFFFFFF8  }
0x134: {  	[hbm4b:s31+s5] =	stream.linear.scatter [tilespmem:s22], [sflag:$0x2], $0x8, $0x38;
	[tilespmem:$0x19200] =	vst v63  }
0x135: {  	_ =	swait.ge [sflag:s14], $0x8  }
0x136: {  	s0 =	sadd.s32 @p1 $0x8, s4;
	[sflag:s14] =	ssyncset.done $0x0  }
0x137: {  	s2 =	sadd.s32 s7, s25;
	s21 =	smov.u32 @p1 s0;
	[sflag:s14] =	ssyncadd.s32 $0xFFFFFFF8  }
0x138: {  	[hbm4b:s2+s5] =	stream.linear.scatter [tilespmem:s21], [sflag:$0x2], $0x8, $0x38;
	[tilespmem:$0x19200] =	vst v63  }
0x139: {  	_ =	swait.ge [sflag:s14], $0x8  }
0x13a: {  	[sflag:s14] =	ssyncset.done $0x0  }
0x13b: {  	[sflag:s14] =	ssyncadd.s32 $0xFFFFFFF8  }
.LBB2_31:
0x13c: {  	[tilespmem:$0x6400] =	vst v7  }
0x13d: {  	[tilespmem:$0xC880] =	vst v2  }
0x13e: {  	[tilespmem:$0x12D00] =	vst v2  }
0x13f: {  	[tilespmem:$0x6410] =	vst v7  }
0x140: {  	[tilespmem:$0xC890] =	vst v2  }
0x141: {  	[tilespmem:$0x12D10] =	vst v2  }
0x142: {  	[tilespmem:$0x6420] =	vst v7  }
0x143: {  	[tilespmem:$0xC8A0] =	vst v2  }
0x144: {  	[tilespmem:$0x12D20] =	vst v2  }
0x145: {  	[tilespmem:$0x6430] =	vst v7  }
0x146: {  	[tilespmem:$0xC8B0] =	vst v2  }
0x147: {  	[tilespmem:$0x12D30] =	vst v2  }
0x148: {  	[tilespmem:$0x6440] =	vst v7  }
0x149: {  	[tilespmem:$0xC8C0] =	vst v2  }
0x14a: {  	[tilespmem:$0x12D40] =	vst v2  }
0x14b: {  	[tilespmem:$0x6450] =	vst v7  }
0x14c: {  	[tilespmem:$0xC8D0] =	vst v2  }
0x14d: {  	[tilespmem:$0x12D50] =	vst v2  }
0x14e: {  	[tilespmem:$0x6460] =	vst v7  }
0x14f: {  	[tilespmem:$0xC8E0] =	vst v2  }
0x150: {  	[tilespmem:$0x12D60] =	vst v2  }
0x151: {  	[tilespmem:$0x6470] =	vst v7  }
0x152: {  	[tilespmem:$0xC8F0] =	vst v2  }
0x153: {  	[tilespmem:$0x12D70] =	vst v2  }
0x154: {  	[tilespmem:$0x6480] =	vst v7  }
0x155: {  	[tilespmem:$0xC900] =	vst v2  }
0x156: {  	[tilespmem:$0x12D80] =	vst v2  }
0x157: {  	[tilespmem:$0x6490] =	vst v7  }
0x158: {  	[tilespmem:$0xC910] =	vst v2  }
0x159: {  	[tilespmem:$0x12D90] =	vst v2  }
0x15a: {  	[tilespmem:$0x64A0] =	vst v7  }
0x15b: {  	[tilespmem:$0xC920] =	vst v2  }
0x15c: {  	[tilespmem:$0x12DA0] =	vst v2  }
0x15d: {  	[tilespmem:$0x64B0] =	vst v7  }
0x15e: {  	[tilespmem:$0xC930] =	vst v2  }
0x15f: {  	[tilespmem:$0x12DB0] =	vst v2  }
0x160: {  	[tilespmem:$0x64C0] =	vst v7  }
0x161: {  	[tilespmem:$0xC940] =	vst v2  }
0x162: {  	[tilespmem:$0x12DC0] =	vst v2  }
0x163: {  	[tilespmem:$0x64D0] =	vst v7  }
0x164: {  	[tilespmem:$0xC950] =	vst v2  }
0x165: {  	[tilespmem:$0x12DD0] =	vst v2  }
0x166: {  	[tilespmem:$0x64E0] =	vst v7  }
0x167: {  	[tilespmem:$0xC960] =	vst v2  }
0x168: {  	[tilespmem:$0x12DE0] =	vst v2  }
0x169: {  	[tilespmem:$0x64F0] =	vst v7  }
0x16a: {  	[tilespmem:$0xC970] =	vst v2  }
0x16b: {  	[tilespmem:$0x12DF0] =	vst v2  }
0x16c: {  	[tilespmem:$0x6500] =	vst v7  }
0x16d: {  	[tilespmem:$0xC980] =	vst v2  }
0x16e: {  	[tilespmem:$0x12E00] =	vst v2  }
0x16f: {  	[tilespmem:$0x6510] =	vst v7  }
0x170: {  	[tilespmem:$0xC990] =	vst v2  }
0x171: {  	[tilespmem:$0x12E10] =	vst v2  }
0x172: {  	[tilespmem:$0x6520] =	vst v7  }
0x173: {  	[tilespmem:$0xC9A0] =	vst v2  }
0x174: {  	[tilespmem:$0x12E20] =	vst v2  }
0x175: {  	[tilespmem:$0x6530] =	vst v7  }
0x176: {  	[tilespmem:$0xC9B0] =	vst v2  }
0x177: {  	[tilespmem:$0x12E30] =	vst v2  }
0x178: {  	[tilespmem:$0x6540] =	vst v7  }
0x179: {  	[tilespmem:$0xC9C0] =	vst v2  }
0x17a: {  	[tilespmem:$0x12E40] =	vst v2  }
0x17b: {  	[tilespmem:$0x6550] =	vst v7  }
0x17c: {  	[tilespmem:$0xC9D0] =	vst v2  }
0x17d: {  	[tilespmem:$0x12E50] =	vst v2  }
0x17e: {  	[tilespmem:$0x6560] =	vst v7  }
0x17f: {  	[tilespmem:$0xC9E0] =	vst v2  }
0x180: {  	[tilespmem:$0x12E60] =	vst v2  }
0x181: {  	[tilespmem:$0x6570] =	vst v7  }
0x182: {  	[tilespmem:$0xC9F0] =	vst v2  }
0x183: {  	[tilespmem:$0x12E70] =	vst v2  }
0x184: {  	[tilespmem:$0x6580] =	vst v7  }
0x185: {  	[tilespmem:$0xCA00] =	vst v2  }
0x186: {  	[tilespmem:$0x12E80] =	vst v2  }
0x187: {  	[tilespmem:$0x6590] =	vst v7  }
0x188: {  	[tilespmem:$0xCA10] =	vst v2  }
0x189: {  	[tilespmem:$0x12E90] =	vst v2  }
0x18a: {  	[tilespmem:$0x65A0] =	vst v7  }
0x18b: {  	[tilespmem:$0xCA20] =	vst v2  }
0x18c: {  	[tilespmem:$0x12EA0] =	vst v2  }
0x18d: {  	[tilespmem:$0x65B0] =	vst v7  }
0x18e: {  	[tilespmem:$0xCA30] =	vst v2  }
0x18f: {  	[tilespmem:$0x12EB0] =	vst v2  }
0x190: {  	[tilespmem:$0x65C0] =	vst v7  }
0x191: {  	[tilespmem:$0xCA40] =	vst v2  }
0x192: {  	[tilespmem:$0x12EC0] =	vst v2  }
0x193: {  	[tilespmem:$0x65D0] =	vst v7  }
0x194: {  	[tilespmem:$0xCA50] =	vst v2  }
0x195: {  	[tilespmem:$0x12ED0] =	vst v2  }
0x196: {  	[tilespmem:$0x65E0] =	vst v7  }
0x197: {  	[tilespmem:$0xCA60] =	vst v2  }
0x198: {  	[tilespmem:$0x12EE0] =	vst v2  }
0x199: {  	[tilespmem:$0x65F0] =	vst v7  }
0x19a: {  	[tilespmem:$0xCA70] =	vst v2  }
0x19b: {  	[tilespmem:$0x12EF0] =	vst v2  }
0x19c: {  	[tilespmem:$0x6600] =	vst v7  }
0x19d: {  	[tilespmem:$0xCA80] =	vst v2  }
0x19e: {  	[tilespmem:$0x12F00] =	vst v2  }
0x19f: {  	[tilespmem:$0x6610] =	vst v7  }
0x1a0: {  	[tilespmem:$0xCA90] =	vst v2  }
0x1a1: {  	[tilespmem:$0x12F10] =	vst v2  }
0x1a2: {  	[tilespmem:$0x6620] =	vst v7  }
0x1a3: {  	[tilespmem:$0xCAA0] =	vst v2  }
0x1a4: {  	[tilespmem:$0x12F20] =	vst v2  }
0x1a5: {  	[tilespmem:$0x6630] =	vst v7  }
0x1a6: {  	[tilespmem:$0xCAB0] =	vst v2  }
0x1a7: {  	[tilespmem:$0x12F30] =	vst v2  }
0x1a8: {  	[tilespmem:$0x6640] =	vst v7  }
0x1a9: {  	[tilespmem:$0xCAC0] =	vst v2  }
0x1aa: {  	[tilespmem:$0x12F40] =	vst v2  }
0x1ab: {  	[tilespmem:$0x6650] =	vst v7  }
0x1ac: {  	[tilespmem:$0xCAD0] =	vst v2  }
0x1ad: {  	[tilespmem:$0x12F50] =	vst v2  }
0x1ae: {  	[tilespmem:$0x6660] =	vst v7  }
0x1af: {  	[tilespmem:$0xCAE0] =	vst v2  }
0x1b0: {  	[tilespmem:$0x12F60] =	vst v2  }
0x1b1: {  	[tilespmem:$0x6670] =	vst v7  }
0x1b2: {  	[tilespmem:$0xCAF0] =	vst v2  }
0x1b3: {  	[tilespmem:$0x12F70] =	vst v2  }
0x1b4: {  	[tilespmem:$0x6680] =	vst v7  }
0x1b5: {  	[tilespmem:$0xCB00] =	vst v2  }
0x1b6: {  	[tilespmem:$0x12F80] =	vst v2  }
0x1b7: {  	[tilespmem:$0x6690] =	vst v7  }
0x1b8: {  	[tilespmem:$0xCB10] =	vst v2  }
0x1b9: {  	[tilespmem:$0x12F90] =	vst v2  }
0x1ba: {  	[tilespmem:$0x66A0] =	vst v7  }
0x1bb: {  	[tilespmem:$0xCB20] =	vst v2  }
0x1bc: {  	[tilespmem:$0x12FA0] =	vst v2  }
0x1bd: {  	[tilespmem:$0x66B0] =	vst v7  }
0x1be: {  	[tilespmem:$0xCB30] =	vst v2  }
0x1bf: {  	[tilespmem:$0x12FB0] =	vst v2  }
0x1c0: {  	[tilespmem:$0x66C0] =	vst v7  }
0x1c1: {  	[tilespmem:$0xCB40] =	vst v2  }
0x1c2: {  	[tilespmem:$0x12FC0] =	vst v2  }
0x1c3: {  	[tilespmem:$0x66D0] =	vst v7  }
0x1c4: {  	[tilespmem:$0xCB50] =	vst v2  }
0x1c5: {  	[tilespmem:$0x12FD0] =	vst v2  }
0x1c6: {  	[tilespmem:$0x66E0] =	vst v7  }
0x1c7: {  	[tilespmem:$0xCB60] =	vst v2  }
0x1c8: {  	[tilespmem:$0x12FE0] =	vst v2  }
0x1c9: {  	[tilespmem:$0x66F0] =	vst v7  }
0x1ca: {  	[tilespmem:$0xCB70] =	vst v2  }
0x1cb: {  	[tilespmem:$0x12FF0] =	vst v2  }
0x1cc: {  	[tilespmem:$0x6700] =	vst v7  }
0x1cd: {  	[tilespmem:$0xCB80] =	vst v2  }
0x1ce: {  	[tilespmem:$0x13000] =	vst v2  }
0x1cf: {  	[tilespmem:$0x6710] =	vst v7  }
0x1d0: {  	[tilespmem:$0xCB90] =	vst v2  }
0x1d1: {  	[tilespmem:$0x13010] =	vst v2  }
0x1d2: {  	[tilespmem:$0x6720] =	vst v7  }
0x1d3: {  	[tilespmem:$0xCBA0] =	vst v2  }
0x1d4: {  	[tilespmem:$0x13020] =	vst v2  }
0x1d5: {  	[tilespmem:$0x6730] =	vst v7  }
0x1d6: {  	[tilespmem:$0xCBB0] =	vst v2  }
0x1d7: {  	[tilespmem:$0x13030] =	vst v2  }
0x1d8: {  	[tilespmem:$0x6740] =	vst v7  }
0x1d9: {  	[tilespmem:$0xCBC0] =	vst v2  }
0x1da: {  	[tilespmem:$0x13040] =	vst v2  }
0x1db: {  	[tilespmem:$0x6750] =	vst v7  }
0x1dc: {  	[tilespmem:$0xCBD0] =	vst v2  }
0x1dd: {  	[tilespmem:$0x13050] =	vst v2  }
0x1de: {  	[tilespmem:$0x6760] =	vst v7  }
0x1df: {  	[tilespmem:$0xCBE0] =	vst v2  }
0x1e0: {  	[tilespmem:$0x13060] =	vst v2  }
0x1e1: {  	[tilespmem:$0x6770] =	vst v7  }
0x1e2: {  	[tilespmem:$0xCBF0] =	vst v2  }
0x1e3: {  	[tilespmem:$0x13070] =	vst v2  }
0x1e4: {  	[tilespmem:$0x6780] =	vst v7  }
0x1e5: {  	[tilespmem:$0xCC00] =	vst v2  }
0x1e6: {  	[tilespmem:$0x13080] =	vst v2  }
0x1e7: {  	[tilespmem:$0x6790] =	vst v7  }
0x1e8: {  	[tilespmem:$0xCC10] =	vst v2  }
0x1e9: {  	[tilespmem:$0x13090] =	vst v2  }
0x1ea: {  	[tilespmem:$0x67A0] =	vst v7  }
0x1eb: {  	[tilespmem:$0xCC20] =	vst v2  }
0x1ec: {  	[tilespmem:$0x130A0] =	vst v2  }
0x1ed: {  	[tilespmem:$0x67B0] =	vst v7  }
0x1ee: {  	[tilespmem:$0xCC30] =	vst v2  }
0x1ef: {  	[tilespmem:$0x130B0] =	vst v2  }
0x1f0: {  	[tilespmem:$0x67C0] =	vst v7  }
0x1f1: {  	[tilespmem:$0xCC40] =	vst v2  }
0x1f2: {  	[tilespmem:$0x130C0] =	vst v2;
	s0 =	sand.u32 $0xFFFFFFF8, s20  }
0x1f3: {  	[tilespmem:$0x67D0] =	vst v7;
	s20 =	sadd.s32 s23, s0  }
0x1f4: {  	[tilespmem:$0xCC50] =	vst v2;
	s21 =	ssub.s32 $0xC8000, s20  }
0x1f5: {  	[tilespmem:$0x130D0] =	vst v2;
	s0 =	sshra.s32 s21, $0xA  }
0x1f6: {  	[tilespmem:$0x67E0] =	vst v7;
	p1 =	slt.s32 s0, $0x1  }
.Ltmp25:
0x1f7: {  	[tilespmem:$0xCC60] =	vst v2;
	(pc) =	sbr.rel @p1 .LBB2_36-.Ltmp25, $4  }
0x1f8: {  	[tilespmem:$0x130E0] =	vst v2  }
0x1f9: {  	[tilespmem:$0x67F0] =	vst v7  }
0x1fa: {  	[tilespmem:$0xCC70] =	vst v2  }
0x1fb: {  	[tilespmem:$0x130F0] =	vst v2  }
0x1fc: {  	p2 =	sne.s32 s0, $0x1  }
.Ltmp26:
0x1fd: {  	_ = 	snop;
	(pc) =	sbr.rel @!p2 .LBB2_35-.Ltmp26, $2  }
0x1fe: {  	_ =	sdelay $0x2  }
0x1ff: {  	s0 =	sadd.s32 $0xFFFFFFFF, s0;
	s22 =	sshrl.u32 s20, $0x3;
	p1 =	por $0x0, $0x0  }
0x200: {  	s2 =	sadd.s32 s3, s22  }
0x201: {  	[hbm4b:s2+s5] =	stream.linear.scatter [tilespmem:s18], [sflag:$0x2], $0x400, $0x38;
	[tilespmem:$0x19200] =	vst v63  }
0x202: {  	_ =	swait.ge [sflag:s14], $0x400  }
0x203: {  	[sflag:s14] =	ssyncset.done $0x0  }
0x204: {  	s30 =	sadd.s32 s6, s22;
	[sflag:s14] =	ssyncadd.s32 $0xFFFFFC00  }
0x205: {  	[hbm4b:s30+s5] =	stream.linear.scatter [tilespmem:s16], [sflag:$0x2], $0x400, $0x38;
	[tilespmem:$0x19200] =	vst v63  }
0x206: {  	p2 =	sne.s32 s0, $0x1;
	_ =	swait.ge [sflag:s14], $0x400  }
.Ltmp27:
0x207: {  	[sflag:s14] =	ssyncset.done $0x0;
	(pc) =	sbr.rel @!p2 .LBB2_35-.Ltmp27, $4  }
0x208: {  	s31 =	sadd.s32 s7, s22;
	[sflag:s14] =	ssyncadd.s32 $0xFFFFFC00  }
0x209: {  	[hbm4b:s31+s5] =	stream.linear.scatter [tilespmem:s17], [sflag:$0x2], $0x400, $0x38;
	[tilespmem:$0x19200] =	vst v63  }
0x20a: {  	s0 =	sadd.s32 $0xFFFFFFFF, s0;
	s2 =	sadd.s32 $0x400, s20;
	_ =	swait.ge [sflag:s14], $0x400  }
0x20b: {  	p1 =	por $0x1, $0x1;
	s22 =	sshrl.u32 s2, $0x3;
	[sflag:s14] =	ssyncset.done $0x0  }
.LBB2_34:
0x20c: {  	p2 =	sne.s32 s0, $0x1;
	s4 =	sadd.s32 s3, s22;
	[sflag:s14] =	ssyncadd.s32 $0xFFFFFC00  }
0x20d: {  	[hbm4b:s4+s5] =	stream.linear.scatter [tilespmem:s18], [sflag:$0x2], $0x400, $0x38;
	[tilespmem:$0x19200] =	vst v63  }
0x20e: {  	s0 =	sadd.s32 $0xFFFFFFFF, s0;
	_ =	swait.ge [sflag:s14], $0x400  }
0x20f: {  	[sflag:s14] =	ssyncset.done $0x0  }
0x210: {  	s4 =	sadd.s32 s6, s22;
	[sflag:s14] =	ssyncadd.s32 $0xFFFFFC00  }
0x211: {  	[hbm4b:s4+s5] =	stream.linear.scatter [tilespmem:s16], [sflag:$0x2], $0x400, $0x38;
	[tilespmem:$0x19200] =	vst v63  }
0x212: {  	_ =	swait.ge [sflag:s14], $0x400  }
.Ltmp28:
0x213: {  	[sflag:s14] =	ssyncset.done $0x0;
	(pc) =	sbr.rel @p2 .LBB2_34-.Ltmp28, $4  }
0x214: {  	s4 =	sadd.s32 s7, s22;
	[sflag:s14] =	ssyncadd.s32 $0xFFFFFC00  }
0x215: {  	[hbm4b:s4+s5] =	stream.linear.scatter [tilespmem:s17], [sflag:$0x2], $0x400, $0x38;
	[tilespmem:$0x19200] =	vst v63  }
0x216: {  	s2 =	sadd.s32 $0x400, s2;
	_ =	swait.ge [sflag:s14], $0x400  }
0x217: {  	s22 =	sshrl.u32 s2, $0x3;
	[sflag:s14] =	ssyncset.done $0x0  }
.LBB2_35:
0x218: {  	s0 =	sadd.s32 s3, s22;
	[sflag:s14] =	ssyncadd.s32 @p1 $0xFFFFFC00  }
0x219: {  	[hbm4b:s0+s5] =	stream.linear.scatter [tilespmem:s18], [sflag:$0x2], $0x400, $0x38;
	[tilespmem:$0x19200] =	vst v63  }
0x21a: {  	_ =	swait.ge [sflag:s14], $0x400  }
0x21b: {  	[sflag:s14] =	ssyncset.done $0x0  }
0x21c: {  	s30 =	sadd.s32 s6, s22;
	[sflag:s14] =	ssyncadd.s32 $0xFFFFFC00  }
0x21d: {  	[hbm4b:s30+s5] =	stream.linear.scatter [tilespmem:s16], [sflag:$0x2], $0x400, $0x38;
	[tilespmem:$0x19200] =	vst v63  }
0x21e: {  	_ =	swait.ge [sflag:s14], $0x400  }
0x21f: {  	[sflag:s14] =	ssyncset.done $0x0  }
0x220: {  	s31 =	sadd.s32 s7, s22;
	[sflag:s14] =	ssyncadd.s32 $0xFFFFFC00  }
0x221: {  	[hbm4b:s31+s5] =	stream.linear.scatter [tilespmem:s17], [sflag:$0x2], $0x400, $0x38;
	[tilespmem:$0x19200] =	vst v63  }
0x222: {  	_ =	swait.ge [sflag:s14], $0x400  }
0x223: {  	[sflag:s14] =	ssyncset.done $0x0  }
0x224: {  	[sflag:s14] =	ssyncadd.s32 $0xFFFFFC00  }
.LBB2_36:
0x225: {  	s0 =	sshrl.u32 s21, $0x3  }
0x226: {  	s0 =	sand.u32 $0x7F, s0  }
0x227: {  	p1 =	seq.s32 s0, $0x0  }
.Ltmp29:
0x228: {  	_ = 	snop;
	(pc) =	sbr.rel @p1 .LBB2_41-.Ltmp29, $2  }
0x229: {  	_ =	sdelay $0x2  }
0x22a: {  	s13 =	rddreg [dreg:$0x1];
	s22 =	simm.s32 $0x19180  }
0x22b: {  	s0 =	ssub.s32 $0x0, s0  }
0x22c: {  	s0 =	sadd.s32 $0x1, s0  }
0x22d: {  	p2 =	seq.s32 s0, $0x0  }
.Ltmp30:
0x22e: {  	_ = 	snop;
	(pc) =	sbr.rel @p2 .LBB2_40-.Ltmp30, $4  }
0x22f: {  	s2 =	sand.u32 $0xFFFFFC00, s21  }
0x230: {  	s2 =	sadd.s32 s20, s2  }
0x231: {  	s2 =	sshrl.u32 s2, $0x3  }
0x232: {  	p1 =	por $0x0, $0x0;
	s20 =	sand.u32 $0x1FFFFFFF, s2  }
0x233: {  	s4 =	sadd.s32 s3, s20  }
0x234: {  	[hbm4b:s4+s5] =	stream.linear.scatter [tilespmem:s18], [sflag:$0x2], $0x8, $0x38;
	[tilespmem:$0x19200] =	vst v63  }
0x235: {  	_ =	swait.ge [sflag:s14], $0x8  }
0x236: {  	[sflag:s14] =	ssyncset.done $0x0  }
0x237: {  	s30 =	sadd.s32 s6, s20;
	s0 =	sadd.s32 $0x1, s0;
	[sflag:s14] =	ssyncadd.s32 $0xFFFFFFF8  }
0x238: {  	[hbm4b:s30+s5] =	stream.linear.scatter [tilespmem:s16], [sflag:$0x2], $0x8, $0x38;
	[tilespmem:$0x19200] =	vst v63  }
0x239: {  	p2 =	seq.s32 s0, $0x0;
	_ =	swait.ge [sflag:s14], $0x8  }
.Ltmp31:
0x23a: {  	[sflag:s14] =	ssyncset.done $0x0;
	(pc) =	sbr.rel @p2 .LBB2_40-.Ltmp31, $4  }
0x23b: {  	s31 =	sadd.s32 s7, s20;
	[sflag:s14] =	ssyncadd.s32 $0xFFFFFFF8  }
0x23c: {  	[hbm4b:s31+s5] =	stream.linear.scatter [tilespmem:s17], [sflag:$0x2], $0x8, $0x38;
	[tilespmem:$0x19200] =	vst v63  }
0x23d: {  	s2 =	sadd.s32 $0x1, s2;
	_ =	swait.ge [sflag:s14], $0x8  }
0x23e: {  	p1 =	por $0x1, $0x1;
	s20 =	sand.u32 $0x1FFFFFFF, s2;
	[sflag:s14] =	ssyncset.done $0x0  }
.LBB2_39:
0x23f: {  	s0 =	sadd.s32 $0x1, s0;
	s4 =	sadd.s32 s3, s20;
	[sflag:s14] =	ssyncadd.s32 $0xFFFFFFF8  }
0x240: {  	[hbm4b:s4+s5] =	stream.linear.scatter [tilespmem:s18], [sflag:$0x2], $0x8, $0x38;
	[tilespmem:$0x19200] =	vst v63  }
0x241: {  	p2 =	seq.s32 s0, $0x0;
	_ =	swait.ge [sflag:s14], $0x8  }
0x242: {  	[sflag:s14] =	ssyncset.done $0x0  }
0x243: {  	s4 =	sadd.s32 s6, s20;
	[sflag:s14] =	ssyncadd.s32 $0xFFFFFFF8  }
0x244: {  	[hbm4b:s4+s5] =	stream.linear.scatter [tilespmem:s16], [sflag:$0x2], $0x8, $0x38;
	[tilespmem:$0x19200] =	vst v63  }
0x245: {  	_ =	swait.ge [sflag:s14], $0x8  }
.Ltmp32:
0x246: {  	[sflag:s14] =	ssyncset.done $0x0;
	(pc) =	sbr.rel @!p2 .LBB2_39-.Ltmp32, $4  }
0x247: {  	s4 =	sadd.s32 s7, s20;
	[sflag:s14] =	ssyncadd.s32 $0xFFFFFFF8  }
0x248: {  	[hbm4b:s4+s5] =	stream.linear.scatter [tilespmem:s17], [sflag:$0x2], $0x8, $0x38;
	[tilespmem:$0x19200] =	vst v63  }
0x249: {  	s2 =	sadd.s32 $0x1, s2;
	_ =	swait.ge [sflag:s14], $0x8  }
0x24a: {  	s20 =	sand.u32 $0x1FFFFFFF, s2;
	[sflag:s14] =	ssyncset.done $0x0  }
.LBB2_40:
0x24b: {  	s0 =	sadd.s32 s3, s20;
	[sflag:s14] =	ssyncadd.s32 @p1 $0xFFFFFFF8  }
0x24c: {  	[hbm4b:s0+s5] =	stream.linear.scatter [tilespmem:s18], [sflag:$0x2], $0x8, $0x38;
	[tilespmem:$0x19200] =	vst v63  }
0x24d: {  	_ =	swait.ge [sflag:s14], $0x8  }
0x24e: {  	[sflag:s14] =	ssyncset.done $0x0  }
0x24f: {  	s30 =	sadd.s32 s6, s20;
	[sflag:s14] =	ssyncadd.s32 $0xFFFFFFF8  }
0x250: {  	[hbm4b:s30+s5] =	stream.linear.scatter [tilespmem:s16], [sflag:$0x2], $0x8, $0x38;
	[tilespmem:$0x19200] =	vst v63  }
0x251: {  	_ =	swait.ge [sflag:s14], $0x8  }
0x252: {  	[sflag:s14] =	ssyncset.done $0x0  }
.Ltmp33:
0x253: {  	s31 =	sadd.s32 s7, s20;
	[sflag:s14] =	ssyncadd.s32 $0xFFFFFFF8;
	(pc) =	sbr.rel .LBB2_41-.Ltmp33, $4  }
0x254: {  	[hbm4b:s31+s5] =	stream.linear.scatter [tilespmem:s17], [sflag:$0x2], $0x8, $0x38;
	[tilespmem:$0x19200] =	vst v63  }
0x255: {  	_ =	swait.ge [sflag:s14], $0x8  }
0x256: {  	[sflag:s14] =	ssyncset.done $0x0  }
0x257: {  	[sflag:s14] =	ssyncadd.s32 $0xFFFFFFF8  }
.LBB2_26:
.Ltmp34:
0x258: {  	(pc) =	sbr.rel .LBB2_30-.Ltmp34, $2  }
0x259: {  	_ =	sdelay $0x2  }
0x25a: {  	s4 =	smov.u32 s21  }
.LBB2_28:
.Ltmp35:
0x25b: {  	(pc) =	sbr.rel .LBB2_30-.Ltmp35, $2  }
0x25c: {  	_ =	sdelay $0x2  }
0x25d: {  	s4 =	smov.u32 s21  }
.LBB2_42:
0x25e: {  	_ =	sfence.sel $0x180000  }
0x25f: {  	[bflag:$0x0] =	sbarrier.arrive $0xFFFF  }
0x260: {  	_ =	strace $0x90000047  }
0x261: {  	s0 =	stileid.u32;
	[bflag:$0x2] =	sbarrier.arrive $0xFFFF  }
0x262: {  	p0 =	sne.s32 s0, $0x0;
	s0 =	rddreg [dreg:$0x4]  }
0x263: {  	s0 =	sadd.s32 @!p0 $0x100000, s0  }
0x264: {  	[sflag:s0] =	ssyncadd.tile.s32 @!p0 $0x1;
	_ =	shalt  }
.Lfunc_end2:
_tile_overlayer_lowered:
.L_overlay_start_2:
0x265: {  	(tag) =	ssettag $0x2  }
0x266: {  	s0 =	rddreg [dreg:$0x0];
	s2 =	stileid.u32  }
0x267: {  	s1 =	rddreg [dreg:$0x1];
	p0 =	sne.s32 s2, $0x0  }
0x268: {  	s3 =	rddreg [dreg:$0x2];
	[bflag:$0x3] =	sbarrier.arrive $0xFFFF;
	s2 =	simm.s32 @!p0 $0x1C02  }
0x269: {  	[timem:s3], [sflag:s2] =	dma.local @!p0 [hbm:s0], s1  }
0x26a: {  	s0 =	simm.s32 @!p0 $0x2  }
0x26b: {  	_ =	swait.ge @!p0 [sflag:s0], s1  }
0x26c: {  	s1 =	ssub.s32 @!p0 $0x0, s1;
	[sflag:s0] =	ssyncset.done @!p0 $0x0  }
0x26d: {  	[sflag:s0] =	ssyncadd.s32 @!p0 s1  }
0x26e: {  	[bflag:$0x3] =	sbarrier.arrive $0xFFFF  }
0x26f: {  	_ =	shalt  }

</sc_bundles>
